<compile_context>
chip_gen: v7x
topology: tpu7x:2x2x1
jax: 0.10.2.dev20260603
libtpu: 0.0.44.dev20260713+nightly
codegen_flags: <defaults>
</compile_context>

<pallas_src>
import functools

import jax
import jax.numpy as jnp
from jax import lax
from jax.experimental import pallas as pl
from jax.experimental.pallas import tpu as pltpu
from jax.experimental.pallas import tpu_sc as plsc

G = 8
EPS = 1e-06
L = 16
NW = 32
D = 512
VPR = D // L


def _shuffle(v, idx):
    return v.at[idx].get(mode="promise_in_bounds")


def _process_row(ibuf, obuf, r):
    lane = lax.broadcasted_iota(jnp.int32, (L,), 0)
    vecs = [ibuf[r, pl.ds(i * L, L)] for i in range(VPR)]
    v0 = vecs[0]
    masked = jnp.where(lane < G, v0, -1.0)
    m = masked
    for sh in (1, 2, 4):
        m = jnp.maximum(m, _shuffle(m, lane ^ sh))
    cand = jnp.where((masked == m) & (lane < G), lane, L)
    s = cand
    for sh in (1, 2, 4, 8):
        s = jnp.minimum(s, _shuffle(s, lane ^ sh))
    perm = (lane & ~(G - 1)) | ((lane + s) & (G - 1))

    accs = [None] * 4
    for i in range(VPR):
        sq = vecs[i] * vecs[i]
        a = i % 4
        accs[a] = sq if accs[a] is None else accs[a] + sq
    ssv = (accs[0] + accs[1]) + (accs[2] + accs[3])
    for sh in (1, 2, 4, 8):
        ssv = ssv + _shuffle(ssv, lane ^ sh)
    y = lax.bitcast_convert_type(
        jnp.int32(0x5F3759DF) - (lax.bitcast_convert_type(ssv, jnp.int32) >> 1),
        jnp.float32)
    for _ in range(2):
        y = y * (1.5 - 0.5 * ssv * y * y)
    inv = 1.0 / (ssv * y + EPS)
    for i in range(VPR):
        obuf[r, pl.ds(i * L, L)] = _shuffle(vecs[i], perm) * inv


def _sc_kernel(rows_per_w, ch):
    nchunk = rows_per_w // ch
    n2 = nchunk // 2
    mesh = plsc.VectorSubcoreMesh(core_axis_name="c", subcore_axis_name="s")

    @functools.partial(
        pl.kernel,
        out_type=jax.ShapeDtypeStruct((NW * rows_per_w, D), jnp.float32),
        mesh=mesh,
        scratch_types=[
            pltpu.VMEM((ch, D), jnp.float32),
            pltpu.VMEM((ch, D), jnp.float32),
            pltpu.VMEM((ch, D), jnp.float32),
            pltpu.VMEM((ch, D), jnp.float32),
            pltpu.SemaphoreType.DMA((2,)),
            pltpu.SemaphoreType.DMA((2,)),
        ],
    )
    def k(desc_hbm, out_hbm, ibuf0, ibuf1, obuf0, obuf1, sem_in, sem_out):
        wid = lax.axis_index("c") * 16 + lax.axis_index("s")
        base = wid * rows_per_w
        ibufs = (ibuf0, ibuf1)
        obufs = (obuf0, obuf1)

        def in_copy(c, b):
            return pltpu.make_async_copy(
                desc_hbm.at[pl.ds(base + c * ch, ch)], ibufs[b], sem_in.at[b])

        def out_copy(c, b):
            return pltpu.make_async_copy(
                obufs[b], out_hbm.at[pl.ds(base + c * ch, ch)], sem_out.at[b])

        in_copy(0, 0).start()
        in_copy(1, 1).start()

        def pair_body(c2, carry):
            for b in range(2):
                c = 2 * c2 + b
                in_copy(c, b).wait()

                @pl.when(c2 > 0)
                def _():
                    out_copy(c - 2, b).wait()

                def row_body(r, rc):
                    _process_row(ibufs[b], obufs[b], r)
                    return rc

                lax.fori_loop(0, ch, row_body, 0)

                @pl.when(c2 < n2 - 1)
                def _():
                    in_copy(c + 2, b).start()

                out_copy(c, b).start()
            return carry

        lax.fori_loop(0, n2, pair_body, 0)
        out_copy(nchunk - 2, 0).wait()
        out_copy(nchunk - 1, 1).wait()

    return k


def kernel(kpts, desc):
    B, K, CG = desc.shape
    rows = B * K
    d2 = desc.reshape(rows, CG)
    out = _sc_kernel(rows // NW, 32)(d2)
    return kpts, out.reshape(B, K, CG)

# --- scband reference (transcript-rebuilt; emitter-appended) ---
"""Pipeline reference for scband-redfm-15676630630653 (READ-ONLY COPY).

The authoritative reference and input builder live on the scoring server;
editing this copy changes nothing except your own understanding.
"""

import jax, jax.numpy as jnp
import numpy as np

G = 8      # num_group from init args
TOPK = 1   # candidate = 'top1'
EPS = 1e-06


def setup_inputs(seed: int = 0) -> dict:
    key = jax.random.key(seed)
    k1, k2 = jax.random.split(key)
    kpts = jax.random.normal(k1, (4, 8192, 2), dtype=jnp.float32)
    # descriptors are expected to be non-negative (e.g. post-ReLU activations)
    desc = jax.random.uniform(k2, (4, 8192, 512), dtype=jnp.float32)
    return {"kpts": kpts, "desc": desc}


def reference(kpts, desc):
    # DescGroupPoolandNorm.desc_pool_and_norm_infer with pool='shift',
    # candidate='top1', norm='l2' (the configuration hard-coded in __init__).
    B, K, CG = desc.shape
    C = CG // G
    d4 = desc.reshape(B, K, C, G)
    # torch.topk(desc[:, :, 0, :], k=1, dim=2)[1] -> shift index per keypoint
    shifts = jax.lax.top_k(d4[:, :, 0, :], TOPK)[1]          # [B, K, TOPK] int32
    d_flat = d4.reshape(B * K, C, G)
    s_flat = shifts.reshape(B * K * TOPK)                    # TOPK == 1
    # torch.roll(d, shifts=-s, dims=-1): out[j] = d[(j + s) % G]
    idx = (jnp.arange(G)[None, :] + s_flat[:, None]) % G      # [B*K, G]
    idx = jnp.broadcast_to(idx[:, None, :], (B * K, C, G))
    rolled = jnp.take_along_axis(d_flat, idx, axis=2)         # [B*K, C, G]
    # reshape(topk, B, K, C, G).transpose(0, 1).reshape(B, topk*K, CG);
    # with TOPK == 1 this collapses to a plain reshape
    desc_update = rolled.reshape(B, TOPK * K, CG)
    kpts_update = jnp.tile(kpts, (1, TOPK, 1))                # kpts.repeat(1, topk, 1)
    # L2Norm
    norm = jnp.linalg.norm(desc_update, ord=2, axis=-1) + EPS
    desc_update = desc_update / norm[..., None]
    return kpts_update, desc_update

if __name__ == "__main__":
    import jax
    _d = setup_inputs()
    print(jax.jit(kernel)(*tuple(_d.values())))

</pallas_src>

<mosaic_0001>
#map = affine_map<(d0, d1) -> (0, 0)>
module attributes {stable_mosaic.version = 14 : i64} {
  func.func @k(%arg0: i32, %arg1: i32, %arg2: memref<32768x512xf32, #tpu.memory_space<hbm>>, %arg3: memref<32768x512xf32, #tpu.memory_space<hbm>>, %arg4: memref<32x512xf32, #tpu.memory_space<vmem>>, %arg5: memref<32x512xf32, #tpu.memory_space<vmem>>, %arg6: memref<32x512xf32, #tpu.memory_space<vmem>>, %arg7: memref<32x512xf32, #tpu.memory_space<vmem>>, %arg8: memref<2x!tpu.dma_semaphore, #tpu.memory_space<semaphore_mem>>, %arg9: memref<2x!tpu.dma_semaphore, #tpu.memory_space<semaphore_mem>>) attributes {dimension_semantics = [#tpu.dimension_semantics<core_parallel>, #tpu.dimension_semantics<subcore_parallel>], iteration_bounds = array<i64: 2, 16>, scalar_prefetch = 0 : i64, scratch_operands = 6 : i64, tpu.core_type = #tpu.core_type<sc_vector_subcore>, window_params = [{transform_indices = #map}, {transform_indices = #map}]} {
    %mul3A = arith.constant 16 : i32
    %mul3A_0 = arith.muli %arg0, %mul3A : i32
    %add3A = arith.addi %mul3A_0, %arg1 : i32
    %mul3A_1 = arith.constant 1024 : i32
    %mul3A_2 = arith.muli %add3A, %mul3A_1 : i32
    %add3A_3 = arith.constant 0 : i32
    %add3A_4 = arith.addi %mul3A_2, %add3A_3 : i32
    %dma_start3A = arith.constant 0 : i32
    %dma_start3A_5 = arith.constant 0 : i32
    %dma_start3A_6 = tpu.memref_slice %arg2[%add3A_4, %dma_start3A_5] : memref<32768x512xf32, #tpu.memory_space<hbm>> -> memref<32x512xf32, #tpu.memory_space<hbm>>
    %dma_start3A_7 = tpu.memref_slice %arg8[%dma_start3A] : memref<2x!tpu.dma_semaphore, #tpu.memory_space<semaphore_mem>> -> memref<1x!tpu.dma_semaphore, #tpu.memory_space<semaphore_mem>>
    %dma_start3A_8 = tpu.memref_squeeze %dma_start3A_7 : memref<1x!tpu.dma_semaphore, #tpu.memory_space<semaphore_mem>> -> memref<!tpu.dma_semaphore, #tpu.memory_space<semaphore_mem>>
    %dma_start3A_9 = arith.constant 0 : i32
    %dma_start3A_10 = tpu.memref_slice %arg2[%add3A_4, %dma_start3A_9] : memref<32768x512xf32, #tpu.memory_space<hbm>> -> memref<32x512xf32, #tpu.memory_space<hbm>>
    tpu.enqueue_dma source(%dma_start3A_10 : memref<32x512xf32, #tpu.memory_space<hbm>>) target(%arg4 : memref<32x512xf32, #tpu.memory_space<vmem>>) target_semaphore(%dma_start3A_8 : memref<!tpu.dma_semaphore, #tpu.memory_space<semaphore_mem>>)
    %add3A_11 = arith.constant 32 : i32
    %add3A_12 = arith.addi %mul3A_2, %add3A_11 : i32
    %dma_start3A_13 = arith.constant 1 : i32
    %dma_start3A_14 = arith.constant 0 : i32
    %dma_start3A_15 = tpu.memref_slice %arg2[%add3A_12, %dma_start3A_14] : memref<32768x512xf32, #tpu.memory_space<hbm>> -> memref<32x512xf32, #tpu.memory_space<hbm>>
    %dma_start3A_16 = tpu.memref_slice %arg8[%dma_start3A_13] : memref<2x!tpu.dma_semaphore, #tpu.memory_space<semaphore_mem>> -> memref<1x!tpu.dma_semaphore, #tpu.memory_space<semaphore_mem>>
    %dma_start3A_17 = tpu.memref_squeeze %dma_start3A_16 : memref<1x!tpu.dma_semaphore, #tpu.memory_space<semaphore_mem>> -> memref<!tpu.dma_semaphore, #tpu.memory_space<semaphore_mem>>
    %dma_start3A_18 = arith.constant 0 : i32
    %dma_start3A_19 = tpu.memref_slice %arg2[%add3A_12, %dma_start3A_18] : memref<32768x512xf32, #tpu.memory_space<hbm>> -> memref<32x512xf32, #tpu.memory_space<hbm>>
    tpu.enqueue_dma source(%dma_start3A_19 : memref<32x512xf32, #tpu.memory_space<hbm>>) target(%arg5 : memref<32x512xf32, #tpu.memory_space<vmem>>) target_semaphore(%dma_start3A_17 : memref<!tpu.dma_semaphore, #tpu.memory_space<semaphore_mem>>)
    %scan3A = arith.constant 0 : i32
    %scan3A_20 = arith.constant 0 : i32
    %scan3A_21 = arith.constant 16 : i32
    %scan3A_22 = arith.addi %scan3A_20, %scan3A_21 : i32
    %scan3A_23 = arith.constant 1 : i32
    scf.for %scan3A_42 = %scan3A_20 to %scan3A_22 step %scan3A_23  : i32 {
      %mul3A_43 = arith.constant 2 : i32
      %mul3A_44 = arith.muli %mul3A_43, %scan3A_42 : i32
      %add3A_45 = arith.constant 0 : i32
      %add3A_46 = arith.addi %mul3A_44, %add3A_45 : i32
      %mul3A_47 = arith.constant 32 : i32
      %mul3A_48 = arith.muli %add3A_46, %mul3A_47 : i32
      %add3A_49 = arith.addi %mul3A_2, %mul3A_48 : i32
      %dma_wait3A_50 = arith.constant 0 : i32
      %dma_wait3A_51 = arith.constant 0 : i32
      %dma_wait3A_52 = tpu.memref_slice %arg2[%add3A_49, %dma_wait3A_51] : memref<32768x512xf32, #tpu.memory_space<hbm>> -> memref<32x512xf32, #tpu.memory_space<hbm>>
      %dma_wait3A_53 = tpu.memref_slice %arg8[%dma_wait3A_50] : memref<2x!tpu.dma_semaphore, #tpu.memory_space<semaphore_mem>> -> memref<1x!tpu.dma_semaphore, #tpu.memory_space<semaphore_mem>>
      %dma_wait3A_54 = tpu.memref_squeeze %dma_wait3A_53 : memref<1x!tpu.dma_semaphore, #tpu.memory_space<semaphore_mem>> -> memref<!tpu.dma_semaphore, #tpu.memory_space<semaphore_mem>>
      %dma_wait3A_55 = arith.constant 0 : i32
      %dma_wait3A_56 = tpu.memref_slice %arg2[%add3A_49, %dma_wait3A_55] : memref<32768x512xf32, #tpu.memory_space<hbm>> -> memref<32x512xf32, #tpu.memory_space<hbm>>
      tpu.wait_dma2 semaphore(%dma_wait3A_54 : memref<!tpu.dma_semaphore, #tpu.memory_space<semaphore_mem>>) src(%dma_wait3A_56 : memref<32x512xf32, #tpu.memory_space<hbm>>) dst(%arg4 : memref<32x512xf32, #tpu.memory_space<vmem>>)
      %gt3A = arith.constant 0 : i32
      %gt3A_57 = arith.cmpi sgt, %scan3A_42, %gt3A : i32
      %convert_element_type3A = arith.extui %gt3A_57 : i1 to i32
      %cond3A = arith.constant 0 : i32
      %cond3A_58 = arith.cmpi ne, %convert_element_type3A, %cond3A : i32
      scf.if %cond3A_58 {
        %sub3A = arith.constant 2 : i32
        %sub3A_119 = arith.subi %add3A_46, %sub3A : i32
        %mul3A_120 = arith.constant 32 : i32
        %mul3A_121 = arith.muli %sub3A_119, %mul3A_120 : i32
        %add3A_122 = arith.addi %mul3A_2, %mul3A_121 : i32
        %dma_wait3A_123 = arith.constant 0 : i32
        %dma_wait3A_124 = arith.constant 0 : i32
        %dma_wait3A_125 = tpu.memref_slice %arg3[%add3A_122, %dma_wait3A_124] : memref<32768x512xf32, #tpu.memory_space<hbm>> -> memref<32x512xf32, #tpu.memory_space<hbm>>
        %dma_wait3A_126 = tpu.memref_slice %arg9[%dma_wait3A_123] : memref<2x!tpu.dma_semaphore, #tpu.memory_space<semaphore_mem>> -> memref<1x!tpu.dma_semaphore, #tpu.memory_space<semaphore_mem>>
        %dma_wait3A_127 = tpu.memref_squeeze %dma_wait3A_126 : memref<1x!tpu.dma_semaphore, #tpu.memory_space<semaphore_mem>> -> memref<!tpu.dma_semaphore, #tpu.memory_space<semaphore_mem>>
        %dma_wait3A_128 = arith.constant 0 : i32
        %dma_wait3A_129 = tpu.memref_slice %arg3[%add3A_122, %dma_wait3A_128] : memref<32768x512xf32, #tpu.memory_space<hbm>> -> memref<32x512xf32, #tpu.memory_space<hbm>>
        tpu.wait_dma2 semaphore(%dma_wait3A_127 : memref<!tpu.dma_semaphore, #tpu.memory_space<semaphore_mem>>) src(%arg6 : memref<32x512xf32, #tpu.memory_space<vmem>>) dst(%dma_wait3A_129 : memref<32x512xf32, #tpu.memory_space<hbm>>)
      } else {
      }
      %scan3A_59 = arith.constant 0 : i32
      %scan3A_60 = arith.constant 0 : i32
      %scan3A_61 = arith.constant 32 : i32
      %scan3A_62 = arith.addi %scan3A_60, %scan3A_61 : i32
      %scan3A_63 = arith.constant 1 : i32
      scf.for %scan3A_119 = %scan3A_60 to %scan3A_62 step %scan3A_63  : i32 {
        %iota3A = tpu.iota {dimensions = array<i32: 0>} : vector<16xi32>
        %get3A = arith.index_cast %scan3A_119 : i32 to index
        %get3A_120 = arith.constant 0 : index
        %get3A_121 = tpu.vector_load %arg4[%get3A, %get3A_120] {strides = array<i32>} : memref<32x512xf32, #tpu.memory_space<vmem>>, vector<1x16xf32>,
        %get3A_122 = vector.shape_cast %get3A_121 : vector<1x16xf32> to vector<16xf32>
        %get3A_123 = arith.index_cast %scan3A_119 : i32 to index
        %get3A_124 = arith.constant 16 : index
        %get3A_125 = tpu.vector_load %arg4[%get3A_123, %get3A_124] {strides = array<i32>} : memref<32x512xf32, #tpu.memory_space<vmem>>, vector<1x16xf32>,
        %get3A_126 = vector.shape_cast %get3A_125 : vector<1x16xf32> to vector<16xf32>
        %get3A_127 = arith.index_cast %scan3A_119 : i32 to index
        %get3A_128 = arith.constant 32 : index
        %get3A_129 = tpu.vector_load %arg4[%get3A_127, %get3A_128] {strides = array<i32>} : memref<32x512xf32, #tpu.memory_space<vmem>>, vector<1x16xf32>,
        %get3A_130 = vector.shape_cast %get3A_129 : vector<1x16xf32> to vector<16xf32>
        %get3A_131 = arith.index_cast %scan3A_119 : i32 to index
        %get3A_132 = arith.constant 48 : index
        %get3A_133 = tpu.vector_load %arg4[%get3A_131, %get3A_132] {strides = array<i32>} : memref<32x512xf32, #tpu.memory_space<vmem>>, vector<1x16xf32>,
        %get3A_134 = vector.shape_cast %get3A_133 : vector<1x16xf32> to vector<16xf32>
        %get3A_135 = arith.index_cast %scan3A_119 : i32 to index
        %get3A_136 = arith.constant 64 : index
        %get3A_137 = tpu.vector_load %arg4[%get3A_135, %get3A_136] {strides = array<i32>} : memref<32x512xf32, #tpu.memory_space<vmem>>, vector<1x16xf32>,
        %get3A_138 = vector.shape_cast %get3A_137 : vector<1x16xf32> to vector<16xf32>
        %get3A_139 = arith.index_cast %scan3A_119 : i32 to index
        %get3A_140 = arith.constant 80 : index
        %get3A_141 = tpu.vector_load %arg4[%get3A_139, %get3A_140] {strides = array<i32>} : memref<32x512xf32, #tpu.memory_space<vmem>>, vector<1x16xf32>,
        %get3A_142 = vector.shape_cast %get3A_141 : vector<1x16xf32> to vector<16xf32>
        %get3A_143 = arith.index_cast %scan3A_119 : i32 to index
        %get3A_144 = arith.constant 96 : index
        %get3A_145 = tpu.vector_load %arg4[%get3A_143, %get3A_144] {strides = array<i32>} : memref<32x512xf32, #tpu.memory_space<vmem>>, vector<1x16xf32>,
        %get3A_146 = vector.shape_cast %get3A_145 : vector<1x16xf32> to vector<16xf32>
        %get3A_147 = arith.index_cast %scan3A_119 : i32 to index
        %get3A_148 = arith.constant 112 : index
        %get3A_149 = tpu.vector_load %arg4[%get3A_147, %get3A_148] {strides = array<i32>} : memref<32x512xf32, #tpu.memory_space<vmem>>, vector<1x16xf32>,
        %get3A_150 = vector.shape_cast %get3A_149 : vector<1x16xf32> to vector<16xf32>
        %get3A_151 = arith.index_cast %scan3A_119 : i32 to index
        %get3A_152 = arith.constant 128 : index
        %get3A_153 = tpu.vector_load %arg4[%get3A_151, %get3A_152] {strides = array<i32>} : memref<32x512xf32, #tpu.memory_space<vmem>>, vector<1x16xf32>,
        %get3A_154 = vector.shape_cast %get3A_153 : vector<1x16xf32> to vector<16xf32>
        %get3A_155 = arith.index_cast %scan3A_119 : i32 to index
        %get3A_156 = arith.constant 144 : index
        %get3A_157 = tpu.vector_load %arg4[%get3A_155, %get3A_156] {strides = array<i32>} : memref<32x512xf32, #tpu.memory_space<vmem>>, vector<1x16xf32>,
        %get3A_158 = vector.shape_cast %get3A_157 : vector<1x16xf32> to vector<16xf32>
        %get3A_159 = arith.index_cast %scan3A_119 : i32 to index
        %get3A_160 = arith.constant 160 : index
        %get3A_161 = tpu.vector_load %arg4[%get3A_159, %get3A_160] {strides = array<i32>} : memref<32x512xf32, #tpu.memory_space<vmem>>, vector<1x16xf32>,
        %get3A_162 = vector.shape_cast %get3A_161 : vector<1x16xf32> to vector<16xf32>
        %get3A_163 = arith.index_cast %scan3A_119 : i32 to index
        %get3A_164 = arith.constant 176 : index
        %get3A_165 = tpu.vector_load %arg4[%get3A_163, %get3A_164] {strides = array<i32>} : memref<32x512xf32, #tpu.memory_space<vmem>>, vector<1x16xf32>,
        %get3A_166 = vector.shape_cast %get3A_165 : vector<1x16xf32> to vector<16xf32>
        %get3A_167 = arith.index_cast %scan3A_119 : i32 to index
        %get3A_168 = arith.constant 192 : index
        %get3A_169 = tpu.vector_load %arg4[%get3A_167, %get3A_168] {strides = array<i32>} : memref<32x512xf32, #tpu.memory_space<vmem>>, vector<1x16xf32>,
        %get3A_170 = vector.shape_cast %get3A_169 : vector<1x16xf32> to vector<16xf32>
        %get3A_171 = arith.index_cast %scan3A_119 : i32 to index
        %get3A_172 = arith.constant 208 : index
        %get3A_173 = tpu.vector_load %arg4[%get3A_171, %get3A_172] {strides = array<i32>} : memref<32x512xf32, #tpu.memory_space<vmem>>, vector<1x16xf32>,
        %get3A_174 = vector.shape_cast %get3A_173 : vector<1x16xf32> to vector<16xf32>
        %get3A_175 = arith.index_cast %scan3A_119 : i32 to index
        %get3A_176 = arith.constant 224 : index
        %get3A_177 = tpu.vector_load %arg4[%get3A_175, %get3A_176] {strides = array<i32>} : memref<32x512xf32, #tpu.memory_space<vmem>>, vector<1x16xf32>,
        %get3A_178 = vector.shape_cast %get3A_177 : vector<1x16xf32> to vector<16xf32>
        %get3A_179 = arith.index_cast %scan3A_119 : i32 to index
        %get3A_180 = arith.constant 240 : index
        %get3A_181 = tpu.vector_load %arg4[%get3A_179, %get3A_180] {strides = array<i32>} : memref<32x512xf32, #tpu.memory_space<vmem>>, vector<1x16xf32>,
        %get3A_182 = vector.shape_cast %get3A_181 : vector<1x16xf32> to vector<16xf32>
        %get3A_183 = arith.index_cast %scan3A_119 : i32 to index
        %get3A_184 = arith.constant 256 : index
        %get3A_185 = tpu.vector_load %arg4[%get3A_183, %get3A_184] {strides = array<i32>} : memref<32x512xf32, #tpu.memory_space<vmem>>, vector<1x16xf32>,
        %get3A_186 = vector.shape_cast %get3A_185 : vector<1x16xf32> to vector<16xf32>
        %get3A_187 = arith.index_cast %scan3A_119 : i32 to index
        %get3A_188 = arith.constant 272 : index
        %get3A_189 = tpu.vector_load %arg4[%get3A_187, %get3A_188] {strides = array<i32>} : memref<32x512xf32, #tpu.memory_space<vmem>>, vector<1x16xf32>,
        %get3A_190 = vector.shape_cast %get3A_189 : vector<1x16xf32> to vector<16xf32>
        %get3A_191 = arith.index_cast %scan3A_119 : i32 to index
        %get3A_192 = arith.constant 288 : index
        %get3A_193 = tpu.vector_load %arg4[%get3A_191, %get3A_192] {strides = array<i32>} : memref<32x512xf32, #tpu.memory_space<vmem>>, vector<1x16xf32>,
        %get3A_194 = vector.shape_cast %get3A_193 : vector<1x16xf32> to vector<16xf32>
        %get3A_195 = arith.index_cast %scan3A_119 : i32 to index
        %get3A_196 = arith.constant 304 : index
        %get3A_197 = tpu.vector_load %arg4[%get3A_195, %get3A_196] {strides = array<i32>} : memref<32x512xf32, #tpu.memory_space<vmem>>, vector<1x16xf32>,
        %get3A_198 = vector.shape_cast %get3A_197 : vector<1x16xf32> to vector<16xf32>
        %get3A_199 = arith.index_cast %scan3A_119 : i32 to index
        %get3A_200 = arith.constant 320 : index
        %get3A_201 = tpu.vector_load %arg4[%get3A_199, %get3A_200] {strides = array<i32>} : memref<32x512xf32, #tpu.memory_space<vmem>>, vector<1x16xf32>,
        %get3A_202 = vector.shape_cast %get3A_201 : vector<1x16xf32> to vector<16xf32>
        %get3A_203 = arith.index_cast %scan3A_119 : i32 to index
        %get3A_204 = arith.constant 336 : index
        %get3A_205 = tpu.vector_load %arg4[%get3A_203, %get3A_204] {strides = array<i32>} : memref<32x512xf32, #tpu.memory_space<vmem>>, vector<1x16xf32>,
        %get3A_206 = vector.shape_cast %get3A_205 : vector<1x16xf32> to vector<16xf32>
        %get3A_207 = arith.index_cast %scan3A_119 : i32 to index
        %get3A_208 = arith.constant 352 : index
        %get3A_209 = tpu.vector_load %arg4[%get3A_207, %get3A_208] {strides = array<i32>} : memref<32x512xf32, #tpu.memory_space<vmem>>, vector<1x16xf32>,
        %get3A_210 = vector.shape_cast %get3A_209 : vector<1x16xf32> to vector<16xf32>
        %get3A_211 = arith.index_cast %scan3A_119 : i32 to index
        %get3A_212 = arith.constant 368 : index
        %get3A_213 = tpu.vector_load %arg4[%get3A_211, %get3A_212] {strides = array<i32>} : memref<32x512xf32, #tpu.memory_space<vmem>>, vector<1x16xf32>,
        %get3A_214 = vector.shape_cast %get3A_213 : vector<1x16xf32> to vector<16xf32>
        %get3A_215 = arith.index_cast %scan3A_119 : i32 to index
        %get3A_216 = arith.constant 384 : index
        %get3A_217 = tpu.vector_load %arg4[%get3A_215, %get3A_216] {strides = array<i32>} : memref<32x512xf32, #tpu.memory_space<vmem>>, vector<1x16xf32>,
        %get3A_218 = vector.shape_cast %get3A_217 : vector<1x16xf32> to vector<16xf32>
        %get3A_219 = arith.index_cast %scan3A_119 : i32 to index
        %get3A_220 = arith.constant 400 : index
        %get3A_221 = tpu.vector_load %arg4[%get3A_219, %get3A_220] {strides = array<i32>} : memref<32x512xf32, #tpu.memory_space<vmem>>, vector<1x16xf32>,
        %get3A_222 = vector.shape_cast %get3A_221 : vector<1x16xf32> to vector<16xf32>
        %get3A_223 = arith.index_cast %scan3A_119 : i32 to index
        %get3A_224 = arith.constant 416 : index
        %get3A_225 = tpu.vector_load %arg4[%get3A_223, %get3A_224] {strides = array<i32>} : memref<32x512xf32, #tpu.memory_space<vmem>>, vector<1x16xf32>,
        %get3A_226 = vector.shape_cast %get3A_225 : vector<1x16xf32> to vector<16xf32>
        %get3A_227 = arith.index_cast %scan3A_119 : i32 to index
        %get3A_228 = arith.constant 432 : index
        %get3A_229 = tpu.vector_load %arg4[%get3A_227, %get3A_228] {strides = array<i32>} : memref<32x512xf32, #tpu.memory_space<vmem>>, vector<1x16xf32>,
        %get3A_230 = vector.shape_cast %get3A_229 : vector<1x16xf32> to vector<16xf32>
        %get3A_231 = arith.index_cast %scan3A_119 : i32 to index
        %get3A_232 = arith.constant 448 : index
        %get3A_233 = tpu.vector_load %arg4[%get3A_231, %get3A_232] {strides = array<i32>} : memref<32x512xf32, #tpu.memory_space<vmem>>, vector<1x16xf32>,
        %get3A_234 = vector.shape_cast %get3A_233 : vector<1x16xf32> to vector<16xf32>
        %get3A_235 = arith.index_cast %scan3A_119 : i32 to index
        %get3A_236 = arith.constant 464 : index
        %get3A_237 = tpu.vector_load %arg4[%get3A_235, %get3A_236] {strides = array<i32>} : memref<32x512xf32, #tpu.memory_space<vmem>>, vector<1x16xf32>,
        %get3A_238 = vector.shape_cast %get3A_237 : vector<1x16xf32> to vector<16xf32>
        %get3A_239 = arith.index_cast %scan3A_119 : i32 to index
        %get3A_240 = arith.constant 480 : index
        %get3A_241 = tpu.vector_load %arg4[%get3A_239, %get3A_240] {strides = array<i32>} : memref<32x512xf32, #tpu.memory_space<vmem>>, vector<1x16xf32>,
        %get3A_242 = vector.shape_cast %get3A_241 : vector<1x16xf32> to vector<16xf32>
        %get3A_243 = arith.index_cast %scan3A_119 : i32 to index
        %get3A_244 = arith.constant 496 : index
        %get3A_245 = tpu.vector_load %arg4[%get3A_243, %get3A_244] {strides = array<i32>} : memref<32x512xf32, #tpu.memory_space<vmem>>, vector<1x16xf32>,
        %get3A_246 = vector.shape_cast %get3A_245 : vector<1x16xf32> to vector<16xf32>
        %lt3A_247 = arith.constant 8 : i32
        %lt3A_248 = vector.broadcast %lt3A_247 : i32 to vector<16xi32>
        %lt3A_249 = arith.cmpi slt, %iota3A, %lt3A_248 : vector<16xi32>
        %jit3A = arith.constant -1.000000e+00 : f32
        %broadcast_in_dim3A = vector.broadcast %jit3A : f32 to vector<16xf32>
        %select_n3A = arith.select %lt3A_249, %get3A_122, %broadcast_in_dim3A : vector<16xi1>, vector<16xf32>
        %xor3A = arith.constant 1 : i32
        %xor3A_250 = vector.broadcast %xor3A : i32 to vector<16xi32>
        %xor3A_251 = arith.xori %iota3A, %xor3A_250 : vector<16xi32>
        %lt3A_252 = arith.constant 0 : i32
        %lt3A_253 = vector.broadcast %lt3A_252 : i32 to vector<16xi32>
        %lt3A_254 = arith.cmpi slt, %xor3A_251, %lt3A_253 : vector<16xi32>
        %add3A_255 = arith.constant 16 : i32
        %add3A_256 = vector.broadcast %add3A_255 : i32 to vector<16xi32>
        %add3A_257 = arith.addi %xor3A_251, %add3A_256 : vector<16xi32>
        %select_n3A_258 = arith.select %lt3A_254, %add3A_257, %xor3A_251 : vector<16xi1>, vector<16xi32>
        %broadcast_in_dim3A_259 = vector.shape_cast %select_n3A_258 : vector<16xi32> to vector<16x1xi32>
        %gather3A = vector.shape_cast %broadcast_in_dim3A_259 : vector<16x1xi32> to vector<16xi32>
        %gather3A_260 = tpu.dynamic_gather %select_n3A[%gather3A] in [0] : vector<16xf32>, vector<16xi32> -> vector<16xf32>
        %max3A = arith.maximumf %select_n3A, %gather3A_260 : vector<16xf32>
        %xor3A_261 = arith.constant 2 : i32
        %xor3A_262 = vector.broadcast %xor3A_261 : i32 to vector<16xi32>
        %xor3A_263 = arith.xori %iota3A, %xor3A_262 : vector<16xi32>
        %lt3A_264 = arith.constant 0 : i32
        %lt3A_265 = vector.broadcast %lt3A_264 : i32 to vector<16xi32>
        %lt3A_266 = arith.cmpi slt, %xor3A_263, %lt3A_265 : vector<16xi32>
        %add3A_267 = arith.constant 16 : i32
        %add3A_268 = vector.broadcast %add3A_267 : i32 to vector<16xi32>
        %add3A_269 = arith.addi %xor3A_263, %add3A_268 : vector<16xi32>
        %select_n3A_270 = arith.select %lt3A_266, %add3A_269, %xor3A_263 : vector<16xi1>, vector<16xi32>
        %broadcast_in_dim3A_271 = vector.shape_cast %select_n3A_270 : vector<16xi32> to vector<16x1xi32>
        %gather3A_272 = vector.shape_cast %broadcast_in_dim3A_271 : vector<16x1xi32> to vector<16xi32>
        %gather3A_273 = tpu.dynamic_gather %max3A[%gather3A_272] in [0] : vector<16xf32>, vector<16xi32> -> vector<16xf32>
        %max3A_274 = arith.maximumf %max3A, %gather3A_273 : vector<16xf32>
        %xor3A_275 = arith.constant 4 : i32
        %xor3A_276 = vector.broadcast %xor3A_275 : i32 to vector<16xi32>
        %xor3A_277 = arith.xori %iota3A, %xor3A_276 : vector<16xi32>
        %lt3A_278 = arith.constant 0 : i32
        %lt3A_279 = vector.broadcast %lt3A_278 : i32 to vector<16xi32>
        %lt3A_280 = arith.cmpi slt, %xor3A_277, %lt3A_279 : vector<16xi32>
        %add3A_281 = arith.constant 16 : i32
        %add3A_282 = vector.broadcast %add3A_281 : i32 to vector<16xi32>
        %add3A_283 = arith.addi %xor3A_277, %add3A_282 : vector<16xi32>
        %select_n3A_284 = arith.select %lt3A_280, %add3A_283, %xor3A_277 : vector<16xi1>, vector<16xi32>
        %broadcast_in_dim3A_285 = vector.shape_cast %select_n3A_284 : vector<16xi32> to vector<16x1xi32>
        %gather3A_286 = vector.shape_cast %broadcast_in_dim3A_285 : vector<16x1xi32> to vector<16xi32>
        %gather3A_287 = tpu.dynamic_gather %max3A_274[%gather3A_286] in [0] : vector<16xf32>, vector<16xi32> -> vector<16xf32>
        %max3A_288 = arith.maximumf %max3A_274, %gather3A_287 : vector<16xf32>
        %eq3A = arith.cmpf oeq, %select_n3A, %max3A_288 : vector<16xf32>
        %lt3A_289 = arith.constant 8 : i32
        %lt3A_290 = vector.broadcast %lt3A_289 : i32 to vector<16xi32>
        %lt3A_291 = arith.cmpi slt, %iota3A, %lt3A_290 : vector<16xi32>
        %and3A = arith.andi %eq3A, %lt3A_291 : vector<16xi1>
        %jit3A_292 = arith.constant 16 : i32
        %broadcast_in_dim3A_293 = vector.broadcast %jit3A_292 : i32 to vector<16xi32>
        %select_n3A_294 = arith.select %and3A, %iota3A, %broadcast_in_dim3A_293 : vector<16xi1>, vector<16xi32>
        %xor3A_295 = arith.constant 1 : i32
        %xor3A_296 = vector.broadcast %xor3A_295 : i32 to vector<16xi32>
        %xor3A_297 = arith.xori %iota3A, %xor3A_296 : vector<16xi32>
        %lt3A_298 = arith.constant 0 : i32
        %lt3A_299 = vector.broadcast %lt3A_298 : i32 to vector<16xi32>
        %lt3A_300 = arith.cmpi slt, %xor3A_297, %lt3A_299 : vector<16xi32>
        %add3A_301 = arith.constant 16 : i32
        %add3A_302 = vector.broadcast %add3A_301 : i32 to vector<16xi32>
        %add3A_303 = arith.addi %xor3A_297, %add3A_302 : vector<16xi32>
        %select_n3A_304 = arith.select %lt3A_300, %add3A_303, %xor3A_297 : vector<16xi1>, vector<16xi32>
        %broadcast_in_dim3A_305 = vector.shape_cast %select_n3A_304 : vector<16xi32> to vector<16x1xi32>
        %gather3A_306 = vector.shape_cast %broadcast_in_dim3A_305 : vector<16x1xi32> to vector<16xi32>
        %gather3A_307 = tpu.dynamic_gather %select_n3A_294[%gather3A_306] in [0] : vector<16xi32>, vector<16xi32> -> vector<16xi32>
        %min3A = arith.minsi %select_n3A_294, %gather3A_307 : vector<16xi32>
        %xor3A_308 = arith.constant 2 : i32
        %xor3A_309 = vector.broadcast %xor3A_308 : i32 to vector<16xi32>
        %xor3A_310 = arith.xori %iota3A, %xor3A_309 : vector<16xi32>
        %lt3A_311 = arith.constant 0 : i32
        %lt3A_312 = vector.broadcast %lt3A_311 : i32 to vector<16xi32>
        %lt3A_313 = arith.cmpi slt, %xor3A_310, %lt3A_312 : vector<16xi32>
        %add3A_314 = arith.constant 16 : i32
        %add3A_315 = vector.broadcast %add3A_314 : i32 to vector<16xi32>
        %add3A_316 = arith.addi %xor3A_310, %add3A_315 : vector<16xi32>
        %select_n3A_317 = arith.select %lt3A_313, %add3A_316, %xor3A_310 : vector<16xi1>, vector<16xi32>
        %broadcast_in_dim3A_318 = vector.shape_cast %select_n3A_317 : vector<16xi32> to vector<16x1xi32>
        %gather3A_319 = vector.shape_cast %broadcast_in_dim3A_318 : vector<16x1xi32> to vector<16xi32>
        %gather3A_320 = tpu.dynamic_gather %min3A[%gather3A_319] in [0] : vector<16xi32>, vector<16xi32> -> vector<16xi32>
        %min3A_321 = arith.minsi %min3A, %gather3A_320 : vector<16xi32>
        %xor3A_322 = arith.constant 4 : i32
        %xor3A_323 = vector.broadcast %xor3A_322 : i32 to vector<16xi32>
        %xor3A_324 = arith.xori %iota3A, %xor3A_323 : vector<16xi32>
        %lt3A_325 = arith.constant 0 : i32
        %lt3A_326 = vector.broadcast %lt3A_325 : i32 to vector<16xi32>
        %lt3A_327 = arith.cmpi slt, %xor3A_324, %lt3A_326 : vector<16xi32>
        %add3A_328 = arith.constant 16 : i32
        %add3A_329 = vector.broadcast %add3A_328 : i32 to vector<16xi32>
        %add3A_330 = arith.addi %xor3A_324, %add3A_329 : vector<16xi32>
        %select_n3A_331 = arith.select %lt3A_327, %add3A_330, %xor3A_324 : vector<16xi1>, vector<16xi32>
        %broadcast_in_dim3A_332 = vector.shape_cast %select_n3A_331 : vector<16xi32> to vector<16x1xi32>
        %gather3A_333 = vector.shape_cast %broadcast_in_dim3A_332 : vector<16x1xi32> to vector<16xi32>
        %gather3A_334 = tpu.dynamic_gather %min3A_321[%gather3A_333] in [0] : vector<16xi32>, vector<16xi32> -> vector<16xi32>
        %min3A_335 = arith.minsi %min3A_321, %gather3A_334 : vector<16xi32>
        %xor3A_336 = arith.constant 8 : i32
        %xor3A_337 = vector.broadcast %xor3A_336 : i32 to vector<16xi32>
        %xor3A_338 = arith.xori %iota3A, %xor3A_337 : vector<16xi32>
        %lt3A_339 = arith.constant 0 : i32
        %lt3A_340 = vector.broadcast %lt3A_339 : i32 to vector<16xi32>
        %lt3A_341 = arith.cmpi slt, %xor3A_338, %lt3A_340 : vector<16xi32>
        %add3A_342 = arith.constant 16 : i32
        %add3A_343 = vector.broadcast %add3A_342 : i32 to vector<16xi32>
        %add3A_344 = arith.addi %xor3A_338, %add3A_343 : vector<16xi32>
        %select_n3A_345 = arith.select %lt3A_341, %add3A_344, %xor3A_338 : vector<16xi1>, vector<16xi32>
        %broadcast_in_dim3A_346 = vector.shape_cast %select_n3A_345 : vector<16xi32> to vector<16x1xi32>
        %gather3A_347 = vector.shape_cast %broadcast_in_dim3A_346 : vector<16x1xi32> to vector<16xi32>
        %gather3A_348 = tpu.dynamic_gather %min3A_335[%gather3A_347] in [0] : vector<16xi32>, vector<16xi32> -> vector<16xi32>
        %min3A_349 = arith.minsi %min3A_335, %gather3A_348 : vector<16xi32>
        %and3A_350 = arith.constant -8 : i32
        %and3A_351 = vector.broadcast %and3A_350 : i32 to vector<16xi32>
        %and3A_352 = arith.andi %iota3A, %and3A_351 : vector<16xi32>
        %add3A_353 = arith.addi %iota3A, %min3A_349 : vector<16xi32>
        %and3A_354 = arith.constant 7 : i32
        %and3A_355 = vector.broadcast %and3A_354 : i32 to vector<16xi32>
        %and3A_356 = arith.andi %add3A_353, %and3A_355 : vector<16xi32>
        %or3A = arith.ori %and3A_352, %and3A_356 : vector<16xi32>
        %mul3A_357 = arith.mulf %get3A_122, %get3A_122 : vector<16xf32>
        %mul3A_358 = arith.mulf %get3A_126, %get3A_126 : vector<16xf32>
        %mul3A_359 = arith.mulf %get3A_130, %get3A_130 : vector<16xf32>
        %mul3A_360 = arith.mulf %get3A_134, %get3A_134 : vector<16xf32>
        %mul3A_361 = arith.mulf %get3A_138, %get3A_138 : vector<16xf32>
        %add3A_362 = arith.addf %mul3A_357, %mul3A_361 : vector<16xf32>
        %mul3A_363 = arith.mulf %get3A_142, %get3A_142 : vector<16xf32>
        %add3A_364 = arith.addf %mul3A_358, %mul3A_363 : vector<16xf32>
        %mul3A_365 = arith.mulf %get3A_146, %get3A_146 : vector<16xf32>
        %add3A_366 = arith.addf %mul3A_359, %mul3A_365 : vector<16xf32>
        %mul3A_367 = arith.mulf %get3A_150, %get3A_150 : vector<16xf32>
        %add3A_368 = arith.addf %mul3A_360, %mul3A_367 : vector<16xf32>
        %mul3A_369 = arith.mulf %get3A_154, %get3A_154 : vector<16xf32>
        %add3A_370 = arith.addf %add3A_362, %mul3A_369 : vector<16xf32>
        %mul3A_371 = arith.mulf %get3A_158, %get3A_158 : vector<16xf32>
        %add3A_372 = arith.addf %add3A_364, %mul3A_371 : vector<16xf32>
        %mul3A_373 = arith.mulf %get3A_162, %get3A_162 : vector<16xf32>
        %add3A_374 = arith.addf %add3A_366, %mul3A_373 : vector<16xf32>
        %mul3A_375 = arith.mulf %get3A_166, %get3A_166 : vector<16xf32>
        %add3A_376 = arith.addf %add3A_368, %mul3A_375 : vector<16xf32>
        %mul3A_377 = arith.mulf %get3A_170, %get3A_170 : vector<16xf32>
        %add3A_378 = arith.addf %add3A_370, %mul3A_377 : vector<16xf32>
        %mul3A_379 = arith.mulf %get3A_174, %get3A_174 : vector<16xf32>
        %add3A_380 = arith.addf %add3A_372, %mul3A_379 : vector<16xf32>
        %mul3A_381 = arith.mulf %get3A_178, %get3A_178 : vector<16xf32>
        %add3A_382 = arith.addf %add3A_374, %mul3A_381 : vector<16xf32>
        %mul3A_383 = arith.mulf %get3A_182, %get3A_182 : vector<16xf32>
        %add3A_384 = arith.addf %add3A_376, %mul3A_383 : vector<16xf32>
        %mul3A_385 = arith.mulf %get3A_186, %get3A_186 : vector<16xf32>
        %add3A_386 = arith.addf %add3A_378, %mul3A_385 : vector<16xf32>
        %mul3A_387 = arith.mulf %get3A_190, %get3A_190 : vector<16xf32>
        %add3A_388 = arith.addf %add3A_380, %mul3A_387 : vector<16xf32>
        %mul3A_389 = arith.mulf %get3A_194, %get3A_194 : vector<16xf32>
        %add3A_390 = arith.addf %add3A_382, %mul3A_389 : vector<16xf32>
        %mul3A_391 = arith.mulf %get3A_198, %get3A_198 : vector<16xf32>
        %add3A_392 = arith.addf %add3A_384, %mul3A_391 : vector<16xf32>
        %mul3A_393 = arith.mulf %get3A_202, %get3A_202 : vector<16xf32>
        %add3A_394 = arith.addf %add3A_386, %mul3A_393 : vector<16xf32>
        %mul3A_395 = arith.mulf %get3A_206, %get3A_206 : vector<16xf32>
        %add3A_396 = arith.addf %add3A_388, %mul3A_395 : vector<16xf32>
        %mul3A_397 = arith.mulf %get3A_210, %get3A_210 : vector<16xf32>
        %add3A_398 = arith.addf %add3A_390, %mul3A_397 : vector<16xf32>
        %mul3A_399 = arith.mulf %get3A_214, %get3A_214 : vector<16xf32>
        %add3A_400 = arith.addf %add3A_392, %mul3A_399 : vector<16xf32>
        %mul3A_401 = arith.mulf %get3A_218, %get3A_218 : vector<16xf32>
        %add3A_402 = arith.addf %add3A_394, %mul3A_401 : vector<16xf32>
        %mul3A_403 = arith.mulf %get3A_222, %get3A_222 : vector<16xf32>
        %add3A_404 = arith.addf %add3A_396, %mul3A_403 : vector<16xf32>
        %mul3A_405 = arith.mulf %get3A_226, %get3A_226 : vector<16xf32>
        %add3A_406 = arith.addf %add3A_398, %mul3A_405 : vector<16xf32>
        %mul3A_407 = arith.mulf %get3A_230, %get3A_230 : vector<16xf32>
        %add3A_408 = arith.addf %add3A_400, %mul3A_407 : vector<16xf32>
        %mul3A_409 = arith.mulf %get3A_234, %get3A_234 : vector<16xf32>
        %add3A_410 = arith.addf %add3A_402, %mul3A_409 : vector<16xf32>
        %mul3A_411 = arith.mulf %get3A_238, %get3A_238 : vector<16xf32>
        %add3A_412 = arith.addf %add3A_404, %mul3A_411 : vector<16xf32>
        %mul3A_413 = arith.mulf %get3A_242, %get3A_242 : vector<16xf32>
        %add3A_414 = arith.addf %add3A_406, %mul3A_413 : vector<16xf32>
        %mul3A_415 = arith.mulf %get3A_246, %get3A_246 : vector<16xf32>
        %add3A_416 = arith.addf %add3A_408, %mul3A_415 : vector<16xf32>
        %add3A_417 = arith.addf %add3A_410, %add3A_412 : vector<16xf32>
        %add3A_418 = arith.addf %add3A_414, %add3A_416 : vector<16xf32>
        %add3A_419 = arith.addf %add3A_417, %add3A_418 : vector<16xf32>
        %xor3A_420 = arith.constant 1 : i32
        %xor3A_421 = vector.broadcast %xor3A_420 : i32 to vector<16xi32>
        %xor3A_422 = arith.xori %iota3A, %xor3A_421 : vector<16xi32>
        %lt3A_423 = arith.constant 0 : i32
        %lt3A_424 = vector.broadcast %lt3A_423 : i32 to vector<16xi32>
        %lt3A_425 = arith.cmpi slt, %xor3A_422, %lt3A_424 : vector<16xi32>
        %add3A_426 = arith.constant 16 : i32
        %add3A_427 = vector.broadcast %add3A_426 : i32 to vector<16xi32>
        %add3A_428 = arith.addi %xor3A_422, %add3A_427 : vector<16xi32>
        %select_n3A_429 = arith.select %lt3A_425, %add3A_428, %xor3A_422 : vector<16xi1>, vector<16xi32>
        %broadcast_in_dim3A_430 = vector.shape_cast %select_n3A_429 : vector<16xi32> to vector<16x1xi32>
        %gather3A_431 = vector.shape_cast %broadcast_in_dim3A_430 : vector<16x1xi32> to vector<16xi32>
        %gather3A_432 = tpu.dynamic_gather %add3A_419[%gather3A_431] in [0] : vector<16xf32>, vector<16xi32> -> vector<16xf32>
        %add3A_433 = arith.addf %add3A_419, %gather3A_432 : vector<16xf32>
        %xor3A_434 = arith.constant 2 : i32
        %xor3A_435 = vector.broadcast %xor3A_434 : i32 to vector<16xi32>
        %xor3A_436 = arith.xori %iota3A, %xor3A_435 : vector<16xi32>
        %lt3A_437 = arith.constant 0 : i32
        %lt3A_438 = vector.broadcast %lt3A_437 : i32 to vector<16xi32>
        %lt3A_439 = arith.cmpi slt, %xor3A_436, %lt3A_438 : vector<16xi32>
        %add3A_440 = arith.constant 16 : i32
        %add3A_441 = vector.broadcast %add3A_440 : i32 to vector<16xi32>
        %add3A_442 = arith.addi %xor3A_436, %add3A_441 : vector<16xi32>
        %select_n3A_443 = arith.select %lt3A_439, %add3A_442, %xor3A_436 : vector<16xi1>, vector<16xi32>
        %broadcast_in_dim3A_444 = vector.shape_cast %select_n3A_443 : vector<16xi32> to vector<16x1xi32>
        %gather3A_445 = vector.shape_cast %broadcast_in_dim3A_444 : vector<16x1xi32> to vector<16xi32>
        %gather3A_446 = tpu.dynamic_gather %add3A_433[%gather3A_445] in [0] : vector<16xf32>, vector<16xi32> -> vector<16xf32>
        %add3A_447 = arith.addf %add3A_433, %gather3A_446 : vector<16xf32>
        %xor3A_448 = arith.constant 4 : i32
        %xor3A_449 = vector.broadcast %xor3A_448 : i32 to vector<16xi32>
        %xor3A_450 = arith.xori %iota3A, %xor3A_449 : vector<16xi32>
        %lt3A_451 = arith.constant 0 : i32
        %lt3A_452 = vector.broadcast %lt3A_451 : i32 to vector<16xi32>
        %lt3A_453 = arith.cmpi slt, %xor3A_450, %lt3A_452 : vector<16xi32>
        %add3A_454 = arith.constant 16 : i32
        %add3A_455 = vector.broadcast %add3A_454 : i32 to vector<16xi32>
        %add3A_456 = arith.addi %xor3A_450, %add3A_455 : vector<16xi32>
        %select_n3A_457 = arith.select %lt3A_453, %add3A_456, %xor3A_450 : vector<16xi1>, vector<16xi32>
        %broadcast_in_dim3A_458 = vector.shape_cast %select_n3A_457 : vector<16xi32> to vector<16x1xi32>
        %gather3A_459 = vector.shape_cast %broadcast_in_dim3A_458 : vector<16x1xi32> to vector<16xi32>
        %gather3A_460 = tpu.dynamic_gather %add3A_447[%gather3A_459] in [0] : vector<16xf32>, vector<16xi32> -> vector<16xf32>
        %add3A_461 = arith.addf %add3A_447, %gather3A_460 : vector<16xf32>
        %xor3A_462 = arith.constant 8 : i32
        %xor3A_463 = vector.broadcast %xor3A_462 : i32 to vector<16xi32>
        %xor3A_464 = arith.xori %iota3A, %xor3A_463 : vector<16xi32>
        %lt3A_465 = arith.constant 0 : i32
        %lt3A_466 = vector.broadcast %lt3A_465 : i32 to vector<16xi32>
        %lt3A_467 = arith.cmpi slt, %xor3A_464, %lt3A_466 : vector<16xi32>
        %add3A_468 = arith.constant 16 : i32
        %add3A_469 = vector.broadcast %add3A_468 : i32 to vector<16xi32>
        %add3A_470 = arith.addi %xor3A_464, %add3A_469 : vector<16xi32>
        %select_n3A_471 = arith.select %lt3A_467, %add3A_470, %xor3A_464 : vector<16xi1>, vector<16xi32>
        %broadcast_in_dim3A_472 = vector.shape_cast %select_n3A_471 : vector<16xi32> to vector<16x1xi32>
        %gather3A_473 = vector.shape_cast %broadcast_in_dim3A_472 : vector<16x1xi32> to vector<16xi32>
        %gather3A_474 = tpu.dynamic_gather %add3A_461[%gather3A_473] in [0] : vector<16xf32>, vector<16xi32> -> vector<16xf32>
        %add3A_475 = arith.addf %add3A_461, %gather3A_474 : vector<16xf32>
        %bitcast_convert_type3A = tpu.bitcast %add3A_475 : vector<16xf32> -> vector<16xi32>
        %shift_right_arithmetic3A = arith.constant 1 : i32
        %shift_right_arithmetic3A_476 = vector.broadcast %shift_right_arithmetic3A : i32 to vector<16xi32>
        %shift_right_arithmetic3A_477 = arith.shrsi %bitcast_convert_type3A, %shift_right_arithmetic3A_476 : vector<16xi32>
        %sub3A = arith.constant 1597463007 : i32
        %sub3A_478 = vector.broadcast %sub3A : i32 to vector<16xi32>
        %sub3A_479 = arith.subi %sub3A_478, %shift_right_arithmetic3A_477 : vector<16xi32>
        %bitcast_convert_type3A_480 = tpu.bitcast %sub3A_479 : vector<16xi32> -> vector<16xf32>
        %mul3A_481 = arith.constant 5.000000e-01 : f32
        %mul3A_482 = vector.broadcast %mul3A_481 : f32 to vector<16xf32>
        %mul3A_483 = arith.mulf %mul3A_482, %add3A_475 : vector<16xf32>
        %mul3A_484 = arith.mulf %mul3A_483, %bitcast_convert_type3A_480 : vector<16xf32>
        %mul3A_485 = arith.mulf %mul3A_484, %bitcast_convert_type3A_480 : vector<16xf32>
        %sub3A_486 = arith.constant 1.500000e+00 : f32
        %sub3A_487 = vector.broadcast %sub3A_486 : f32 to vector<16xf32>
        %sub3A_488 = arith.subf %sub3A_487, %mul3A_485 : vector<16xf32>
        %mul3A_489 = arith.mulf %bitcast_convert_type3A_480, %sub3A_488 : vector<16xf32>
        %mul3A_490 = arith.constant 5.000000e-01 : f32
        %mul3A_491 = vector.broadcast %mul3A_490 : f32 to vector<16xf32>
        %mul3A_492 = arith.mulf %mul3A_491, %add3A_475 : vector<16xf32>
        %mul3A_493 = arith.mulf %mul3A_492, %mul3A_489 : vector<16xf32>
        %mul3A_494 = arith.mulf %mul3A_493, %mul3A_489 : vector<16xf32>
        %sub3A_495 = arith.constant 1.500000e+00 : f32
        %sub3A_496 = vector.broadcast %sub3A_495 : f32 to vector<16xf32>
        %sub3A_497 = arith.subf %sub3A_496, %mul3A_494 : vector<16xf32>
        %mul3A_498 = arith.mulf %mul3A_489, %sub3A_497 : vector<16xf32>
        %mul3A_499 = arith.mulf %add3A_475, %mul3A_498 : vector<16xf32>
        %add3A_500 = arith.constant 9.99999997E-7 : f32
        %add3A_501 = vector.broadcast %add3A_500 : f32 to vector<16xf32>
        %add3A_502 = arith.addf %mul3A_499, %add3A_501 : vector<16xf32>
        %div3A = arith.constant 1.000000e+00 : f32
        %div3A_503 = vector.broadcast %div3A : f32 to vector<16xf32>
        %div3A_504 = arith.divf %div3A_503, %add3A_502 : vector<16xf32>
        %lt3A_505 = arith.constant 0 : i32
        %lt3A_506 = vector.broadcast %lt3A_505 : i32 to vector<16xi32>
        %lt3A_507 = arith.cmpi slt, %or3A, %lt3A_506 : vector<16xi32>
        %add3A_508 = arith.constant 16 : i32
        %add3A_509 = vector.broadcast %add3A_508 : i32 to vector<16xi32>
        %add3A_510 = arith.addi %or3A, %add3A_509 : vector<16xi32>
        %select_n3A_511 = arith.select %lt3A_507, %add3A_510, %or3A : vector<16xi1>, vector<16xi32>
        %broadcast_in_dim3A_512 = vector.shape_cast %select_n3A_511 : vector<16xi32> to vector<16x1xi32>
        %gather3A_513 = vector.shape_cast %broadcast_in_dim3A_512 : vector<16x1xi32> to vector<16xi32>
        %gather3A_514 = tpu.dynamic_gather %get3A_122[%gather3A_513] in [0] : vector<16xf32>, vector<16xi32> -> vector<16xf32>
        %mul3A_515 = arith.mulf %gather3A_514, %div3A_504 : vector<16xf32>
        %swap3A = arith.index_cast %scan3A_119 : i32 to index
        %swap3A_516 = arith.constant 0 : index
        %swap3A_517 = tpu.vector_load %arg6[%swap3A, %swap3A_516] {strides = array<i32>} : memref<32x512xf32, #tpu.memory_space<vmem>>, vector<1x16xf32>,
        %swap3A_518 = vector.shape_cast %swap3A_517 : vector<1x16xf32> to vector<16xf32>
        %swap3A_519 = vector.shape_cast %mul3A_515 : vector<16xf32> to vector<1x16xf32>
        tpu.vector_store %arg6[%swap3A, %swap3A_516], %swap3A_519 {strides = array<i32>} : memref<32x512xf32, #tpu.memory_space<vmem>>, vector<1x16xf32>,
        %lt3A_520 = arith.constant 0 : i32
        %lt3A_521 = vector.broadcast %lt3A_520 : i32 to vector<16xi32>
        %lt3A_522 = arith.cmpi slt, %or3A, %lt3A_521 : vector<16xi32>
        %add3A_523 = arith.constant 16 : i32
        %add3A_524 = vector.broadcast %add3A_523 : i32 to vector<16xi32>
        %add3A_525 = arith.addi %or3A, %add3A_524 : vector<16xi32>
        %select_n3A_526 = arith.select %lt3A_522, %add3A_525, %or3A : vector<16xi1>, vector<16xi32>
        %broadcast_in_dim3A_527 = vector.shape_cast %select_n3A_526 : vector<16xi32> to vector<16x1xi32>
        %gather3A_528 = vector.shape_cast %broadcast_in_dim3A_527 : vector<16x1xi32> to vector<16xi32>
        %gather3A_529 = tpu.dynamic_gather %get3A_126[%gather3A_528] in [0] : vector<16xf32>, vector<16xi32> -> vector<16xf32>
        %mul3A_530 = arith.mulf %gather3A_529, %div3A_504 : vector<16xf32>
        %swap3A_531 = arith.index_cast %scan3A_119 : i32 to index
        %swap3A_532 = arith.constant 16 : index
        %swap3A_533 = tpu.vector_load %arg6[%swap3A_531, %swap3A_532] {strides = array<i32>} : memref<32x512xf32, #tpu.memory_space<vmem>>, vector<1x16xf32>,
        %swap3A_534 = vector.shape_cast %swap3A_533 : vector<1x16xf32> to vector<16xf32>
        %swap3A_535 = vector.shape_cast %mul3A_530 : vector<16xf32> to vector<1x16xf32>
        tpu.vector_store %arg6[%swap3A_531, %swap3A_532], %swap3A_535 {strides = array<i32>} : memref<32x512xf32, #tpu.memory_space<vmem>>, vector<1x16xf32>,
        %lt3A_536 = arith.constant 0 : i32
        %lt3A_537 = vector.broadcast %lt3A_536 : i32 to vector<16xi32>
        %lt3A_538 = arith.cmpi slt, %or3A, %lt3A_537 : vector<16xi32>
        %add3A_539 = arith.constant 16 : i32
        %add3A_540 = vector.broadcast %add3A_539 : i32 to vector<16xi32>
        %add3A_541 = arith.addi %or3A, %add3A_540 : vector<16xi32>
        %select_n3A_542 = arith.select %lt3A_538, %add3A_541, %or3A : vector<16xi1>, vector<16xi32>
        %broadcast_in_dim3A_543 = vector.shape_cast %select_n3A_542 : vector<16xi32> to vector<16x1xi32>
        %gather3A_544 = vector.shape_cast %broadcast_in_dim3A_543 : vector<16x1xi32> to vector<16xi32>
        %gather3A_545 = tpu.dynamic_gather %get3A_130[%gather3A_544] in [0] : vector<16xf32>, vector<16xi32> -> vector<16xf32>
        %mul3A_546 = arith.mulf %gather3A_545, %div3A_504 : vector<16xf32>
        %swap3A_547 = arith.index_cast %scan3A_119 : i32 to index
        %swap3A_548 = arith.constant 32 : index
        %swap3A_549 = tpu.vector_load %arg6[%swap3A_547, %swap3A_548] {strides = array<i32>} : memref<32x512xf32, #tpu.memory_space<vmem>>, vector<1x16xf32>,
        %swap3A_550 = vector.shape_cast %swap3A_549 : vector<1x16xf32> to vector<16xf32>
        %swap3A_551 = vector.shape_cast %mul3A_546 : vector<16xf32> to vector<1x16xf32>
        tpu.vector_store %arg6[%swap3A_547, %swap3A_548], %swap3A_551 {strides = array<i32>} : memref<32x512xf32, #tpu.memory_space<vmem>>, vector<1x16xf32>,
        %lt3A_552 = arith.constant 0 : i32
        %lt3A_553 = vector.broadcast %lt3A_552 : i32 to vector<16xi32>
        %lt3A_554 = arith.cmpi slt, %or3A, %lt3A_553 : vector<16xi32>
        %add3A_555 = arith.constant 16 : i32
        %add3A_556 = vector.broadcast %add3A_555 : i32 to vector<16xi32>
        %add3A_557 = arith.addi %or3A, %add3A_556 : vector<16xi32>
        %select_n3A_558 = arith.select %lt3A_554, %add3A_557, %or3A : vector<16xi1>, vector<16xi32>
        %broadcast_in_dim3A_559 = vector.shape_cast %select_n3A_558 : vector<16xi32> to vector<16x1xi32>
        %gather3A_560 = vector.shape_cast %broadcast_in_dim3A_559 : vector<16x1xi32> to vector<16xi32>
        %gather3A_561 = tpu.dynamic_gather %get3A_134[%gather3A_560] in [0] : vector<16xf32>, vector<16xi32> -> vector<16xf32>
        %mul3A_562 = arith.mulf %gather3A_561, %div3A_504 : vector<16xf32>
        %swap3A_563 = arith.index_cast %scan3A_119 : i32 to index
        %swap3A_564 = arith.constant 48 : index
        %swap3A_565 = tpu.vector_load %arg6[%swap3A_563, %swap3A_564] {strides = array<i32>} : memref<32x512xf32, #tpu.memory_space<vmem>>, vector<1x16xf32>,
        %swap3A_566 = vector.shape_cast %swap3A_565 : vector<1x16xf32> to vector<16xf32>
        %swap3A_567 = vector.shape_cast %mul3A_562 : vector<16xf32> to vector<1x16xf32>
        tpu.vector_store %arg6[%swap3A_563, %swap3A_564], %swap3A_567 {strides = array<i32>} : memref<32x512xf32, #tpu.memory_space<vmem>>, vector<1x16xf32>,
        %lt3A_568 = arith.constant 0 : i32
        %lt3A_569 = vector.broadcast %lt3A_568 : i32 to vector<16xi32>
        %lt3A_570 = arith.cmpi slt, %or3A, %lt3A_569 : vector<16xi32>
        %add3A_571 = arith.constant 16 : i32
        %add3A_572 = vector.broadcast %add3A_571 : i32 to vector<16xi32>
        %add3A_573 = arith.addi %or3A, %add3A_572 : vector<16xi32>
        %select_n3A_574 = arith.select %lt3A_570, %add3A_573, %or3A : vector<16xi1>, vector<16xi32>
        %broadcast_in_dim3A_575 = vector.shape_cast %select_n3A_574 : vector<16xi32> to vector<16x1xi32>
        %gather3A_576 = vector.shape_cast %broadcast_in_dim3A_575 : vector<16x1xi32> to vector<16xi32>
        %gather3A_577 = tpu.dynamic_gather %get3A_138[%gather3A_576] in [0] : vector<16xf32>, vector<16xi32> -> vector<16xf32>
        %mul3A_578 = arith.mulf %gather3A_577, %div3A_504 : vector<16xf32>
        %swap3A_579 = arith.index_cast %scan3A_119 : i32 to index
        %swap3A_580 = arith.constant 64 : index
        %swap3A_581 = tpu.vector_load %arg6[%swap3A_579, %swap3A_580] {strides = array<i32>} : memref<32x512xf32, #tpu.memory_space<vmem>>, vector<1x16xf32>,
        %swap3A_582 = vector.shape_cast %swap3A_581 : vector<1x16xf32> to vector<16xf32>
        %swap3A_583 = vector.shape_cast %mul3A_578 : vector<16xf32> to vector<1x16xf32>
        tpu.vector_store %arg6[%swap3A_579, %swap3A_580], %swap3A_583 {strides = array<i32>} : memref<32x512xf32, #tpu.memory_space<vmem>>, vector<1x16xf32>,
        %lt3A_584 = arith.constant 0 : i32
        %lt3A_585 = vector.broadcast %lt3A_584 : i32 to vector<16xi32>
        %lt3A_586 = arith.cmpi slt, %or3A, %lt3A_585 : vector<16xi32>
        %add3A_587 = arith.constant 16 : i32
        %add3A_588 = vector.broadcast %add3A_587 : i32 to vector<16xi32>
        %add3A_589 = arith.addi %or3A, %add3A_588 : vector<16xi32>
        %select_n3A_590 = arith.select %lt3A_586, %add3A_589, %or3A : vector<16xi1>, vector<16xi32>
        %broadcast_in_dim3A_591 = vector.shape_cast %select_n3A_590 : vector<16xi32> to vector<16x1xi32>
        %gather3A_592 = vector.shape_cast %broadcast_in_dim3A_591 : vector<16x1xi32> to vector<16xi32>
        %gather3A_593 = tpu.dynamic_gather %get3A_142[%gather3A_592] in [0] : vector<16xf32>, vector<16xi32> -> vector<16xf32>
        %mul3A_594 = arith.mulf %gather3A_593, %div3A_504 : vector<16xf32>
        %swap3A_595 = arith.index_cast %scan3A_119 : i32 to index
        %swap3A_596 = arith.constant 80 : index
        %swap3A_597 = tpu.vector_load %arg6[%swap3A_595, %swap3A_596] {strides = array<i32>} : memref<32x512xf32, #tpu.memory_space<vmem>>, vector<1x16xf32>,
        %swap3A_598 = vector.shape_cast %swap3A_597 : vector<1x16xf32> to vector<16xf32>
        %swap3A_599 = vector.shape_cast %mul3A_594 : vector<16xf32> to vector<1x16xf32>
        tpu.vector_store %arg6[%swap3A_595, %swap3A_596], %swap3A_599 {strides = array<i32>} : memref<32x512xf32, #tpu.memory_space<vmem>>, vector<1x16xf32>,
        %lt3A_600 = arith.constant 0 : i32
        %lt3A_601 = vector.broadcast %lt3A_600 : i32 to vector<16xi32>
        %lt3A_602 = arith.cmpi slt, %or3A, %lt3A_601 : vector<16xi32>
        %add3A_603 = arith.constant 16 : i32
        %add3A_604 = vector.broadcast %add3A_603 : i32 to vector<16xi32>
        %add3A_605 = arith.addi %or3A, %add3A_604 : vector<16xi32>
        %select_n3A_606 = arith.select %lt3A_602, %add3A_605, %or3A : vector<16xi1>, vector<16xi32>
        %broadcast_in_dim3A_607 = vector.shape_cast %select_n3A_606 : vector<16xi32> to vector<16x1xi32>
        %gather3A_608 = vector.shape_cast %broadcast_in_dim3A_607 : vector<16x1xi32> to vector<16xi32>
        %gather3A_609 = tpu.dynamic_gather %get3A_146[%gather3A_608] in [0] : vector<16xf32>, vector<16xi32> -> vector<16xf32>
        %mul3A_610 = arith.mulf %gather3A_609, %div3A_504 : vector<16xf32>
        %swap3A_611 = arith.index_cast %scan3A_119 : i32 to index
        %swap3A_612 = arith.constant 96 : index
        %swap3A_613 = tpu.vector_load %arg6[%swap3A_611, %swap3A_612] {strides = array<i32>} : memref<32x512xf32, #tpu.memory_space<vmem>>, vector<1x16xf32>,
        %swap3A_614 = vector.shape_cast %swap3A_613 : vector<1x16xf32> to vector<16xf32>
        %swap3A_615 = vector.shape_cast %mul3A_610 : vector<16xf32> to vector<1x16xf32>
        tpu.vector_store %arg6[%swap3A_611, %swap3A_612], %swap3A_615 {strides = array<i32>} : memref<32x512xf32, #tpu.memory_space<vmem>>, vector<1x16xf32>,
        %lt3A_616 = arith.constant 0 : i32
        %lt3A_617 = vector.broadcast %lt3A_616 : i32 to vector<16xi32>
        %lt3A_618 = arith.cmpi slt, %or3A, %lt3A_617 : vector<16xi32>
        %add3A_619 = arith.constant 16 : i32
        %add3A_620 = vector.broadcast %add3A_619 : i32 to vector<16xi32>
        %add3A_621 = arith.addi %or3A, %add3A_620 : vector<16xi32>
        %select_n3A_622 = arith.select %lt3A_618, %add3A_621, %or3A : vector<16xi1>, vector<16xi32>
        %broadcast_in_dim3A_623 = vector.shape_cast %select_n3A_622 : vector<16xi32> to vector<16x1xi32>
        %gather3A_624 = vector.shape_cast %broadcast_in_dim3A_623 : vector<16x1xi32> to vector<16xi32>
        %gather3A_625 = tpu.dynamic_gather %get3A_150[%gather3A_624] in [0] : vector<16xf32>, vector<16xi32> -> vector<16xf32>
        %mul3A_626 = arith.mulf %gather3A_625, %div3A_504 : vector<16xf32>
        %swap3A_627 = arith.index_cast %scan3A_119 : i32 to index
        %swap3A_628 = arith.constant 112 : index
        %swap3A_629 = tpu.vector_load %arg6[%swap3A_627, %swap3A_628] {strides = array<i32>} : memref<32x512xf32, #tpu.memory_space<vmem>>, vector<1x16xf32>,
        %swap3A_630 = vector.shape_cast %swap3A_629 : vector<1x16xf32> to vector<16xf32>
        %swap3A_631 = vector.shape_cast %mul3A_626 : vector<16xf32> to vector<1x16xf32>
        tpu.vector_store %arg6[%swap3A_627, %swap3A_628], %swap3A_631 {strides = array<i32>} : memref<32x512xf32, #tpu.memory_space<vmem>>, vector<1x16xf32>,
        %lt3A_632 = arith.constant 0 : i32
        %lt3A_633 = vector.broadcast %lt3A_632 : i32 to vector<16xi32>
        %lt3A_634 = arith.cmpi slt, %or3A, %lt3A_633 : vector<16xi32>
        %add3A_635 = arith.constant 16 : i32
        %add3A_636 = vector.broadcast %add3A_635 : i32 to vector<16xi32>
        %add3A_637 = arith.addi %or3A, %add3A_636 : vector<16xi32>
        %select_n3A_638 = arith.select %lt3A_634, %add3A_637, %or3A : vector<16xi1>, vector<16xi32>
        %broadcast_in_dim3A_639 = vector.shape_cast %select_n3A_638 : vector<16xi32> to vector<16x1xi32>
        %gather3A_640 = vector.shape_cast %broadcast_in_dim3A_639 : vector<16x1xi32> to vector<16xi32>
        %gather3A_641 = tpu.dynamic_gather %get3A_154[%gather3A_640] in [0] : vector<16xf32>, vector<16xi32> -> vector<16xf32>
        %mul3A_642 = arith.mulf %gather3A_641, %div3A_504 : vector<16xf32>
        %swap3A_643 = arith.index_cast %scan3A_119 : i32 to index
        %swap3A_644 = arith.constant 128 : index
        %swap3A_645 = tpu.vector_load %arg6[%swap3A_643, %swap3A_644] {strides = array<i32>} : memref<32x512xf32, #tpu.memory_space<vmem>>, vector<1x16xf32>,
        %swap3A_646 = vector.shape_cast %swap3A_645 : vector<1x16xf32> to vector<16xf32>
        %swap3A_647 = vector.shape_cast %mul3A_642 : vector<16xf32> to vector<1x16xf32>
        tpu.vector_store %arg6[%swap3A_643, %swap3A_644], %swap3A_647 {strides = array<i32>} : memref<32x512xf32, #tpu.memory_space<vmem>>, vector<1x16xf32>,
        %lt3A_648 = arith.constant 0 : i32
        %lt3A_649 = vector.broadcast %lt3A_648 : i32 to vector<16xi32>
        %lt3A_650 = arith.cmpi slt, %or3A, %lt3A_649 : vector<16xi32>
        %add3A_651 = arith.constant 16 : i32
        %add3A_652 = vector.broadcast %add3A_651 : i32 to vector<16xi32>
        %add3A_653 = arith.addi %or3A, %add3A_652 : vector<16xi32>
        %select_n3A_654 = arith.select %lt3A_650, %add3A_653, %or3A : vector<16xi1>, vector<16xi32>
        %broadcast_in_dim3A_655 = vector.shape_cast %select_n3A_654 : vector<16xi32> to vector<16x1xi32>
        %gather3A_656 = vector.shape_cast %broadcast_in_dim3A_655 : vector<16x1xi32> to vector<16xi32>
        %gather3A_657 = tpu.dynamic_gather %get3A_158[%gather3A_656] in [0] : vector<16xf32>, vector<16xi32> -> vector<16xf32>
        %mul3A_658 = arith.mulf %gather3A_657, %div3A_504 : vector<16xf32>
        %swap3A_659 = arith.index_cast %scan3A_119 : i32 to index
        %swap3A_660 = arith.constant 144 : index
        %swap3A_661 = tpu.vector_load %arg6[%swap3A_659, %swap3A_660] {strides = array<i32>} : memref<32x512xf32, #tpu.memory_space<vmem>>, vector<1x16xf32>,
        %swap3A_662 = vector.shape_cast %swap3A_661 : vector<1x16xf32> to vector<16xf32>
        %swap3A_663 = vector.shape_cast %mul3A_658 : vector<16xf32> to vector<1x16xf32>
        tpu.vector_store %arg6[%swap3A_659, %swap3A_660], %swap3A_663 {strides = array<i32>} : memref<32x512xf32, #tpu.memory_space<vmem>>, vector<1x16xf32>,
        %lt3A_664 = arith.constant 0 : i32
        %lt3A_665 = vector.broadcast %lt3A_664 : i32 to vector<16xi32>
        %lt3A_666 = arith.cmpi slt, %or3A, %lt3A_665 : vector<16xi32>
        %add3A_667 = arith.constant 16 : i32
        %add3A_668 = vector.broadcast %add3A_667 : i32 to vector<16xi32>
        %add3A_669 = arith.addi %or3A, %add3A_668 : vector<16xi32>
        %select_n3A_670 = arith.select %lt3A_666, %add3A_669, %or3A : vector<16xi1>, vector<16xi32>
        %broadcast_in_dim3A_671 = vector.shape_cast %select_n3A_670 : vector<16xi32> to vector<16x1xi32>
        %gather3A_672 = vector.shape_cast %broadcast_in_dim3A_671 : vector<16x1xi32> to vector<16xi32>
        %gather3A_673 = tpu.dynamic_gather %get3A_162[%gather3A_672] in [0] : vector<16xf32>, vector<16xi32> -> vector<16xf32>
        %mul3A_674 = arith.mulf %gather3A_673, %div3A_504 : vector<16xf32>
        %swap3A_675 = arith.index_cast %scan3A_119 : i32 to index
        %swap3A_676 = arith.constant 160 : index
        %swap3A_677 = tpu.vector_load %arg6[%swap3A_675, %swap3A_676] {strides = array<i32>} : memref<32x512xf32, #tpu.memory_space<vmem>>, vector<1x16xf32>,
        %swap3A_678 = vector.shape_cast %swap3A_677 : vector<1x16xf32> to vector<16xf32>
        %swap3A_679 = vector.shape_cast %mul3A_674 : vector<16xf32> to vector<1x16xf32>
        tpu.vector_store %arg6[%swap3A_675, %swap3A_676], %swap3A_679 {strides = array<i32>} : memref<32x512xf32, #tpu.memory_space<vmem>>, vector<1x16xf32>,
        %lt3A_680 = arith.constant 0 : i32
        %lt3A_681 = vector.broadcast %lt3A_680 : i32 to vector<16xi32>
        %lt3A_682 = arith.cmpi slt, %or3A, %lt3A_681 : vector<16xi32>
        %add3A_683 = arith.constant 16 : i32
        %add3A_684 = vector.broadcast %add3A_683 : i32 to vector<16xi32>
        %add3A_685 = arith.addi %or3A, %add3A_684 : vector<16xi32>
        %select_n3A_686 = arith.select %lt3A_682, %add3A_685, %or3A : vector<16xi1>, vector<16xi32>
        %broadcast_in_dim3A_687 = vector.shape_cast %select_n3A_686 : vector<16xi32> to vector<16x1xi32>
        %gather3A_688 = vector.shape_cast %broadcast_in_dim3A_687 : vector<16x1xi32> to vector<16xi32>
        %gather3A_689 = tpu.dynamic_gather %get3A_166[%gather3A_688] in [0] : vector<16xf32>, vector<16xi32> -> vector<16xf32>
        %mul3A_690 = arith.mulf %gather3A_689, %div3A_504 : vector<16xf32>
        %swap3A_691 = arith.index_cast %scan3A_119 : i32 to index
        %swap3A_692 = arith.constant 176 : index
        %swap3A_693 = tpu.vector_load %arg6[%swap3A_691, %swap3A_692] {strides = array<i32>} : memref<32x512xf32, #tpu.memory_space<vmem>>, vector<1x16xf32>,
        %swap3A_694 = vector.shape_cast %swap3A_693 : vector<1x16xf32> to vector<16xf32>
        %swap3A_695 = vector.shape_cast %mul3A_690 : vector<16xf32> to vector<1x16xf32>
        tpu.vector_store %arg6[%swap3A_691, %swap3A_692], %swap3A_695 {strides = array<i32>} : memref<32x512xf32, #tpu.memory_space<vmem>>, vector<1x16xf32>,
        %lt3A_696 = arith.constant 0 : i32
        %lt3A_697 = vector.broadcast %lt3A_696 : i32 to vector<16xi32>
        %lt3A_698 = arith.cmpi slt, %or3A, %lt3A_697 : vector<16xi32>
        %add3A_699 = arith.constant 16 : i32
        %add3A_700 = vector.broadcast %add3A_699 : i32 to vector<16xi32>
        %add3A_701 = arith.addi %or3A, %add3A_700 : vector<16xi32>
        %select_n3A_702 = arith.select %lt3A_698, %add3A_701, %or3A : vector<16xi1>, vector<16xi32>
        %broadcast_in_dim3A_703 = vector.shape_cast %select_n3A_702 : vector<16xi32> to vector<16x1xi32>
        %gather3A_704 = vector.shape_cast %broadcast_in_dim3A_703 : vector<16x1xi32> to vector<16xi32>
        %gather3A_705 = tpu.dynamic_gather %get3A_170[%gather3A_704] in [0] : vector<16xf32>, vector<16xi32> -> vector<16xf32>
        %mul3A_706 = arith.mulf %gather3A_705, %div3A_504 : vector<16xf32>
        %swap3A_707 = arith.index_cast %scan3A_119 : i32 to index
        %swap3A_708 = arith.constant 192 : index
        %swap3A_709 = tpu.vector_load %arg6[%swap3A_707, %swap3A_708] {strides = array<i32>} : memref<32x512xf32, #tpu.memory_space<vmem>>, vector<1x16xf32>,
        %swap3A_710 = vector.shape_cast %swap3A_709 : vector<1x16xf32> to vector<16xf32>
        %swap3A_711 = vector.shape_cast %mul3A_706 : vector<16xf32> to vector<1x16xf32>
        tpu.vector_store %arg6[%swap3A_707, %swap3A_708], %swap3A_711 {strides = array<i32>} : memref<32x512xf32, #tpu.memory_space<vmem>>, vector<1x16xf32>,
        %lt3A_712 = arith.constant 0 : i32
        %lt3A_713 = vector.broadcast %lt3A_712 : i32 to vector<16xi32>
        %lt3A_714 = arith.cmpi slt, %or3A, %lt3A_713 : vector<16xi32>
        %add3A_715 = arith.constant 16 : i32
        %add3A_716 = vector.broadcast %add3A_715 : i32 to vector<16xi32>
        %add3A_717 = arith.addi %or3A, %add3A_716 : vector<16xi32>
        %select_n3A_718 = arith.select %lt3A_714, %add3A_717, %or3A : vector<16xi1>, vector<16xi32>
        %broadcast_in_dim3A_719 = vector.shape_cast %select_n3A_718 : vector<16xi32> to vector<16x1xi32>
        %gather3A_720 = vector.shape_cast %broadcast_in_dim3A_719 : vector<16x1xi32> to vector<16xi32>
        %gather3A_721 = tpu.dynamic_gather %get3A_174[%gather3A_720] in [0] : vector<16xf32>, vector<16xi32> -> vector<16xf32>
        %mul3A_722 = arith.mulf %gather3A_721, %div3A_504 : vector<16xf32>
        %swap3A_723 = arith.index_cast %scan3A_119 : i32 to index
        %swap3A_724 = arith.constant 208 : index
        %swap3A_725 = tpu.vector_load %arg6[%swap3A_723, %swap3A_724] {strides = array<i32>} : memref<32x512xf32, #tpu.memory_space<vmem>>, vector<1x16xf32>,
        %swap3A_726 = vector.shape_cast %swap3A_725 : vector<1x16xf32> to vector<16xf32>
        %swap3A_727 = vector.shape_cast %mul3A_722 : vector<16xf32> to vector<1x16xf32>
        tpu.vector_store %arg6[%swap3A_723, %swap3A_724], %swap3A_727 {strides = array<i32>} : memref<32x512xf32, #tpu.memory_space<vmem>>, vector<1x16xf32>,
        %lt3A_728 = arith.constant 0 : i32
        %lt3A_729 = vector.broadcast %lt3A_728 : i32 to vector<16xi32>
        %lt3A_730 = arith.cmpi slt, %or3A, %lt3A_729 : vector<16xi32>
        %add3A_731 = arith.constant 16 : i32
        %add3A_732 = vector.broadcast %add3A_731 : i32 to vector<16xi32>
        %add3A_733 = arith.addi %or3A, %add3A_732 : vector<16xi32>
        %select_n3A_734 = arith.select %lt3A_730, %add3A_733, %or3A : vector<16xi1>, vector<16xi32>
        %broadcast_in_dim3A_735 = vector.shape_cast %select_n3A_734 : vector<16xi32> to vector<16x1xi32>
        %gather3A_736 = vector.shape_cast %broadcast_in_dim3A_735 : vector<16x1xi32> to vector<16xi32>
        %gather3A_737 = tpu.dynamic_gather %get3A_178[%gather3A_736] in [0] : vector<16xf32>, vector<16xi32> -> vector<16xf32>
        %mul3A_738 = arith.mulf %gather3A_737, %div3A_504 : vector<16xf32>
        %swap3A_739 = arith.index_cast %scan3A_119 : i32 to index
        %swap3A_740 = arith.constant 224 : index
        %swap3A_741 = tpu.vector_load %arg6[%swap3A_739, %swap3A_740] {strides = array<i32>} : memref<32x512xf32, #tpu.memory_space<vmem>>, vector<1x16xf32>,
        %swap3A_742 = vector.shape_cast %swap3A_741 : vector<1x16xf32> to vector<16xf32>
        %swap3A_743 = vector.shape_cast %mul3A_738 : vector<16xf32> to vector<1x16xf32>
        tpu.vector_store %arg6[%swap3A_739, %swap3A_740], %swap3A_743 {strides = array<i32>} : memref<32x512xf32, #tpu.memory_space<vmem>>, vector<1x16xf32>,
        %lt3A_744 = arith.constant 0 : i32
        %lt3A_745 = vector.broadcast %lt3A_744 : i32 to vector<16xi32>
        %lt3A_746 = arith.cmpi slt, %or3A, %lt3A_745 : vector<16xi32>
        %add3A_747 = arith.constant 16 : i32
        %add3A_748 = vector.broadcast %add3A_747 : i32 to vector<16xi32>
        %add3A_749 = arith.addi %or3A, %add3A_748 : vector<16xi32>
        %select_n3A_750 = arith.select %lt3A_746, %add3A_749, %or3A : vector<16xi1>, vector<16xi32>
        %broadcast_in_dim3A_751 = vector.shape_cast %select_n3A_750 : vector<16xi32> to vector<16x1xi32>
        %gather3A_752 = vector.shape_cast %broadcast_in_dim3A_751 : vector<16x1xi32> to vector<16xi32>
        %gather3A_753 = tpu.dynamic_gather %get3A_182[%gather3A_752] in [0] : vector<16xf32>, vector<16xi32> -> vector<16xf32>
        %mul3A_754 = arith.mulf %gather3A_753, %div3A_504 : vector<16xf32>
        %swap3A_755 = arith.index_cast %scan3A_119 : i32 to index
        %swap3A_756 = arith.constant 240 : index
        %swap3A_757 = tpu.vector_load %arg6[%swap3A_755, %swap3A_756] {strides = array<i32>} : memref<32x512xf32, #tpu.memory_space<vmem>>, vector<1x16xf32>,
        %swap3A_758 = vector.shape_cast %swap3A_757 : vector<1x16xf32> to vector<16xf32>
        %swap3A_759 = vector.shape_cast %mul3A_754 : vector<16xf32> to vector<1x16xf32>
        tpu.vector_store %arg6[%swap3A_755, %swap3A_756], %swap3A_759 {strides = array<i32>} : memref<32x512xf32, #tpu.memory_space<vmem>>, vector<1x16xf32>,
        %lt3A_760 = arith.constant 0 : i32
        %lt3A_761 = vector.broadcast %lt3A_760 : i32 to vector<16xi32>
        %lt3A_762 = arith.cmpi slt, %or3A, %lt3A_761 : vector<16xi32>
        %add3A_763 = arith.constant 16 : i32
        %add3A_764 = vector.broadcast %add3A_763 : i32 to vector<16xi32>
        %add3A_765 = arith.addi %or3A, %add3A_764 : vector<16xi32>
        %select_n3A_766 = arith.select %lt3A_762, %add3A_765, %or3A : vector<16xi1>, vector<16xi32>
        %broadcast_in_dim3A_767 = vector.shape_cast %select_n3A_766 : vector<16xi32> to vector<16x1xi32>
        %gather3A_768 = vector.shape_cast %broadcast_in_dim3A_767 : vector<16x1xi32> to vector<16xi32>
        %gather3A_769 = tpu.dynamic_gather %get3A_186[%gather3A_768] in [0] : vector<16xf32>, vector<16xi32> -> vector<16xf32>
        %mul3A_770 = arith.mulf %gather3A_769, %div3A_504 : vector<16xf32>
        %swap3A_771 = arith.index_cast %scan3A_119 : i32 to index
        %swap3A_772 = arith.constant 256 : index
        %swap3A_773 = tpu.vector_load %arg6[%swap3A_771, %swap3A_772] {strides = array<i32>} : memref<32x512xf32, #tpu.memory_space<vmem>>, vector<1x16xf32>,
        %swap3A_774 = vector.shape_cast %swap3A_773 : vector<1x16xf32> to vector<16xf32>
        %swap3A_775 = vector.shape_cast %mul3A_770 : vector<16xf32> to vector<1x16xf32>
        tpu.vector_store %arg6[%swap3A_771, %swap3A_772], %swap3A_775 {strides = array<i32>} : memref<32x512xf32, #tpu.memory_space<vmem>>, vector<1x16xf32>,
        %lt3A_776 = arith.constant 0 : i32
        %lt3A_777 = vector.broadcast %lt3A_776 : i32 to vector<16xi32>
        %lt3A_778 = arith.cmpi slt, %or3A, %lt3A_777 : vector<16xi32>
        %add3A_779 = arith.constant 16 : i32
        %add3A_780 = vector.broadcast %add3A_779 : i32 to vector<16xi32>
        %add3A_781 = arith.addi %or3A, %add3A_780 : vector<16xi32>
        %select_n3A_782 = arith.select %lt3A_778, %add3A_781, %or3A : vector<16xi1>, vector<16xi32>
        %broadcast_in_dim3A_783 = vector.shape_cast %select_n3A_782 : vector<16xi32> to vector<16x1xi32>
        %gather3A_784 = vector.shape_cast %broadcast_in_dim3A_783 : vector<16x1xi32> to vector<16xi32>
        %gather3A_785 = tpu.dynamic_gather %get3A_190[%gather3A_784] in [0] : vector<16xf32>, vector<16xi32> -> vector<16xf32>
        %mul3A_786 = arith.mulf %gather3A_785, %div3A_504 : vector<16xf32>
        %swap3A_787 = arith.index_cast %scan3A_119 : i32 to index
        %swap3A_788 = arith.constant 272 : index
        %swap3A_789 = tpu.vector_load %arg6[%swap3A_787, %swap3A_788] {strides = array<i32>} : memref<32x512xf32, #tpu.memory_space<vmem>>, vector<1x16xf32>,
        %swap3A_790 = vector.shape_cast %swap3A_789 : vector<1x16xf32> to vector<16xf32>
        %swap3A_791 = vector.shape_cast %mul3A_786 : vector<16xf32> to vector<1x16xf32>
        tpu.vector_store %arg6[%swap3A_787, %swap3A_788], %swap3A_791 {strides = array<i32>} : memref<32x512xf32, #tpu.memory_space<vmem>>, vector<1x16xf32>,
        %lt3A_792 = arith.constant 0 : i32
        %lt3A_793 = vector.broadcast %lt3A_792 : i32 to vector<16xi32>
        %lt3A_794 = arith.cmpi slt, %or3A, %lt3A_793 : vector<16xi32>
        %add3A_795 = arith.constant 16 : i32
        %add3A_796 = vector.broadcast %add3A_795 : i32 to vector<16xi32>
        %add3A_797 = arith.addi %or3A, %add3A_796 : vector<16xi32>
        %select_n3A_798 = arith.select %lt3A_794, %add3A_797, %or3A : vector<16xi1>, vector<16xi32>
        %broadcast_in_dim3A_799 = vector.shape_cast %select_n3A_798 : vector<16xi32> to vector<16x1xi32>
        %gather3A_800 = vector.shape_cast %broadcast_in_dim3A_799 : vector<16x1xi32> to vector<16xi32>
        %gather3A_801 = tpu.dynamic_gather %get3A_194[%gather3A_800] in [0] : vector<16xf32>, vector<16xi32> -> vector<16xf32>
        %mul3A_802 = arith.mulf %gather3A_801, %div3A_504 : vector<16xf32>
        %swap3A_803 = arith.index_cast %scan3A_119 : i32 to index
        %swap3A_804 = arith.constant 288 : index
        %swap3A_805 = tpu.vector_load %arg6[%swap3A_803, %swap3A_804] {strides = array<i32>} : memref<32x512xf32, #tpu.memory_space<vmem>>, vector<1x16xf32>,
        %swap3A_806 = vector.shape_cast %swap3A_805 : vector<1x16xf32> to vector<16xf32>
        %swap3A_807 = vector.shape_cast %mul3A_802 : vector<16xf32> to vector<1x16xf32>
        tpu.vector_store %arg6[%swap3A_803, %swap3A_804], %swap3A_807 {strides = array<i32>} : memref<32x512xf32, #tpu.memory_space<vmem>>, vector<1x16xf32>,
        %lt3A_808 = arith.constant 0 : i32
        %lt3A_809 = vector.broadcast %lt3A_808 : i32 to vector<16xi32>
        %lt3A_810 = arith.cmpi slt, %or3A, %lt3A_809 : vector<16xi32>
        %add3A_811 = arith.constant 16 : i32
        %add3A_812 = vector.broadcast %add3A_811 : i32 to vector<16xi32>
        %add3A_813 = arith.addi %or3A, %add3A_812 : vector<16xi32>
        %select_n3A_814 = arith.select %lt3A_810, %add3A_813, %or3A : vector<16xi1>, vector<16xi32>
        %broadcast_in_dim3A_815 = vector.shape_cast %select_n3A_814 : vector<16xi32> to vector<16x1xi32>
        %gather3A_816 = vector.shape_cast %broadcast_in_dim3A_815 : vector<16x1xi32> to vector<16xi32>
        %gather3A_817 = tpu.dynamic_gather %get3A_198[%gather3A_816] in [0] : vector<16xf32>, vector<16xi32> -> vector<16xf32>
        %mul3A_818 = arith.mulf %gather3A_817, %div3A_504 : vector<16xf32>
        %swap3A_819 = arith.index_cast %scan3A_119 : i32 to index
        %swap3A_820 = arith.constant 304 : index
        %swap3A_821 = tpu.vector_load %arg6[%swap3A_819, %swap3A_820] {strides = array<i32>} : memref<32x512xf32, #tpu.memory_space<vmem>>, vector<1x16xf32>,
        %swap3A_822 = vector.shape_cast %swap3A_821 : vector<1x16xf32> to vector<16xf32>
        %swap3A_823 = vector.shape_cast %mul3A_818 : vector<16xf32> to vector<1x16xf32>
        tpu.vector_store %arg6[%swap3A_819, %swap3A_820], %swap3A_823 {strides = array<i32>} : memref<32x512xf32, #tpu.memory_space<vmem>>, vector<1x16xf32>,
        %lt3A_824 = arith.constant 0 : i32
        %lt3A_825 = vector.broadcast %lt3A_824 : i32 to vector<16xi32>
        %lt3A_826 = arith.cmpi slt, %or3A, %lt3A_825 : vector<16xi32>
        %add3A_827 = arith.constant 16 : i32
        %add3A_828 = vector.broadcast %add3A_827 : i32 to vector<16xi32>
        %add3A_829 = arith.addi %or3A, %add3A_828 : vector<16xi32>
        %select_n3A_830 = arith.select %lt3A_826, %add3A_829, %or3A : vector<16xi1>, vector<16xi32>
        %broadcast_in_dim3A_831 = vector.shape_cast %select_n3A_830 : vector<16xi32> to vector<16x1xi32>
        %gather3A_832 = vector.shape_cast %broadcast_in_dim3A_831 : vector<16x1xi32> to vector<16xi32>
        %gather3A_833 = tpu.dynamic_gather %get3A_202[%gather3A_832] in [0] : vector<16xf32>, vector<16xi32> -> vector<16xf32>
        %mul3A_834 = arith.mulf %gather3A_833, %div3A_504 : vector<16xf32>
        %swap3A_835 = arith.index_cast %scan3A_119 : i32 to index
        %swap3A_836 = arith.constant 320 : index
        %swap3A_837 = tpu.vector_load %arg6[%swap3A_835, %swap3A_836] {strides = array<i32>} : memref<32x512xf32, #tpu.memory_space<vmem>>, vector<1x16xf32>,
        %swap3A_838 = vector.shape_cast %swap3A_837 : vector<1x16xf32> to vector<16xf32>
        %swap3A_839 = vector.shape_cast %mul3A_834 : vector<16xf32> to vector<1x16xf32>
        tpu.vector_store %arg6[%swap3A_835, %swap3A_836], %swap3A_839 {strides = array<i32>} : memref<32x512xf32, #tpu.memory_space<vmem>>, vector<1x16xf32>,
        %lt3A_840 = arith.constant 0 : i32
        %lt3A_841 = vector.broadcast %lt3A_840 : i32 to vector<16xi32>
        %lt3A_842 = arith.cmpi slt, %or3A, %lt3A_841 : vector<16xi32>
        %add3A_843 = arith.constant 16 : i32
        %add3A_844 = vector.broadcast %add3A_843 : i32 to vector<16xi32>
        %add3A_845 = arith.addi %or3A, %add3A_844 : vector<16xi32>
        %select_n3A_846 = arith.select %lt3A_842, %add3A_845, %or3A : vector<16xi1>, vector<16xi32>
        %broadcast_in_dim3A_847 = vector.shape_cast %select_n3A_846 : vector<16xi32> to vector<16x1xi32>
        %gather3A_848 = vector.shape_cast %broadcast_in_dim3A_847 : vector<16x1xi32> to vector<16xi32>
        %gather3A_849 = tpu.dynamic_gather %get3A_206[%gather3A_848] in [0] : vector<16xf32>, vector<16xi32> -> vector<16xf32>
        %mul3A_850 = arith.mulf %gather3A_849, %div3A_504 : vector<16xf32>
        %swap3A_851 = arith.index_cast %scan3A_119 : i32 to index
        %swap3A_852 = arith.constant 336 : index
        %swap3A_853 = tpu.vector_load %arg6[%swap3A_851, %swap3A_852] {strides = array<i32>} : memref<32x512xf32, #tpu.memory_space<vmem>>, vector<1x16xf32>,
        %swap3A_854 = vector.shape_cast %swap3A_853 : vector<1x16xf32> to vector<16xf32>
        %swap3A_855 = vector.shape_cast %mul3A_850 : vector<16xf32> to vector<1x16xf32>
        tpu.vector_store %arg6[%swap3A_851, %swap3A_852], %swap3A_855 {strides = array<i32>} : memref<32x512xf32, #tpu.memory_space<vmem>>, vector<1x16xf32>,
        %lt3A_856 = arith.constant 0 : i32
        %lt3A_857 = vector.broadcast %lt3A_856 : i32 to vector<16xi32>
        %lt3A_858 = arith.cmpi slt, %or3A, %lt3A_857 : vector<16xi32>
        %add3A_859 = arith.constant 16 : i32
        %add3A_860 = vector.broadcast %add3A_859 : i32 to vector<16xi32>
        %add3A_861 = arith.addi %or3A, %add3A_860 : vector<16xi32>
        %select_n3A_862 = arith.select %lt3A_858, %add3A_861, %or3A : vector<16xi1>, vector<16xi32>
        %broadcast_in_dim3A_863 = vector.shape_cast %select_n3A_862 : vector<16xi32> to vector<16x1xi32>
        %gather3A_864 = vector.shape_cast %broadcast_in_dim3A_863 : vector<16x1xi32> to vector<16xi32>
        %gather3A_865 = tpu.dynamic_gather %get3A_210[%gather3A_864] in [0] : vector<16xf32>, vector<16xi32> -> vector<16xf32>
        %mul3A_866 = arith.mulf %gather3A_865, %div3A_504 : vector<16xf32>
        %swap3A_867 = arith.index_cast %scan3A_119 : i32 to index
        %swap3A_868 = arith.constant 352 : index
        %swap3A_869 = tpu.vector_load %arg6[%swap3A_867, %swap3A_868] {strides = array<i32>} : memref<32x512xf32, #tpu.memory_space<vmem>>, vector<1x16xf32>,
        %swap3A_870 = vector.shape_cast %swap3A_869 : vector<1x16xf32> to vector<16xf32>
        %swap3A_871 = vector.shape_cast %mul3A_866 : vector<16xf32> to vector<1x16xf32>
        tpu.vector_store %arg6[%swap3A_867, %swap3A_868], %swap3A_871 {strides = array<i32>} : memref<32x512xf32, #tpu.memory_space<vmem>>, vector<1x16xf32>,
        %lt3A_872 = arith.constant 0 : i32
        %lt3A_873 = vector.broadcast %lt3A_872 : i32 to vector<16xi32>
        %lt3A_874 = arith.cmpi slt, %or3A, %lt3A_873 : vector<16xi32>
        %add3A_875 = arith.constant 16 : i32
        %add3A_876 = vector.broadcast %add3A_875 : i32 to vector<16xi32>
        %add3A_877 = arith.addi %or3A, %add3A_876 : vector<16xi32>
        %select_n3A_878 = arith.select %lt3A_874, %add3A_877, %or3A : vector<16xi1>, vector<16xi32>
        %broadcast_in_dim3A_879 = vector.shape_cast %select_n3A_878 : vector<16xi32> to vector<16x1xi32>
        %gather3A_880 = vector.shape_cast %broadcast_in_dim3A_879 : vector<16x1xi32> to vector<16xi32>
        %gather3A_881 = tpu.dynamic_gather %get3A_214[%gather3A_880] in [0] : vector<16xf32>, vector<16xi32> -> vector<16xf32>
        %mul3A_882 = arith.mulf %gather3A_881, %div3A_504 : vector<16xf32>
        %swap3A_883 = arith.index_cast %scan3A_119 : i32 to index
        %swap3A_884 = arith.constant 368 : index
        %swap3A_885 = tpu.vector_load %arg6[%swap3A_883, %swap3A_884] {strides = array<i32>} : memref<32x512xf32, #tpu.memory_space<vmem>>, vector<1x16xf32>,
        %swap3A_886 = vector.shape_cast %swap3A_885 : vector<1x16xf32> to vector<16xf32>
        %swap3A_887 = vector.shape_cast %mul3A_882 : vector<16xf32> to vector<1x16xf32>
        tpu.vector_store %arg6[%swap3A_883, %swap3A_884], %swap3A_887 {strides = array<i32>} : memref<32x512xf32, #tpu.memory_space<vmem>>, vector<1x16xf32>,
        %lt3A_888 = arith.constant 0 : i32
        %lt3A_889 = vector.broadcast %lt3A_888 : i32 to vector<16xi32>
        %lt3A_890 = arith.cmpi slt, %or3A, %lt3A_889 : vector<16xi32>
        %add3A_891 = arith.constant 16 : i32
        %add3A_892 = vector.broadcast %add3A_891 : i32 to vector<16xi32>
        %add3A_893 = arith.addi %or3A, %add3A_892 : vector<16xi32>
        %select_n3A_894 = arith.select %lt3A_890, %add3A_893, %or3A : vector<16xi1>, vector<16xi32>
        %broadcast_in_dim3A_895 = vector.shape_cast %select_n3A_894 : vector<16xi32> to vector<16x1xi32>
        %gather3A_896 = vector.shape_cast %broadcast_in_dim3A_895 : vector<16x1xi32> to vector<16xi32>
        %gather3A_897 = tpu.dynamic_gather %get3A_218[%gather3A_896] in [0] : vector<16xf32>, vector<16xi32> -> vector<16xf32>
        %mul3A_898 = arith.mulf %gather3A_897, %div3A_504 : vector<16xf32>
        %swap3A_899 = arith.index_cast %scan3A_119 : i32 to index
        %swap3A_900 = arith.constant 384 : index
        %swap3A_901 = tpu.vector_load %arg6[%swap3A_899, %swap3A_900] {strides = array<i32>} : memref<32x512xf32, #tpu.memory_space<vmem>>, vector<1x16xf32>,
        %swap3A_902 = vector.shape_cast %swap3A_901 : vector<1x16xf32> to vector<16xf32>
        %swap3A_903 = vector.shape_cast %mul3A_898 : vector<16xf32> to vector<1x16xf32>
        tpu.vector_store %arg6[%swap3A_899, %swap3A_900], %swap3A_903 {strides = array<i32>} : memref<32x512xf32, #tpu.memory_space<vmem>>, vector<1x16xf32>,
        %lt3A_904 = arith.constant 0 : i32
        %lt3A_905 = vector.broadcast %lt3A_904 : i32 to vector<16xi32>
        %lt3A_906 = arith.cmpi slt, %or3A, %lt3A_905 : vector<16xi32>
        %add3A_907 = arith.constant 16 : i32
        %add3A_908 = vector.broadcast %add3A_907 : i32 to vector<16xi32>
        %add3A_909 = arith.addi %or3A, %add3A_908 : vector<16xi32>
        %select_n3A_910 = arith.select %lt3A_906, %add3A_909, %or3A : vector<16xi1>, vector<16xi32>
        %broadcast_in_dim3A_911 = vector.shape_cast %select_n3A_910 : vector<16xi32> to vector<16x1xi32>
        %gather3A_912 = vector.shape_cast %broadcast_in_dim3A_911 : vector<16x1xi32> to vector<16xi32>
        %gather3A_913 = tpu.dynamic_gather %get3A_222[%gather3A_912] in [0] : vector<16xf32>, vector<16xi32> -> vector<16xf32>
        %mul3A_914 = arith.mulf %gather3A_913, %div3A_504 : vector<16xf32>
        %swap3A_915 = arith.index_cast %scan3A_119 : i32 to index
        %swap3A_916 = arith.constant 400 : index
        %swap3A_917 = tpu.vector_load %arg6[%swap3A_915, %swap3A_916] {strides = array<i32>} : memref<32x512xf32, #tpu.memory_space<vmem>>, vector<1x16xf32>,
        %swap3A_918 = vector.shape_cast %swap3A_917 : vector<1x16xf32> to vector<16xf32>
        %swap3A_919 = vector.shape_cast %mul3A_914 : vector<16xf32> to vector<1x16xf32>
        tpu.vector_store %arg6[%swap3A_915, %swap3A_916], %swap3A_919 {strides = array<i32>} : memref<32x512xf32, #tpu.memory_space<vmem>>, vector<1x16xf32>,
        %lt3A_920 = arith.constant 0 : i32
        %lt3A_921 = vector.broadcast %lt3A_920 : i32 to vector<16xi32>
        %lt3A_922 = arith.cmpi slt, %or3A, %lt3A_921 : vector<16xi32>
        %add3A_923 = arith.constant 16 : i32
        %add3A_924 = vector.broadcast %add3A_923 : i32 to vector<16xi32>
        %add3A_925 = arith.addi %or3A, %add3A_924 : vector<16xi32>
        %select_n3A_926 = arith.select %lt3A_922, %add3A_925, %or3A : vector<16xi1>, vector<16xi32>
        %broadcast_in_dim3A_927 = vector.shape_cast %select_n3A_926 : vector<16xi32> to vector<16x1xi32>
        %gather3A_928 = vector.shape_cast %broadcast_in_dim3A_927 : vector<16x1xi32> to vector<16xi32>
        %gather3A_929 = tpu.dynamic_gather %get3A_226[%gather3A_928] in [0] : vector<16xf32>, vector<16xi32> -> vector<16xf32>
        %mul3A_930 = arith.mulf %gather3A_929, %div3A_504 : vector<16xf32>
        %swap3A_931 = arith.index_cast %scan3A_119 : i32 to index
        %swap3A_932 = arith.constant 416 : index
        %swap3A_933 = tpu.vector_load %arg6[%swap3A_931, %swap3A_932] {strides = array<i32>} : memref<32x512xf32, #tpu.memory_space<vmem>>, vector<1x16xf32>,
        %swap3A_934 = vector.shape_cast %swap3A_933 : vector<1x16xf32> to vector<16xf32>
        %swap3A_935 = vector.shape_cast %mul3A_930 : vector<16xf32> to vector<1x16xf32>
        tpu.vector_store %arg6[%swap3A_931, %swap3A_932], %swap3A_935 {strides = array<i32>} : memref<32x512xf32, #tpu.memory_space<vmem>>, vector<1x16xf32>,
        %lt3A_936 = arith.constant 0 : i32
        %lt3A_937 = vector.broadcast %lt3A_936 : i32 to vector<16xi32>
        %lt3A_938 = arith.cmpi slt, %or3A, %lt3A_937 : vector<16xi32>
        %add3A_939 = arith.constant 16 : i32
        %add3A_940 = vector.broadcast %add3A_939 : i32 to vector<16xi32>
        %add3A_941 = arith.addi %or3A, %add3A_940 : vector<16xi32>
        %select_n3A_942 = arith.select %lt3A_938, %add3A_941, %or3A : vector<16xi1>, vector<16xi32>
        %broadcast_in_dim3A_943 = vector.shape_cast %select_n3A_942 : vector<16xi32> to vector<16x1xi32>
        %gather3A_944 = vector.shape_cast %broadcast_in_dim3A_943 : vector<16x1xi32> to vector<16xi32>
        %gather3A_945 = tpu.dynamic_gather %get3A_230[%gather3A_944] in [0] : vector<16xf32>, vector<16xi32> -> vector<16xf32>
        %mul3A_946 = arith.mulf %gather3A_945, %div3A_504 : vector<16xf32>
        %swap3A_947 = arith.index_cast %scan3A_119 : i32 to index
        %swap3A_948 = arith.constant 432 : index
        %swap3A_949 = tpu.vector_load %arg6[%swap3A_947, %swap3A_948] {strides = array<i32>} : memref<32x512xf32, #tpu.memory_space<vmem>>, vector<1x16xf32>,
        %swap3A_950 = vector.shape_cast %swap3A_949 : vector<1x16xf32> to vector<16xf32>
        %swap3A_951 = vector.shape_cast %mul3A_946 : vector<16xf32> to vector<1x16xf32>
        tpu.vector_store %arg6[%swap3A_947, %swap3A_948], %swap3A_951 {strides = array<i32>} : memref<32x512xf32, #tpu.memory_space<vmem>>, vector<1x16xf32>,
        %lt3A_952 = arith.constant 0 : i32
        %lt3A_953 = vector.broadcast %lt3A_952 : i32 to vector<16xi32>
        %lt3A_954 = arith.cmpi slt, %or3A, %lt3A_953 : vector<16xi32>
        %add3A_955 = arith.constant 16 : i32
        %add3A_956 = vector.broadcast %add3A_955 : i32 to vector<16xi32>
        %add3A_957 = arith.addi %or3A, %add3A_956 : vector<16xi32>
        %select_n3A_958 = arith.select %lt3A_954, %add3A_957, %or3A : vector<16xi1>, vector<16xi32>
        %broadcast_in_dim3A_959 = vector.shape_cast %select_n3A_958 : vector<16xi32> to vector<16x1xi32>
        %gather3A_960 = vector.shape_cast %broadcast_in_dim3A_959 : vector<16x1xi32> to vector<16xi32>
        %gather3A_961 = tpu.dynamic_gather %get3A_234[%gather3A_960] in [0] : vector<16xf32>, vector<16xi32> -> vector<16xf32>
        %mul3A_962 = arith.mulf %gather3A_961, %div3A_504 : vector<16xf32>
        %swap3A_963 = arith.index_cast %scan3A_119 : i32 to index
        %swap3A_964 = arith.constant 448 : index
        %swap3A_965 = tpu.vector_load %arg6[%swap3A_963, %swap3A_964] {strides = array<i32>} : memref<32x512xf32, #tpu.memory_space<vmem>>, vector<1x16xf32>,
        %swap3A_966 = vector.shape_cast %swap3A_965 : vector<1x16xf32> to vector<16xf32>
        %swap3A_967 = vector.shape_cast %mul3A_962 : vector<16xf32> to vector<1x16xf32>
        tpu.vector_store %arg6[%swap3A_963, %swap3A_964], %swap3A_967 {strides = array<i32>} : memref<32x512xf32, #tpu.memory_space<vmem>>, vector<1x16xf32>,
        %lt3A_968 = arith.constant 0 : i32
        %lt3A_969 = vector.broadcast %lt3A_968 : i32 to vector<16xi32>
        %lt3A_970 = arith.cmpi slt, %or3A, %lt3A_969 : vector<16xi32>
        %add3A_971 = arith.constant 16 : i32
        %add3A_972 = vector.broadcast %add3A_971 : i32 to vector<16xi32>
        %add3A_973 = arith.addi %or3A, %add3A_972 : vector<16xi32>
        %select_n3A_974 = arith.select %lt3A_970, %add3A_973, %or3A : vector<16xi1>, vector<16xi32>
        %broadcast_in_dim3A_975 = vector.shape_cast %select_n3A_974 : vector<16xi32> to vector<16x1xi32>
        %gather3A_976 = vector.shape_cast %broadcast_in_dim3A_975 : vector<16x1xi32> to vector<16xi32>
        %gather3A_977 = tpu.dynamic_gather %get3A_238[%gather3A_976] in [0] : vector<16xf32>, vector<16xi32> -> vector<16xf32>
        %mul3A_978 = arith.mulf %gather3A_977, %div3A_504 : vector<16xf32>
        %swap3A_979 = arith.index_cast %scan3A_119 : i32 to index
        %swap3A_980 = arith.constant 464 : index
        %swap3A_981 = tpu.vector_load %arg6[%swap3A_979, %swap3A_980] {strides = array<i32>} : memref<32x512xf32, #tpu.memory_space<vmem>>, vector<1x16xf32>,
        %swap3A_982 = vector.shape_cast %swap3A_981 : vector<1x16xf32> to vector<16xf32>
        %swap3A_983 = vector.shape_cast %mul3A_978 : vector<16xf32> to vector<1x16xf32>
        tpu.vector_store %arg6[%swap3A_979, %swap3A_980], %swap3A_983 {strides = array<i32>} : memref<32x512xf32, #tpu.memory_space<vmem>>, vector<1x16xf32>,
        %lt3A_984 = arith.constant 0 : i32
        %lt3A_985 = vector.broadcast %lt3A_984 : i32 to vector<16xi32>
        %lt3A_986 = arith.cmpi slt, %or3A, %lt3A_985 : vector<16xi32>
        %add3A_987 = arith.constant 16 : i32
        %add3A_988 = vector.broadcast %add3A_987 : i32 to vector<16xi32>
        %add3A_989 = arith.addi %or3A, %add3A_988 : vector<16xi32>
        %select_n3A_990 = arith.select %lt3A_986, %add3A_989, %or3A : vector<16xi1>, vector<16xi32>
        %broadcast_in_dim3A_991 = vector.shape_cast %select_n3A_990 : vector<16xi32> to vector<16x1xi32>
        %gather3A_992 = vector.shape_cast %broadcast_in_dim3A_991 : vector<16x1xi32> to vector<16xi32>
        %gather3A_993 = tpu.dynamic_gather %get3A_242[%gather3A_992] in [0] : vector<16xf32>, vector<16xi32> -> vector<16xf32>
        %mul3A_994 = arith.mulf %gather3A_993, %div3A_504 : vector<16xf32>
        %swap3A_995 = arith.index_cast %scan3A_119 : i32 to index
        %swap3A_996 = arith.constant 480 : index
        %swap3A_997 = tpu.vector_load %arg6[%swap3A_995, %swap3A_996] {strides = array<i32>} : memref<32x512xf32, #tpu.memory_space<vmem>>, vector<1x16xf32>,
        %swap3A_998 = vector.shape_cast %swap3A_997 : vector<1x16xf32> to vector<16xf32>
        %swap3A_999 = vector.shape_cast %mul3A_994 : vector<16xf32> to vector<1x16xf32>
        tpu.vector_store %arg6[%swap3A_995, %swap3A_996], %swap3A_999 {strides = array<i32>} : memref<32x512xf32, #tpu.memory_space<vmem>>, vector<1x16xf32>,
        %lt3A_1000 = arith.constant 0 : i32
        %lt3A_1001 = vector.broadcast %lt3A_1000 : i32 to vector<16xi32>
        %lt3A_1002 = arith.cmpi slt, %or3A, %lt3A_1001 : vector<16xi32>
        %add3A_1003 = arith.constant 16 : i32
        %add3A_1004 = vector.broadcast %add3A_1003 : i32 to vector<16xi32>
        %add3A_1005 = arith.addi %or3A, %add3A_1004 : vector<16xi32>
        %select_n3A_1006 = arith.select %lt3A_1002, %add3A_1005, %or3A : vector<16xi1>, vector<16xi32>
        %broadcast_in_dim3A_1007 = vector.shape_cast %select_n3A_1006 : vector<16xi32> to vector<16x1xi32>
        %gather3A_1008 = vector.shape_cast %broadcast_in_dim3A_1007 : vector<16x1xi32> to vector<16xi32>
        %gather3A_1009 = tpu.dynamic_gather %get3A_246[%gather3A_1008] in [0] : vector<16xf32>, vector<16xi32> -> vector<16xf32>
        %mul3A_1010 = arith.mulf %gather3A_1009, %div3A_504 : vector<16xf32>
        %swap3A_1011 = arith.index_cast %scan3A_119 : i32 to index
        %swap3A_1012 = arith.constant 496 : index
        %swap3A_1013 = tpu.vector_load %arg6[%swap3A_1011, %swap3A_1012] {strides = array<i32>} : memref<32x512xf32, #tpu.memory_space<vmem>>, vector<1x16xf32>,
        %swap3A_1014 = vector.shape_cast %swap3A_1013 : vector<1x16xf32> to vector<16xf32>
        %swap3A_1015 = vector.shape_cast %mul3A_1010 : vector<16xf32> to vector<1x16xf32>
        tpu.vector_store %arg6[%swap3A_1011, %swap3A_1012], %swap3A_1015 {strides = array<i32>} : memref<32x512xf32, #tpu.memory_space<vmem>>, vector<1x16xf32>,
      }
      %scan3A_64 = arith.constant 32 : i32
      %lt3A = arith.constant 15 : i32
      %lt3A_65 = arith.cmpi slt, %scan3A_42, %lt3A : i32
      %convert_element_type3A_66 = arith.extui %lt3A_65 : i1 to i32
      %cond3A_67 = arith.constant 0 : i32
      %cond3A_68 = arith.cmpi ne, %convert_element_type3A_66, %cond3A_67 : i32
      scf.if %cond3A_68 {
        %add3A_119 = arith.constant 2 : i32
        %add3A_120 = arith.addi %add3A_46, %add3A_119 : i32
        %mul3A_121 = arith.constant 32 : i32
        %mul3A_122 = arith.muli %add3A_120, %mul3A_121 : i32
        %add3A_123 = arith.addi %mul3A_2, %mul3A_122 : i32
        %dma_start3A_124 = arith.constant 0 : i32
        %dma_start3A_125 = arith.constant 0 : i32
        %dma_start3A_126 = tpu.memref_slice %arg2[%add3A_123, %dma_start3A_125] : memref<32768x512xf32, #tpu.memory_space<hbm>> -> memref<32x512xf32, #tpu.memory_space<hbm>>
        %dma_start3A_127 = tpu.memref_slice %arg8[%dma_start3A_124] : memref<2x!tpu.dma_semaphore, #tpu.memory_space<semaphore_mem>> -> memref<1x!tpu.dma_semaphore, #tpu.memory_space<semaphore_mem>>
        %dma_start3A_128 = tpu.memref_squeeze %dma_start3A_127 : memref<1x!tpu.dma_semaphore, #tpu.memory_space<semaphore_mem>> -> memref<!tpu.dma_semaphore, #tpu.memory_space<semaphore_mem>>
        %dma_start3A_129 = arith.constant 0 : i32
        %dma_start3A_130 = tpu.memref_slice %arg2[%add3A_123, %dma_start3A_129] : memref<32768x512xf32, #tpu.memory_space<hbm>> -> memref<32x512xf32, #tpu.memory_space<hbm>>
        tpu.enqueue_dma source(%dma_start3A_130 : memref<32x512xf32, #tpu.memory_space<hbm>>) target(%arg4 : memref<32x512xf32, #tpu.memory_space<vmem>>) target_semaphore(%dma_start3A_128 : memref<!tpu.dma_semaphore, #tpu.memory_space<semaphore_mem>>)
      } else {
      }
      %mul3A_69 = arith.constant 32 : i32
      %mul3A_70 = arith.muli %add3A_46, %mul3A_69 : i32
      %add3A_71 = arith.addi %mul3A_2, %mul3A_70 : i32
      %dma_start3A_72 = arith.constant 0 : i32
      %dma_start3A_73 = arith.constant 0 : i32
      %dma_start3A_74 = tpu.memref_slice %arg3[%add3A_71, %dma_start3A_73] : memref<32768x512xf32, #tpu.memory_space<hbm>> -> memref<32x512xf32, #tpu.memory_space<hbm>>
      %dma_start3A_75 = tpu.memref_slice %arg9[%dma_start3A_72] : memref<2x!tpu.dma_semaphore, #tpu.memory_space<semaphore_mem>> -> memref<1x!tpu.dma_semaphore, #tpu.memory_space<semaphore_mem>>
      %dma_start3A_76 = tpu.memref_squeeze %dma_start3A_75 : memref<1x!tpu.dma_semaphore, #tpu.memory_space<semaphore_mem>> -> memref<!tpu.dma_semaphore, #tpu.memory_space<semaphore_mem>>
      %dma_start3A_77 = arith.constant 0 : i32
      %dma_start3A_78 = tpu.memref_slice %arg3[%add3A_71, %dma_start3A_77] : memref<32768x512xf32, #tpu.memory_space<hbm>> -> memref<32x512xf32, #tpu.memory_space<hbm>>
      tpu.enqueue_dma source(%arg6 : memref<32x512xf32, #tpu.memory_space<vmem>>) target(%dma_start3A_78 : memref<32x512xf32, #tpu.memory_space<hbm>>) target_semaphore(%dma_start3A_76 : memref<!tpu.dma_semaphore, #tpu.memory_space<semaphore_mem>>)
      %mul3A_79 = arith.constant 2 : i32
      %mul3A_80 = arith.muli %mul3A_79, %scan3A_42 : i32
      %add3A_81 = arith.constant 1 : i32
      %add3A_82 = arith.addi %mul3A_80, %add3A_81 : i32
      %mul3A_83 = arith.constant 32 : i32
      %mul3A_84 = arith.muli %add3A_82, %mul3A_83 : i32
      %add3A_85 = arith.addi %mul3A_2, %mul3A_84 : i32
      %dma_wait3A_86 = arith.constant 1 : i32
      %dma_wait3A_87 = arith.constant 0 : i32
      %dma_wait3A_88 = tpu.memref_slice %arg2[%add3A_85, %dma_wait3A_87] : memref<32768x512xf32, #tpu.memory_space<hbm>> -> memref<32x512xf32, #tpu.memory_space<hbm>>
      %dma_wait3A_89 = tpu.memref_slice %arg8[%dma_wait3A_86] : memref<2x!tpu.dma_semaphore, #tpu.memory_space<semaphore_mem>> -> memref<1x!tpu.dma_semaphore, #tpu.memory_space<semaphore_mem>>
      %dma_wait3A_90 = tpu.memref_squeeze %dma_wait3A_89 : memref<1x!tpu.dma_semaphore, #tpu.memory_space<semaphore_mem>> -> memref<!tpu.dma_semaphore, #tpu.memory_space<semaphore_mem>>
      %dma_wait3A_91 = arith.constant 0 : i32
      %dma_wait3A_92 = tpu.memref_slice %arg2[%add3A_85, %dma_wait3A_91] : memref<32768x512xf32, #tpu.memory_space<hbm>> -> memref<32x512xf32, #tpu.memory_space<hbm>>
      tpu.wait_dma2 semaphore(%dma_wait3A_90 : memref<!tpu.dma_semaphore, #tpu.memory_space<semaphore_mem>>) src(%dma_wait3A_92 : memref<32x512xf32, #tpu.memory_space<hbm>>) dst(%arg5 : memref<32x512xf32, #tpu.memory_space<vmem>>)
      %gt3A_93 = arith.constant 0 : i32
      %gt3A_94 = arith.cmpi sgt, %scan3A_42, %gt3A_93 : i32
      %convert_element_type3A_95 = arith.extui %gt3A_94 : i1 to i32
      %cond3A_96 = arith.constant 0 : i32
      %cond3A_97 = arith.cmpi ne, %convert_element_type3A_95, %cond3A_96 : i32
      scf.if %cond3A_97 {
        %sub3A = arith.constant 2 : i32
        %sub3A_119 = arith.subi %add3A_82, %sub3A : i32
        %mul3A_120 = arith.constant 32 : i32
        %mul3A_121 = arith.muli %sub3A_119, %mul3A_120 : i32
        %add3A_122 = arith.addi %mul3A_2, %mul3A_121 : i32
        %dma_wait3A_123 = arith.constant 1 : i32
        %dma_wait3A_124 = arith.constant 0 : i32
        %dma_wait3A_125 = tpu.memref_slice %arg3[%add3A_122, %dma_wait3A_124] : memref<32768x512xf32, #tpu.memory_space<hbm>> -> memref<32x512xf32, #tpu.memory_space<hbm>>
        %dma_wait3A_126 = tpu.memref_slice %arg9[%dma_wait3A_123] : memref<2x!tpu.dma_semaphore, #tpu.memory_space<semaphore_mem>> -> memref<1x!tpu.dma_semaphore, #tpu.memory_space<semaphore_mem>>
        %dma_wait3A_127 = tpu.memref_squeeze %dma_wait3A_126 : memref<1x!tpu.dma_semaphore, #tpu.memory_space<semaphore_mem>> -> memref<!tpu.dma_semaphore, #tpu.memory_space<semaphore_mem>>
        %dma_wait3A_128 = arith.constant 0 : i32
        %dma_wait3A_129 = tpu.memref_slice %arg3[%add3A_122, %dma_wait3A_128] : memref<32768x512xf32, #tpu.memory_space<hbm>> -> memref<32x512xf32, #tpu.memory_space<hbm>>
        tpu.wait_dma2 semaphore(%dma_wait3A_127 : memref<!tpu.dma_semaphore, #tpu.memory_space<semaphore_mem>>) src(%arg7 : memref<32x512xf32, #tpu.memory_space<vmem>>) dst(%dma_wait3A_129 : memref<32x512xf32, #tpu.memory_space<hbm>>)
      } else {
      }
      %scan3A_98 = arith.constant 0 : i32
      %scan3A_99 = arith.constant 0 : i32
      %scan3A_100 = arith.constant 32 : i32
      %scan3A_101 = arith.addi %scan3A_99, %scan3A_100 : i32
      %scan3A_102 = arith.constant 1 : i32
      scf.for %scan3A_119 = %scan3A_99 to %scan3A_101 step %scan3A_102  : i32 {
        %iota3A = tpu.iota {dimensions = array<i32: 0>} : vector<16xi32>
        %get3A = arith.index_cast %scan3A_119 : i32 to index
        %get3A_120 = arith.constant 0 : index
        %get3A_121 = tpu.vector_load %arg5[%get3A, %get3A_120] {strides = array<i32>} : memref<32x512xf32, #tpu.memory_space<vmem>>, vector<1x16xf32>,
        %get3A_122 = vector.shape_cast %get3A_121 : vector<1x16xf32> to vector<16xf32>
        %get3A_123 = arith.index_cast %scan3A_119 : i32 to index
        %get3A_124 = arith.constant 16 : index
        %get3A_125 = tpu.vector_load %arg5[%get3A_123, %get3A_124] {strides = array<i32>} : memref<32x512xf32, #tpu.memory_space<vmem>>, vector<1x16xf32>,
        %get3A_126 = vector.shape_cast %get3A_125 : vector<1x16xf32> to vector<16xf32>
        %get3A_127 = arith.index_cast %scan3A_119 : i32 to index
        %get3A_128 = arith.constant 32 : index
        %get3A_129 = tpu.vector_load %arg5[%get3A_127, %get3A_128] {strides = array<i32>} : memref<32x512xf32, #tpu.memory_space<vmem>>, vector<1x16xf32>,
        %get3A_130 = vector.shape_cast %get3A_129 : vector<1x16xf32> to vector<16xf32>
        %get3A_131 = arith.index_cast %scan3A_119 : i32 to index
        %get3A_132 = arith.constant 48 : index
        %get3A_133 = tpu.vector_load %arg5[%get3A_131, %get3A_132] {strides = array<i32>} : memref<32x512xf32, #tpu.memory_space<vmem>>, vector<1x16xf32>,
        %get3A_134 = vector.shape_cast %get3A_133 : vector<1x16xf32> to vector<16xf32>
        %get3A_135 = arith.index_cast %scan3A_119 : i32 to index
        %get3A_136 = arith.constant 64 : index
        %get3A_137 = tpu.vector_load %arg5[%get3A_135, %get3A_136] {strides = array<i32>} : memref<32x512xf32, #tpu.memory_space<vmem>>, vector<1x16xf32>,
        %get3A_138 = vector.shape_cast %get3A_137 : vector<1x16xf32> to vector<16xf32>
        %get3A_139 = arith.index_cast %scan3A_119 : i32 to index
        %get3A_140 = arith.constant 80 : index
        %get3A_141 = tpu.vector_load %arg5[%get3A_139, %get3A_140] {strides = array<i32>} : memref<32x512xf32, #tpu.memory_space<vmem>>, vector<1x16xf32>,
        %get3A_142 = vector.shape_cast %get3A_141 : vector<1x16xf32> to vector<16xf32>
        %get3A_143 = arith.index_cast %scan3A_119 : i32 to index
        %get3A_144 = arith.constant 96 : index
        %get3A_145 = tpu.vector_load %arg5[%get3A_143, %get3A_144] {strides = array<i32>} : memref<32x512xf32, #tpu.memory_space<vmem>>, vector<1x16xf32>,
        %get3A_146 = vector.shape_cast %get3A_145 : vector<1x16xf32> to vector<16xf32>
        %get3A_147 = arith.index_cast %scan3A_119 : i32 to index
        %get3A_148 = arith.constant 112 : index
        %get3A_149 = tpu.vector_load %arg5[%get3A_147, %get3A_148] {strides = array<i32>} : memref<32x512xf32, #tpu.memory_space<vmem>>, vector<1x16xf32>,
        %get3A_150 = vector.shape_cast %get3A_149 : vector<1x16xf32> to vector<16xf32>
        %get3A_151 = arith.index_cast %scan3A_119 : i32 to index
        %get3A_152 = arith.constant 128 : index
        %get3A_153 = tpu.vector_load %arg5[%get3A_151, %get3A_152] {strides = array<i32>} : memref<32x512xf32, #tpu.memory_space<vmem>>, vector<1x16xf32>,
        %get3A_154 = vector.shape_cast %get3A_153 : vector<1x16xf32> to vector<16xf32>
        %get3A_155 = arith.index_cast %scan3A_119 : i32 to index
        %get3A_156 = arith.constant 144 : index
        %get3A_157 = tpu.vector_load %arg5[%get3A_155, %get3A_156] {strides = array<i32>} : memref<32x512xf32, #tpu.memory_space<vmem>>, vector<1x16xf32>,
        %get3A_158 = vector.shape_cast %get3A_157 : vector<1x16xf32> to vector<16xf32>
        %get3A_159 = arith.index_cast %scan3A_119 : i32 to index
        %get3A_160 = arith.constant 160 : index
        %get3A_161 = tpu.vector_load %arg5[%get3A_159, %get3A_160] {strides = array<i32>} : memref<32x512xf32, #tpu.memory_space<vmem>>, vector<1x16xf32>,
        %get3A_162 = vector.shape_cast %get3A_161 : vector<1x16xf32> to vector<16xf32>
        %get3A_163 = arith.index_cast %scan3A_119 : i32 to index
        %get3A_164 = arith.constant 176 : index
        %get3A_165 = tpu.vector_load %arg5[%get3A_163, %get3A_164] {strides = array<i32>} : memref<32x512xf32, #tpu.memory_space<vmem>>, vector<1x16xf32>,
        %get3A_166 = vector.shape_cast %get3A_165 : vector<1x16xf32> to vector<16xf32>
        %get3A_167 = arith.index_cast %scan3A_119 : i32 to index
        %get3A_168 = arith.constant 192 : index
        %get3A_169 = tpu.vector_load %arg5[%get3A_167, %get3A_168] {strides = array<i32>} : memref<32x512xf32, #tpu.memory_space<vmem>>, vector<1x16xf32>,
        %get3A_170 = vector.shape_cast %get3A_169 : vector<1x16xf32> to vector<16xf32>
        %get3A_171 = arith.index_cast %scan3A_119 : i32 to index
        %get3A_172 = arith.constant 208 : index
        %get3A_173 = tpu.vector_load %arg5[%get3A_171, %get3A_172] {strides = array<i32>} : memref<32x512xf32, #tpu.memory_space<vmem>>, vector<1x16xf32>,
        %get3A_174 = vector.shape_cast %get3A_173 : vector<1x16xf32> to vector<16xf32>
        %get3A_175 = arith.index_cast %scan3A_119 : i32 to index
        %get3A_176 = arith.constant 224 : index
        %get3A_177 = tpu.vector_load %arg5[%get3A_175, %get3A_176] {strides = array<i32>} : memref<32x512xf32, #tpu.memory_space<vmem>>, vector<1x16xf32>,
        %get3A_178 = vector.shape_cast %get3A_177 : vector<1x16xf32> to vector<16xf32>
        %get3A_179 = arith.index_cast %scan3A_119 : i32 to index
        %get3A_180 = arith.constant 240 : index
        %get3A_181 = tpu.vector_load %arg5[%get3A_179, %get3A_180] {strides = array<i32>} : memref<32x512xf32, #tpu.memory_space<vmem>>, vector<1x16xf32>,
        %get3A_182 = vector.shape_cast %get3A_181 : vector<1x16xf32> to vector<16xf32>
        %get3A_183 = arith.index_cast %scan3A_119 : i32 to index
        %get3A_184 = arith.constant 256 : index
        %get3A_185 = tpu.vector_load %arg5[%get3A_183, %get3A_184] {strides = array<i32>} : memref<32x512xf32, #tpu.memory_space<vmem>>, vector<1x16xf32>,
        %get3A_186 = vector.shape_cast %get3A_185 : vector<1x16xf32> to vector<16xf32>
        %get3A_187 = arith.index_cast %scan3A_119 : i32 to index
        %get3A_188 = arith.constant 272 : index
        %get3A_189 = tpu.vector_load %arg5[%get3A_187, %get3A_188] {strides = array<i32>} : memref<32x512xf32, #tpu.memory_space<vmem>>, vector<1x16xf32>,
        %get3A_190 = vector.shape_cast %get3A_189 : vector<1x16xf32> to vector<16xf32>
        %get3A_191 = arith.index_cast %scan3A_119 : i32 to index
        %get3A_192 = arith.constant 288 : index
        %get3A_193 = tpu.vector_load %arg5[%get3A_191, %get3A_192] {strides = array<i32>} : memref<32x512xf32, #tpu.memory_space<vmem>>, vector<1x16xf32>,
        %get3A_194 = vector.shape_cast %get3A_193 : vector<1x16xf32> to vector<16xf32>
        %get3A_195 = arith.index_cast %scan3A_119 : i32 to index
        %get3A_196 = arith.constant 304 : index
        %get3A_197 = tpu.vector_load %arg5[%get3A_195, %get3A_196] {strides = array<i32>} : memref<32x512xf32, #tpu.memory_space<vmem>>, vector<1x16xf32>,
        %get3A_198 = vector.shape_cast %get3A_197 : vector<1x16xf32> to vector<16xf32>
        %get3A_199 = arith.index_cast %scan3A_119 : i32 to index
        %get3A_200 = arith.constant 320 : index
        %get3A_201 = tpu.vector_load %arg5[%get3A_199, %get3A_200] {strides = array<i32>} : memref<32x512xf32, #tpu.memory_space<vmem>>, vector<1x16xf32>,
        %get3A_202 = vector.shape_cast %get3A_201 : vector<1x16xf32> to vector<16xf32>
        %get3A_203 = arith.index_cast %scan3A_119 : i32 to index
        %get3A_204 = arith.constant 336 : index
        %get3A_205 = tpu.vector_load %arg5[%get3A_203, %get3A_204] {strides = array<i32>} : memref<32x512xf32, #tpu.memory_space<vmem>>, vector<1x16xf32>,
        %get3A_206 = vector.shape_cast %get3A_205 : vector<1x16xf32> to vector<16xf32>
        %get3A_207 = arith.index_cast %scan3A_119 : i32 to index
        %get3A_208 = arith.constant 352 : index
        %get3A_209 = tpu.vector_load %arg5[%get3A_207, %get3A_208] {strides = array<i32>} : memref<32x512xf32, #tpu.memory_space<vmem>>, vector<1x16xf32>,
        %get3A_210 = vector.shape_cast %get3A_209 : vector<1x16xf32> to vector<16xf32>
        %get3A_211 = arith.index_cast %scan3A_119 : i32 to index
        %get3A_212 = arith.constant 368 : index
        %get3A_213 = tpu.vector_load %arg5[%get3A_211, %get3A_212] {strides = array<i32>} : memref<32x512xf32, #tpu.memory_space<vmem>>, vector<1x16xf32>,
        %get3A_214 = vector.shape_cast %get3A_213 : vector<1x16xf32> to vector<16xf32>
        %get3A_215 = arith.index_cast %scan3A_119 : i32 to index
        %get3A_216 = arith.constant 384 : index
        %get3A_217 = tpu.vector_load %arg5[%get3A_215, %get3A_216] {strides = array<i32>} : memref<32x512xf32, #tpu.memory_space<vmem>>, vector<1x16xf32>,
        %get3A_218 = vector.shape_cast %get3A_217 : vector<1x16xf32> to vector<16xf32>
        %get3A_219 = arith.index_cast %scan3A_119 : i32 to index
        %get3A_220 = arith.constant 400 : index
        %get3A_221 = tpu.vector_load %arg5[%get3A_219, %get3A_220] {strides = array<i32>} : memref<32x512xf32, #tpu.memory_space<vmem>>, vector<1x16xf32>,
        %get3A_222 = vector.shape_cast %get3A_221 : vector<1x16xf32> to vector<16xf32>
        %get3A_223 = arith.index_cast %scan3A_119 : i32 to index
        %get3A_224 = arith.constant 416 : index
        %get3A_225 = tpu.vector_load %arg5[%get3A_223, %get3A_224] {strides = array<i32>} : memref<32x512xf32, #tpu.memory_space<vmem>>, vector<1x16xf32>,
        %get3A_226 = vector.shape_cast %get3A_225 : vector<1x16xf32> to vector<16xf32>
        %get3A_227 = arith.index_cast %scan3A_119 : i32 to index
        %get3A_228 = arith.constant 432 : index
        %get3A_229 = tpu.vector_load %arg5[%get3A_227, %get3A_228] {strides = array<i32>} : memref<32x512xf32, #tpu.memory_space<vmem>>, vector<1x16xf32>,
        %get3A_230 = vector.shape_cast %get3A_229 : vector<1x16xf32> to vector<16xf32>
        %get3A_231 = arith.index_cast %scan3A_119 : i32 to index
        %get3A_232 = arith.constant 448 : index
        %get3A_233 = tpu.vector_load %arg5[%get3A_231, %get3A_232] {strides = array<i32>} : memref<32x512xf32, #tpu.memory_space<vmem>>, vector<1x16xf32>,
        %get3A_234 = vector.shape_cast %get3A_233 : vector<1x16xf32> to vector<16xf32>
        %get3A_235 = arith.index_cast %scan3A_119 : i32 to index
        %get3A_236 = arith.constant 464 : index
        %get3A_237 = tpu.vector_load %arg5[%get3A_235, %get3A_236] {strides = array<i32>} : memref<32x512xf32, #tpu.memory_space<vmem>>, vector<1x16xf32>,
        %get3A_238 = vector.shape_cast %get3A_237 : vector<1x16xf32> to vector<16xf32>
        %get3A_239 = arith.index_cast %scan3A_119 : i32 to index
        %get3A_240 = arith.constant 480 : index
        %get3A_241 = tpu.vector_load %arg5[%get3A_239, %get3A_240] {strides = array<i32>} : memref<32x512xf32, #tpu.memory_space<vmem>>, vector<1x16xf32>,
        %get3A_242 = vector.shape_cast %get3A_241 : vector<1x16xf32> to vector<16xf32>
        %get3A_243 = arith.index_cast %scan3A_119 : i32 to index
        %get3A_244 = arith.constant 496 : index
        %get3A_245 = tpu.vector_load %arg5[%get3A_243, %get3A_244] {strides = array<i32>} : memref<32x512xf32, #tpu.memory_space<vmem>>, vector<1x16xf32>,
        %get3A_246 = vector.shape_cast %get3A_245 : vector<1x16xf32> to vector<16xf32>
        %lt3A_247 = arith.constant 8 : i32
        %lt3A_248 = vector.broadcast %lt3A_247 : i32 to vector<16xi32>
        %lt3A_249 = arith.cmpi slt, %iota3A, %lt3A_248 : vector<16xi32>
        %jit3A = arith.constant -1.000000e+00 : f32
        %broadcast_in_dim3A = vector.broadcast %jit3A : f32 to vector<16xf32>
        %select_n3A = arith.select %lt3A_249, %get3A_122, %broadcast_in_dim3A : vector<16xi1>, vector<16xf32>
        %xor3A = arith.constant 1 : i32
        %xor3A_250 = vector.broadcast %xor3A : i32 to vector<16xi32>
        %xor3A_251 = arith.xori %iota3A, %xor3A_250 : vector<16xi32>
        %lt3A_252 = arith.constant 0 : i32
        %lt3A_253 = vector.broadcast %lt3A_252 : i32 to vector<16xi32>
        %lt3A_254 = arith.cmpi slt, %xor3A_251, %lt3A_253 : vector<16xi32>
        %add3A_255 = arith.constant 16 : i32
        %add3A_256 = vector.broadcast %add3A_255 : i32 to vector<16xi32>
        %add3A_257 = arith.addi %xor3A_251, %add3A_256 : vector<16xi32>
        %select_n3A_258 = arith.select %lt3A_254, %add3A_257, %xor3A_251 : vector<16xi1>, vector<16xi32>
        %broadcast_in_dim3A_259 = vector.shape_cast %select_n3A_258 : vector<16xi32> to vector<16x1xi32>
        %gather3A = vector.shape_cast %broadcast_in_dim3A_259 : vector<16x1xi32> to vector<16xi32>
        %gather3A_260 = tpu.dynamic_gather %select_n3A[%gather3A] in [0] : vector<16xf32>, vector<16xi32> -> vector<16xf32>
        %max3A = arith.maximumf %select_n3A, %gather3A_260 : vector<16xf32>
        %xor3A_261 = arith.constant 2 : i32
        %xor3A_262 = vector.broadcast %xor3A_261 : i32 to vector<16xi32>
        %xor3A_263 = arith.xori %iota3A, %xor3A_262 : vector<16xi32>
        %lt3A_264 = arith.constant 0 : i32
        %lt3A_265 = vector.broadcast %lt3A_264 : i32 to vector<16xi32>
        %lt3A_266 = arith.cmpi slt, %xor3A_263, %lt3A_265 : vector<16xi32>
        %add3A_267 = arith.constant 16 : i32
        %add3A_268 = vector.broadcast %add3A_267 : i32 to vector<16xi32>
        %add3A_269 = arith.addi %xor3A_263, %add3A_268 : vector<16xi32>
        %select_n3A_270 = arith.select %lt3A_266, %add3A_269, %xor3A_263 : vector<16xi1>, vector<16xi32>
        %broadcast_in_dim3A_271 = vector.shape_cast %select_n3A_270 : vector<16xi32> to vector<16x1xi32>
        %gather3A_272 = vector.shape_cast %broadcast_in_dim3A_271 : vector<16x1xi32> to vector<16xi32>
        %gather3A_273 = tpu.dynamic_gather %max3A[%gather3A_272] in [0] : vector<16xf32>, vector<16xi32> -> vector<16xf32>
        %max3A_274 = arith.maximumf %max3A, %gather3A_273 : vector<16xf32>
        %xor3A_275 = arith.constant 4 : i32
        %xor3A_276 = vector.broadcast %xor3A_275 : i32 to vector<16xi32>
        %xor3A_277 = arith.xori %iota3A, %xor3A_276 : vector<16xi32>
        %lt3A_278 = arith.constant 0 : i32
        %lt3A_279 = vector.broadcast %lt3A_278 : i32 to vector<16xi32>
        %lt3A_280 = arith.cmpi slt, %xor3A_277, %lt3A_279 : vector<16xi32>
        %add3A_281 = arith.constant 16 : i32
        %add3A_282 = vector.broadcast %add3A_281 : i32 to vector<16xi32>
        %add3A_283 = arith.addi %xor3A_277, %add3A_282 : vector<16xi32>
        %select_n3A_284 = arith.select %lt3A_280, %add3A_283, %xor3A_277 : vector<16xi1>, vector<16xi32>
        %broadcast_in_dim3A_285 = vector.shape_cast %select_n3A_284 : vector<16xi32> to vector<16x1xi32>
        %gather3A_286 = vector.shape_cast %broadcast_in_dim3A_285 : vector<16x1xi32> to vector<16xi32>
        %gather3A_287 = tpu.dynamic_gather %max3A_274[%gather3A_286] in [0] : vector<16xf32>, vector<16xi32> -> vector<16xf32>
        %max3A_288 = arith.maximumf %max3A_274, %gather3A_287 : vector<16xf32>
        %eq3A = arith.cmpf oeq, %select_n3A, %max3A_288 : vector<16xf32>
        %lt3A_289 = arith.constant 8 : i32
        %lt3A_290 = vector.broadcast %lt3A_289 : i32 to vector<16xi32>
        %lt3A_291 = arith.cmpi slt, %iota3A, %lt3A_290 : vector<16xi32>
        %and3A = arith.andi %eq3A, %lt3A_291 : vector<16xi1>
        %jit3A_292 = arith.constant 16 : i32
        %broadcast_in_dim3A_293 = vector.broadcast %jit3A_292 : i32 to vector<16xi32>
        %select_n3A_294 = arith.select %and3A, %iota3A, %broadcast_in_dim3A_293 : vector<16xi1>, vector<16xi32>
        %xor3A_295 = arith.constant 1 : i32
        %xor3A_296 = vector.broadcast %xor3A_295 : i32 to vector<16xi32>
        %xor3A_297 = arith.xori %iota3A, %xor3A_296 : vector<16xi32>
        %lt3A_298 = arith.constant 0 : i32
        %lt3A_299 = vector.broadcast %lt3A_298 : i32 to vector<16xi32>
        %lt3A_300 = arith.cmpi slt, %xor3A_297, %lt3A_299 : vector<16xi32>
        %add3A_301 = arith.constant 16 : i32
        %add3A_302 = vector.broadcast %add3A_301 : i32 to vector<16xi32>
        %add3A_303 = arith.addi %xor3A_297, %add3A_302 : vector<16xi32>
        %select_n3A_304 = arith.select %lt3A_300, %add3A_303, %xor3A_297 : vector<16xi1>, vector<16xi32>
        %broadcast_in_dim3A_305 = vector.shape_cast %select_n3A_304 : vector<16xi32> to vector<16x1xi32>
        %gather3A_306 = vector.shape_cast %broadcast_in_dim3A_305 : vector<16x1xi32> to vector<16xi32>
        %gather3A_307 = tpu.dynamic_gather %select_n3A_294[%gather3A_306] in [0] : vector<16xi32>, vector<16xi32> -> vector<16xi32>
        %min3A = arith.minsi %select_n3A_294, %gather3A_307 : vector<16xi32>
        %xor3A_308 = arith.constant 2 : i32
        %xor3A_309 = vector.broadcast %xor3A_308 : i32 to vector<16xi32>
        %xor3A_310 = arith.xori %iota3A, %xor3A_309 : vector<16xi32>
        %lt3A_311 = arith.constant 0 : i32
        %lt3A_312 = vector.broadcast %lt3A_311 : i32 to vector<16xi32>
        %lt3A_313 = arith.cmpi slt, %xor3A_310, %lt3A_312 : vector<16xi32>
        %add3A_314 = arith.constant 16 : i32
        %add3A_315 = vector.broadcast %add3A_314 : i32 to vector<16xi32>
        %add3A_316 = arith.addi %xor3A_310, %add3A_315 : vector<16xi32>
        %select_n3A_317 = arith.select %lt3A_313, %add3A_316, %xor3A_310 : vector<16xi1>, vector<16xi32>
        %broadcast_in_dim3A_318 = vector.shape_cast %select_n3A_317 : vector<16xi32> to vector<16x1xi32>
        %gather3A_319 = vector.shape_cast %broadcast_in_dim3A_318 : vector<16x1xi32> to vector<16xi32>
        %gather3A_320 = tpu.dynamic_gather %min3A[%gather3A_319] in [0] : vector<16xi32>, vector<16xi32> -> vector<16xi32>
        %min3A_321 = arith.minsi %min3A, %gather3A_320 : vector<16xi32>
        %xor3A_322 = arith.constant 4 : i32
        %xor3A_323 = vector.broadcast %xor3A_322 : i32 to vector<16xi32>
        %xor3A_324 = arith.xori %iota3A, %xor3A_323 : vector<16xi32>
        %lt3A_325 = arith.constant 0 : i32
        %lt3A_326 = vector.broadcast %lt3A_325 : i32 to vector<16xi32>
        %lt3A_327 = arith.cmpi slt, %xor3A_324, %lt3A_326 : vector<16xi32>
        %add3A_328 = arith.constant 16 : i32
        %add3A_329 = vector.broadcast %add3A_328 : i32 to vector<16xi32>
        %add3A_330 = arith.addi %xor3A_324, %add3A_329 : vector<16xi32>
        %select_n3A_331 = arith.select %lt3A_327, %add3A_330, %xor3A_324 : vector<16xi1>, vector<16xi32>
        %broadcast_in_dim3A_332 = vector.shape_cast %select_n3A_331 : vector<16xi32> to vector<16x1xi32>
        %gather3A_333 = vector.shape_cast %broadcast_in_dim3A_332 : vector<16x1xi32> to vector<16xi32>
        %gather3A_334 = tpu.dynamic_gather %min3A_321[%gather3A_333] in [0] : vector<16xi32>, vector<16xi32> -> vector<16xi32>
        %min3A_335 = arith.minsi %min3A_321, %gather3A_334 : vector<16xi32>
        %xor3A_336 = arith.constant 8 : i32
        %xor3A_337 = vector.broadcast %xor3A_336 : i32 to vector<16xi32>
        %xor3A_338 = arith.xori %iota3A, %xor3A_337 : vector<16xi32>
        %lt3A_339 = arith.constant 0 : i32
        %lt3A_340 = vector.broadcast %lt3A_339 : i32 to vector<16xi32>
        %lt3A_341 = arith.cmpi slt, %xor3A_338, %lt3A_340 : vector<16xi32>
        %add3A_342 = arith.constant 16 : i32
        %add3A_343 = vector.broadcast %add3A_342 : i32 to vector<16xi32>
        %add3A_344 = arith.addi %xor3A_338, %add3A_343 : vector<16xi32>
        %select_n3A_345 = arith.select %lt3A_341, %add3A_344, %xor3A_338 : vector<16xi1>, vector<16xi32>
        %broadcast_in_dim3A_346 = vector.shape_cast %select_n3A_345 : vector<16xi32> to vector<16x1xi32>
        %gather3A_347 = vector.shape_cast %broadcast_in_dim3A_346 : vector<16x1xi32> to vector<16xi32>
        %gather3A_348 = tpu.dynamic_gather %min3A_335[%gather3A_347] in [0] : vector<16xi32>, vector<16xi32> -> vector<16xi32>
        %min3A_349 = arith.minsi %min3A_335, %gather3A_348 : vector<16xi32>
        %and3A_350 = arith.constant -8 : i32
        %and3A_351 = vector.broadcast %and3A_350 : i32 to vector<16xi32>
        %and3A_352 = arith.andi %iota3A, %and3A_351 : vector<16xi32>
        %add3A_353 = arith.addi %iota3A, %min3A_349 : vector<16xi32>
        %and3A_354 = arith.constant 7 : i32
        %and3A_355 = vector.broadcast %and3A_354 : i32 to vector<16xi32>
        %and3A_356 = arith.andi %add3A_353, %and3A_355 : vector<16xi32>
        %or3A = arith.ori %and3A_352, %and3A_356 : vector<16xi32>
        %mul3A_357 = arith.mulf %get3A_122, %get3A_122 : vector<16xf32>
        %mul3A_358 = arith.mulf %get3A_126, %get3A_126 : vector<16xf32>
        %mul3A_359 = arith.mulf %get3A_130, %get3A_130 : vector<16xf32>
        %mul3A_360 = arith.mulf %get3A_134, %get3A_134 : vector<16xf32>
        %mul3A_361 = arith.mulf %get3A_138, %get3A_138 : vector<16xf32>
        %add3A_362 = arith.addf %mul3A_357, %mul3A_361 : vector<16xf32>
        %mul3A_363 = arith.mulf %get3A_142, %get3A_142 : vector<16xf32>
        %add3A_364 = arith.addf %mul3A_358, %mul3A_363 : vector<16xf32>
        %mul3A_365 = arith.mulf %get3A_146, %get3A_146 : vector<16xf32>
        %add3A_366 = arith.addf %mul3A_359, %mul3A_365 : vector<16xf32>
        %mul3A_367 = arith.mulf %get3A_150, %get3A_150 : vector<16xf32>
        %add3A_368 = arith.addf %mul3A_360, %mul3A_367 : vector<16xf32>
        %mul3A_369 = arith.mulf %get3A_154, %get3A_154 : vector<16xf32>
        %add3A_370 = arith.addf %add3A_362, %mul3A_369 : vector<16xf32>
        %mul3A_371 = arith.mulf %get3A_158, %get3A_158 : vector<16xf32>
        %add3A_372 = arith.addf %add3A_364, %mul3A_371 : vector<16xf32>
        %mul3A_373 = arith.mulf %get3A_162, %get3A_162 : vector<16xf32>
        %add3A_374 = arith.addf %add3A_366, %mul3A_373 : vector<16xf32>
        %mul3A_375 = arith.mulf %get3A_166, %get3A_166 : vector<16xf32>
        %add3A_376 = arith.addf %add3A_368, %mul3A_375 : vector<16xf32>
        %mul3A_377 = arith.mulf %get3A_170, %get3A_170 : vector<16xf32>
        %add3A_378 = arith.addf %add3A_370, %mul3A_377 : vector<16xf32>
        %mul3A_379 = arith.mulf %get3A_174, %get3A_174 : vector<16xf32>
        %add3A_380 = arith.addf %add3A_372, %mul3A_379 : vector<16xf32>
        %mul3A_381 = arith.mulf %get3A_178, %get3A_178 : vector<16xf32>
        %add3A_382 = arith.addf %add3A_374, %mul3A_381 : vector<16xf32>
        %mul3A_383 = arith.mulf %get3A_182, %get3A_182 : vector<16xf32>
        %add3A_384 = arith.addf %add3A_376, %mul3A_383 : vector<16xf32>
        %mul3A_385 = arith.mulf %get3A_186, %get3A_186 : vector<16xf32>
        %add3A_386 = arith.addf %add3A_378, %mul3A_385 : vector<16xf32>
        %mul3A_387 = arith.mulf %get3A_190, %get3A_190 : vector<16xf32>
        %add3A_388 = arith.addf %add3A_380, %mul3A_387 : vector<16xf32>
        %mul3A_389 = arith.mulf %get3A_194, %get3A_194 : vector<16xf32>
        %add3A_390 = arith.addf %add3A_382, %mul3A_389 : vector<16xf32>
        %mul3A_391 = arith.mulf %get3A_198, %get3A_198 : vector<16xf32>
        %add3A_392 = arith.addf %add3A_384, %mul3A_391 : vector<16xf32>
        %mul3A_393 = arith.mulf %get3A_202, %get3A_202 : vector<16xf32>
        %add3A_394 = arith.addf %add3A_386, %mul3A_393 : vector<16xf32>
        %mul3A_395 = arith.mulf %get3A_206, %get3A_206 : vector<16xf32>
        %add3A_396 = arith.addf %add3A_388, %mul3A_395 : vector<16xf32>
        %mul3A_397 = arith.mulf %get3A_210, %get3A_210 : vector<16xf32>
        %add3A_398 = arith.addf %add3A_390, %mul3A_397 : vector<16xf32>
        %mul3A_399 = arith.mulf %get3A_214, %get3A_214 : vector<16xf32>
        %add3A_400 = arith.addf %add3A_392, %mul3A_399 : vector<16xf32>
        %mul3A_401 = arith.mulf %get3A_218, %get3A_218 : vector<16xf32>
        %add3A_402 = arith.addf %add3A_394, %mul3A_401 : vector<16xf32>
        %mul3A_403 = arith.mulf %get3A_222, %get3A_222 : vector<16xf32>
        %add3A_404 = arith.addf %add3A_396, %mul3A_403 : vector<16xf32>
        %mul3A_405 = arith.mulf %get3A_226, %get3A_226 : vector<16xf32>
        %add3A_406 = arith.addf %add3A_398, %mul3A_405 : vector<16xf32>
        %mul3A_407 = arith.mulf %get3A_230, %get3A_230 : vector<16xf32>
        %add3A_408 = arith.addf %add3A_400, %mul3A_407 : vector<16xf32>
        %mul3A_409 = arith.mulf %get3A_234, %get3A_234 : vector<16xf32>
        %add3A_410 = arith.addf %add3A_402, %mul3A_409 : vector<16xf32>
        %mul3A_411 = arith.mulf %get3A_238, %get3A_238 : vector<16xf32>
        %add3A_412 = arith.addf %add3A_404, %mul3A_411 : vector<16xf32>
        %mul3A_413 = arith.mulf %get3A_242, %get3A_242 : vector<16xf32>
        %add3A_414 = arith.addf %add3A_406, %mul3A_413 : vector<16xf32>
        %mul3A_415 = arith.mulf %get3A_246, %get3A_246 : vector<16xf32>
        %add3A_416 = arith.addf %add3A_408, %mul3A_415 : vector<16xf32>
        %add3A_417 = arith.addf %add3A_410, %add3A_412 : vector<16xf32>
        %add3A_418 = arith.addf %add3A_414, %add3A_416 : vector<16xf32>
        %add3A_419 = arith.addf %add3A_417, %add3A_418 : vector<16xf32>
        %xor3A_420 = arith.constant 1 : i32
        %xor3A_421 = vector.broadcast %xor3A_420 : i32 to vector<16xi32>
        %xor3A_422 = arith.xori %iota3A, %xor3A_421 : vector<16xi32>
        %lt3A_423 = arith.constant 0 : i32
        %lt3A_424 = vector.broadcast %lt3A_423 : i32 to vector<16xi32>
        %lt3A_425 = arith.cmpi slt, %xor3A_422, %lt3A_424 : vector<16xi32>
        %add3A_426 = arith.constant 16 : i32
        %add3A_427 = vector.broadcast %add3A_426 : i32 to vector<16xi32>
        %add3A_428 = arith.addi %xor3A_422, %add3A_427 : vector<16xi32>
        %select_n3A_429 = arith.select %lt3A_425, %add3A_428, %xor3A_422 : vector<16xi1>, vector<16xi32>
        %broadcast_in_dim3A_430 = vector.shape_cast %select_n3A_429 : vector<16xi32> to vector<16x1xi32>
        %gather3A_431 = vector.shape_cast %broadcast_in_dim3A_430 : vector<16x1xi32> to vector<16xi32>
        %gather3A_432 = tpu.dynamic_gather %add3A_419[%gather3A_431] in [0] : vector<16xf32>, vector<16xi32> -> vector<16xf32>
        %add3A_433 = arith.addf %add3A_419, %gather3A_432 : vector<16xf32>
        %xor3A_434 = arith.constant 2 : i32
        %xor3A_435 = vector.broadcast %xor3A_434 : i32 to vector<16xi32>
        %xor3A_436 = arith.xori %iota3A, %xor3A_435 : vector<16xi32>
        %lt3A_437 = arith.constant 0 : i32
        %lt3A_438 = vector.broadcast %lt3A_437 : i32 to vector<16xi32>
        %lt3A_439 = arith.cmpi slt, %xor3A_436, %lt3A_438 : vector<16xi32>
        %add3A_440 = arith.constant 16 : i32
        %add3A_441 = vector.broadcast %add3A_440 : i32 to vector<16xi32>
        %add3A_442 = arith.addi %xor3A_436, %add3A_441 : vector<16xi32>
        %select_n3A_443 = arith.select %lt3A_439, %add3A_442, %xor3A_436 : vector<16xi1>, vector<16xi32>
        %broadcast_in_dim3A_444 = vector.shape_cast %select_n3A_443 : vector<16xi32> to vector<16x1xi32>
        %gather3A_445 = vector.shape_cast %broadcast_in_dim3A_444 : vector<16x1xi32> to vector<16xi32>
        %gather3A_446 = tpu.dynamic_gather %add3A_433[%gather3A_445] in [0] : vector<16xf32>, vector<16xi32> -> vector<16xf32>
        %add3A_447 = arith.addf %add3A_433, %gather3A_446 : vector<16xf32>
        %xor3A_448 = arith.constant 4 : i32
        %xor3A_449 = vector.broadcast %xor3A_448 : i32 to vector<16xi32>
        %xor3A_450 = arith.xori %iota3A, %xor3A_449 : vector<16xi32>
        %lt3A_451 = arith.constant 0 : i32
        %lt3A_452 = vector.broadcast %lt3A_451 : i32 to vector<16xi32>
        %lt3A_453 = arith.cmpi slt, %xor3A_450, %lt3A_452 : vector<16xi32>
        %add3A_454 = arith.constant 16 : i32
        %add3A_455 = vector.broadcast %add3A_454 : i32 to vector<16xi32>
        %add3A_456 = arith.addi %xor3A_450, %add3A_455 : vector<16xi32>
        %select_n3A_457 = arith.select %lt3A_453, %add3A_456, %xor3A_450 : vector<16xi1>, vector<16xi32>
        %broadcast_in_dim3A_458 = vector.shape_cast %select_n3A_457 : vector<16xi32> to vector<16x1xi32>
        %gather3A_459 = vector.shape_cast %broadcast_in_dim3A_458 : vector<16x1xi32> to vector<16xi32>
        %gather3A_460 = tpu.dynamic_gather %add3A_447[%gather3A_459] in [0] : vector<16xf32>, vector<16xi32> -> vector<16xf32>
        %add3A_461 = arith.addf %add3A_447, %gather3A_460 : vector<16xf32>
        %xor3A_462 = arith.constant 8 : i32
        %xor3A_463 = vector.broadcast %xor3A_462 : i32 to vector<16xi32>
        %xor3A_464 = arith.xori %iota3A, %xor3A_463 : vector<16xi32>
        %lt3A_465 = arith.constant 0 : i32
        %lt3A_466 = vector.broadcast %lt3A_465 : i32 to vector<16xi32>
        %lt3A_467 = arith.cmpi slt, %xor3A_464, %lt3A_466 : vector<16xi32>
        %add3A_468 = arith.constant 16 : i32
        %add3A_469 = vector.broadcast %add3A_468 : i32 to vector<16xi32>
        %add3A_470 = arith.addi %xor3A_464, %add3A_469 : vector<16xi32>
        %select_n3A_471 = arith.select %lt3A_467, %add3A_470, %xor3A_464 : vector<16xi1>, vector<16xi32>
        %broadcast_in_dim3A_472 = vector.shape_cast %select_n3A_471 : vector<16xi32> to vector<16x1xi32>
        %gather3A_473 = vector.shape_cast %broadcast_in_dim3A_472 : vector<16x1xi32> to vector<16xi32>
        %gather3A_474 = tpu.dynamic_gather %add3A_461[%gather3A_473] in [0] : vector<16xf32>, vector<16xi32> -> vector<16xf32>
        %add3A_475 = arith.addf %add3A_461, %gather3A_474 : vector<16xf32>
        %bitcast_convert_type3A = tpu.bitcast %add3A_475 : vector<16xf32> -> vector<16xi32>
        %shift_right_arithmetic3A = arith.constant 1 : i32
        %shift_right_arithmetic3A_476 = vector.broadcast %shift_right_arithmetic3A : i32 to vector<16xi32>
        %shift_right_arithmetic3A_477 = arith.shrsi %bitcast_convert_type3A, %shift_right_arithmetic3A_476 : vector<16xi32>
        %sub3A = arith.constant 1597463007 : i32
        %sub3A_478 = vector.broadcast %sub3A : i32 to vector<16xi32>
        %sub3A_479 = arith.subi %sub3A_478, %shift_right_arithmetic3A_477 : vector<16xi32>
        %bitcast_convert_type3A_480 = tpu.bitcast %sub3A_479 : vector<16xi32> -> vector<16xf32>
        %mul3A_481 = arith.constant 5.000000e-01 : f32
        %mul3A_482 = vector.broadcast %mul3A_481 : f32 to vector<16xf32>
        %mul3A_483 = arith.mulf %mul3A_482, %add3A_475 : vector<16xf32>
        %mul3A_484 = arith.mulf %mul3A_483, %bitcast_convert_type3A_480 : vector<16xf32>
        %mul3A_485 = arith.mulf %mul3A_484, %bitcast_convert_type3A_480 : vector<16xf32>
        %sub3A_486 = arith.constant 1.500000e+00 : f32
        %sub3A_487 = vector.broadcast %sub3A_486 : f32 to vector<16xf32>
        %sub3A_488 = arith.subf %sub3A_487, %mul3A_485 : vector<16xf32>
        %mul3A_489 = arith.mulf %bitcast_convert_type3A_480, %sub3A_488 : vector<16xf32>
        %mul3A_490 = arith.constant 5.000000e-01 : f32
        %mul3A_491 = vector.broadcast %mul3A_490 : f32 to vector<16xf32>
        %mul3A_492 = arith.mulf %mul3A_491, %add3A_475 : vector<16xf32>
        %mul3A_493 = arith.mulf %mul3A_492, %mul3A_489 : vector<16xf32>
        %mul3A_494 = arith.mulf %mul3A_493, %mul3A_489 : vector<16xf32>
        %sub3A_495 = arith.constant 1.500000e+00 : f32
        %sub3A_496 = vector.broadcast %sub3A_495 : f32 to vector<16xf32>
        %sub3A_497 = arith.subf %sub3A_496, %mul3A_494 : vector<16xf32>
        %mul3A_498 = arith.mulf %mul3A_489, %sub3A_497 : vector<16xf32>
        %mul3A_499 = arith.mulf %add3A_475, %mul3A_498 : vector<16xf32>
        %add3A_500 = arith.constant 9.99999997E-7 : f32
        %add3A_501 = vector.broadcast %add3A_500 : f32 to vector<16xf32>
        %add3A_502 = arith.addf %mul3A_499, %add3A_501 : vector<16xf32>
        %div3A = arith.constant 1.000000e+00 : f32
        %div3A_503 = vector.broadcast %div3A : f32 to vector<16xf32>
        %div3A_504 = arith.divf %div3A_503, %add3A_502 : vector<16xf32>
        %lt3A_505 = arith.constant 0 : i32
        %lt3A_506 = vector.broadcast %lt3A_505 : i32 to vector<16xi32>
        %lt3A_507 = arith.cmpi slt, %or3A, %lt3A_506 : vector<16xi32>
        %add3A_508 = arith.constant 16 : i32
        %add3A_509 = vector.broadcast %add3A_508 : i32 to vector<16xi32>
        %add3A_510 = arith.addi %or3A, %add3A_509 : vector<16xi32>
        %select_n3A_511 = arith.select %lt3A_507, %add3A_510, %or3A : vector<16xi1>, vector<16xi32>
        %broadcast_in_dim3A_512 = vector.shape_cast %select_n3A_511 : vector<16xi32> to vector<16x1xi32>
        %gather3A_513 = vector.shape_cast %broadcast_in_dim3A_512 : vector<16x1xi32> to vector<16xi32>
        %gather3A_514 = tpu.dynamic_gather %get3A_122[%gather3A_513] in [0] : vector<16xf32>, vector<16xi32> -> vector<16xf32>
        %mul3A_515 = arith.mulf %gather3A_514, %div3A_504 : vector<16xf32>
        %swap3A = arith.index_cast %scan3A_119 : i32 to index
        %swap3A_516 = arith.constant 0 : index
        %swap3A_517 = tpu.vector_load %arg7[%swap3A, %swap3A_516] {strides = array<i32>} : memref<32x512xf32, #tpu.memory_space<vmem>>, vector<1x16xf32>,
        %swap3A_518 = vector.shape_cast %swap3A_517 : vector<1x16xf32> to vector<16xf32>
        %swap3A_519 = vector.shape_cast %mul3A_515 : vector<16xf32> to vector<1x16xf32>
        tpu.vector_store %arg7[%swap3A, %swap3A_516], %swap3A_519 {strides = array<i32>} : memref<32x512xf32, #tpu.memory_space<vmem>>, vector<1x16xf32>,
        %lt3A_520 = arith.constant 0 : i32
        %lt3A_521 = vector.broadcast %lt3A_520 : i32 to vector<16xi32>
        %lt3A_522 = arith.cmpi slt, %or3A, %lt3A_521 : vector<16xi32>
        %add3A_523 = arith.constant 16 : i32
        %add3A_524 = vector.broadcast %add3A_523 : i32 to vector<16xi32>
        %add3A_525 = arith.addi %or3A, %add3A_524 : vector<16xi32>
        %select_n3A_526 = arith.select %lt3A_522, %add3A_525, %or3A : vector<16xi1>, vector<16xi32>
        %broadcast_in_dim3A_527 = vector.shape_cast %select_n3A_526 : vector<16xi32> to vector<16x1xi32>
        %gather3A_528 = vector.shape_cast %broadcast_in_dim3A_527 : vector<16x1xi32> to vector<16xi32>
        %gather3A_529 = tpu.dynamic_gather %get3A_126[%gather3A_528] in [0] : vector<16xf32>, vector<16xi32> -> vector<16xf32>
        %mul3A_530 = arith.mulf %gather3A_529, %div3A_504 : vector<16xf32>
        %swap3A_531 = arith.index_cast %scan3A_119 : i32 to index
        %swap3A_532 = arith.constant 16 : index
        %swap3A_533 = tpu.vector_load %arg7[%swap3A_531, %swap3A_532] {strides = array<i32>} : memref<32x512xf32, #tpu.memory_space<vmem>>, vector<1x16xf32>,
        %swap3A_534 = vector.shape_cast %swap3A_533 : vector<1x16xf32> to vector<16xf32>
        %swap3A_535 = vector.shape_cast %mul3A_530 : vector<16xf32> to vector<1x16xf32>
        tpu.vector_store %arg7[%swap3A_531, %swap3A_532], %swap3A_535 {strides = array<i32>} : memref<32x512xf32, #tpu.memory_space<vmem>>, vector<1x16xf32>,
        %lt3A_536 = arith.constant 0 : i32
        %lt3A_537 = vector.broadcast %lt3A_536 : i32 to vector<16xi32>
        %lt3A_538 = arith.cmpi slt, %or3A, %lt3A_537 : vector<16xi32>
        %add3A_539 = arith.constant 16 : i32
        %add3A_540 = vector.broadcast %add3A_539 : i32 to vector<16xi32>
        %add3A_541 = arith.addi %or3A, %add3A_540 : vector<16xi32>
        %select_n3A_542 = arith.select %lt3A_538, %add3A_541, %or3A : vector<16xi1>, vector<16xi32>
        %broadcast_in_dim3A_543 = vector.shape_cast %select_n3A_542 : vector<16xi32> to vector<16x1xi32>
        %gather3A_544 = vector.shape_cast %broadcast_in_dim3A_543 : vector<16x1xi32> to vector<16xi32>
        %gather3A_545 = tpu.dynamic_gather %get3A_130[%gather3A_544] in [0] : vector<16xf32>, vector<16xi32> -> vector<16xf32>
        %mul3A_546 = arith.mulf %gather3A_545, %div3A_504 : vector<16xf32>
        %swap3A_547 = arith.index_cast %scan3A_119 : i32 to index
        %swap3A_548 = arith.constant 32 : index
        %swap3A_549 = tpu.vector_load %arg7[%swap3A_547, %swap3A_548] {strides = array<i32>} : memref<32x512xf32, #tpu.memory_space<vmem>>, vector<1x16xf32>,
        %swap3A_550 = vector.shape_cast %swap3A_549 : vector<1x16xf32> to vector<16xf32>
        %swap3A_551 = vector.shape_cast %mul3A_546 : vector<16xf32> to vector<1x16xf32>
        tpu.vector_store %arg7[%swap3A_547, %swap3A_548], %swap3A_551 {strides = array<i32>} : memref<32x512xf32, #tpu.memory_space<vmem>>, vector<1x16xf32>,
        %lt3A_552 = arith.constant 0 : i32
        %lt3A_553 = vector.broadcast %lt3A_552 : i32 to vector<16xi32>
        %lt3A_554 = arith.cmpi slt, %or3A, %lt3A_553 : vector<16xi32>
        %add3A_555 = arith.constant 16 : i32
        %add3A_556 = vector.broadcast %add3A_555 : i32 to vector<16xi32>
        %add3A_557 = arith.addi %or3A, %add3A_556 : vector<16xi32>
        %select_n3A_558 = arith.select %lt3A_554, %add3A_557, %or3A : vector<16xi1>, vector<16xi32>
        %broadcast_in_dim3A_559 = vector.shape_cast %select_n3A_558 : vector<16xi32> to vector<16x1xi32>
        %gather3A_560 = vector.shape_cast %broadcast_in_dim3A_559 : vector<16x1xi32> to vector<16xi32>
        %gather3A_561 = tpu.dynamic_gather %get3A_134[%gather3A_560] in [0] : vector<16xf32>, vector<16xi32> -> vector<16xf32>
        %mul3A_562 = arith.mulf %gather3A_561, %div3A_504 : vector<16xf32>
        %swap3A_563 = arith.index_cast %scan3A_119 : i32 to index
        %swap3A_564 = arith.constant 48 : index
        %swap3A_565 = tpu.vector_load %arg7[%swap3A_563, %swap3A_564] {strides = array<i32>} : memref<32x512xf32, #tpu.memory_space<vmem>>, vector<1x16xf32>,
        %swap3A_566 = vector.shape_cast %swap3A_565 : vector<1x16xf32> to vector<16xf32>
        %swap3A_567 = vector.shape_cast %mul3A_562 : vector<16xf32> to vector<1x16xf32>
        tpu.vector_store %arg7[%swap3A_563, %swap3A_564], %swap3A_567 {strides = array<i32>} : memref<32x512xf32, #tpu.memory_space<vmem>>, vector<1x16xf32>,
        %lt3A_568 = arith.constant 0 : i32
        %lt3A_569 = vector.broadcast %lt3A_568 : i32 to vector<16xi32>
        %lt3A_570 = arith.cmpi slt, %or3A, %lt3A_569 : vector<16xi32>
        %add3A_571 = arith.constant 16 : i32
        %add3A_572 = vector.broadcast %add3A_571 : i32 to vector<16xi32>
        %add3A_573 = arith.addi %or3A, %add3A_572 : vector<16xi32>
        %select_n3A_574 = arith.select %lt3A_570, %add3A_573, %or3A : vector<16xi1>, vector<16xi32>
        %broadcast_in_dim3A_575 = vector.shape_cast %select_n3A_574 : vector<16xi32> to vector<16x1xi32>
        %gather3A_576 = vector.shape_cast %broadcast_in_dim3A_575 : vector<16x1xi32> to vector<16xi32>
        %gather3A_577 = tpu.dynamic_gather %get3A_138[%gather3A_576] in [0] : vector<16xf32>, vector<16xi32> -> vector<16xf32>
        %mul3A_578 = arith.mulf %gather3A_577, %div3A_504 : vector<16xf32>
        %swap3A_579 = arith.index_cast %scan3A_119 : i32 to index
        %swap3A_580 = arith.constant 64 : index
        %swap3A_581 = tpu.vector_load %arg7[%swap3A_579, %swap3A_580] {strides = array<i32>} : memref<32x512xf32, #tpu.memory_space<vmem>>, vector<1x16xf32>,
        %swap3A_582 = vector.shape_cast %swap3A_581 : vector<1x16xf32> to vector<16xf32>
        %swap3A_583 = vector.shape_cast %mul3A_578 : vector<16xf32> to vector<1x16xf32>
        tpu.vector_store %arg7[%swap3A_579, %swap3A_580], %swap3A_583 {strides = array<i32>} : memref<32x512xf32, #tpu.memory_space<vmem>>, vector<1x16xf32>,
        %lt3A_584 = arith.constant 0 : i32
        %lt3A_585 = vector.broadcast %lt3A_584 : i32 to vector<16xi32>
        %lt3A_586 = arith.cmpi slt, %or3A, %lt3A_585 : vector<16xi32>
        %add3A_587 = arith.constant 16 : i32
        %add3A_588 = vector.broadcast %add3A_587 : i32 to vector<16xi32>
        %add3A_589 = arith.addi %or3A, %add3A_588 : vector<16xi32>
        %select_n3A_590 = arith.select %lt3A_586, %add3A_589, %or3A : vector<16xi1>, vector<16xi32>
        %broadcast_in_dim3A_591 = vector.shape_cast %select_n3A_590 : vector<16xi32> to vector<16x1xi32>
        %gather3A_592 = vector.shape_cast %broadcast_in_dim3A_591 : vector<16x1xi32> to vector<16xi32>
        %gather3A_593 = tpu.dynamic_gather %get3A_142[%gather3A_592] in [0] : vector<16xf32>, vector<16xi32> -> vector<16xf32>
        %mul3A_594 = arith.mulf %gather3A_593, %div3A_504 : vector<16xf32>
        %swap3A_595 = arith.index_cast %scan3A_119 : i32 to index
        %swap3A_596 = arith.constant 80 : index
        %swap3A_597 = tpu.vector_load %arg7[%swap3A_595, %swap3A_596] {strides = array<i32>} : memref<32x512xf32, #tpu.memory_space<vmem>>, vector<1x16xf32>,
        %swap3A_598 = vector.shape_cast %swap3A_597 : vector<1x16xf32> to vector<16xf32>
        %swap3A_599 = vector.shape_cast %mul3A_594 : vector<16xf32> to vector<1x16xf32>
        tpu.vector_store %arg7[%swap3A_595, %swap3A_596], %swap3A_599 {strides = array<i32>} : memref<32x512xf32, #tpu.memory_space<vmem>>, vector<1x16xf32>,
        %lt3A_600 = arith.constant 0 : i32
        %lt3A_601 = vector.broadcast %lt3A_600 : i32 to vector<16xi32>
        %lt3A_602 = arith.cmpi slt, %or3A, %lt3A_601 : vector<16xi32>
        %add3A_603 = arith.constant 16 : i32
        %add3A_604 = vector.broadcast %add3A_603 : i32 to vector<16xi32>
        %add3A_605 = arith.addi %or3A, %add3A_604 : vector<16xi32>
        %select_n3A_606 = arith.select %lt3A_602, %add3A_605, %or3A : vector<16xi1>, vector<16xi32>
        %broadcast_in_dim3A_607 = vector.shape_cast %select_n3A_606 : vector<16xi32> to vector<16x1xi32>
        %gather3A_608 = vector.shape_cast %broadcast_in_dim3A_607 : vector<16x1xi32> to vector<16xi32>
        %gather3A_609 = tpu.dynamic_gather %get3A_146[%gather3A_608] in [0] : vector<16xf32>, vector<16xi32> -> vector<16xf32>
        %mul3A_610 = arith.mulf %gather3A_609, %div3A_504 : vector<16xf32>
        %swap3A_611 = arith.index_cast %scan3A_119 : i32 to index
        %swap3A_612 = arith.constant 96 : index
        %swap3A_613 = tpu.vector_load %arg7[%swap3A_611, %swap3A_612] {strides = array<i32>} : memref<32x512xf32, #tpu.memory_space<vmem>>, vector<1x16xf32>,
        %swap3A_614 = vector.shape_cast %swap3A_613 : vector<1x16xf32> to vector<16xf32>
        %swap3A_615 = vector.shape_cast %mul3A_610 : vector<16xf32> to vector<1x16xf32>
        tpu.vector_store %arg7[%swap3A_611, %swap3A_612], %swap3A_615 {strides = array<i32>} : memref<32x512xf32, #tpu.memory_space<vmem>>, vector<1x16xf32>,
        %lt3A_616 = arith.constant 0 : i32
        %lt3A_617 = vector.broadcast %lt3A_616 : i32 to vector<16xi32>
        %lt3A_618 = arith.cmpi slt, %or3A, %lt3A_617 : vector<16xi32>
        %add3A_619 = arith.constant 16 : i32
        %add3A_620 = vector.broadcast %add3A_619 : i32 to vector<16xi32>
        %add3A_621 = arith.addi %or3A, %add3A_620 : vector<16xi32>
        %select_n3A_622 = arith.select %lt3A_618, %add3A_621, %or3A : vector<16xi1>, vector<16xi32>
        %broadcast_in_dim3A_623 = vector.shape_cast %select_n3A_622 : vector<16xi32> to vector<16x1xi32>
        %gather3A_624 = vector.shape_cast %broadcast_in_dim3A_623 : vector<16x1xi32> to vector<16xi32>
        %gather3A_625 = tpu.dynamic_gather %get3A_150[%gather3A_624] in [0] : vector<16xf32>, vector<16xi32> -> vector<16xf32>
        %mul3A_626 = arith.mulf %gather3A_625, %div3A_504 : vector<16xf32>
        %swap3A_627 = arith.index_cast %scan3A_119 : i32 to index
        %swap3A_628 = arith.constant 112 : index
        %swap3A_629 = tpu.vector_load %arg7[%swap3A_627, %swap3A_628] {strides = array<i32>} : memref<32x512xf32, #tpu.memory_space<vmem>>, vector<1x16xf32>,
        %swap3A_630 = vector.shape_cast %swap3A_629 : vector<1x16xf32> to vector<16xf32>
        %swap3A_631 = vector.shape_cast %mul3A_626 : vector<16xf32> to vector<1x16xf32>
        tpu.vector_store %arg7[%swap3A_627, %swap3A_628], %swap3A_631 {strides = array<i32>} : memref<32x512xf32, #tpu.memory_space<vmem>>, vector<1x16xf32>,
        %lt3A_632 = arith.constant 0 : i32
        %lt3A_633 = vector.broadcast %lt3A_632 : i32 to vector<16xi32>
        %lt3A_634 = arith.cmpi slt, %or3A, %lt3A_633 : vector<16xi32>
        %add3A_635 = arith.constant 16 : i32
        %add3A_636 = vector.broadcast %add3A_635 : i32 to vector<16xi32>
        %add3A_637 = arith.addi %or3A, %add3A_636 : vector<16xi32>
        %select_n3A_638 = arith.select %lt3A_634, %add3A_637, %or3A : vector<16xi1>, vector<16xi32>
        %broadcast_in_dim3A_639 = vector.shape_cast %select_n3A_638 : vector<16xi32> to vector<16x1xi32>
        %gather3A_640 = vector.shape_cast %broadcast_in_dim3A_639 : vector<16x1xi32> to vector<16xi32>
        %gather3A_641 = tpu.dynamic_gather %get3A_154[%gather3A_640] in [0] : vector<16xf32>, vector<16xi32> -> vector<16xf32>
        %mul3A_642 = arith.mulf %gather3A_641, %div3A_504 : vector<16xf32>
        %swap3A_643 = arith.index_cast %scan3A_119 : i32 to index
        %swap3A_644 = arith.constant 128 : index
        %swap3A_645 = tpu.vector_load %arg7[%swap3A_643, %swap3A_644] {strides = array<i32>} : memref<32x512xf32, #tpu.memory_space<vmem>>, vector<1x16xf32>,
        %swap3A_646 = vector.shape_cast %swap3A_645 : vector<1x16xf32> to vector<16xf32>
        %swap3A_647 = vector.shape_cast %mul3A_642 : vector<16xf32> to vector<1x16xf32>
        tpu.vector_store %arg7[%swap3A_643, %swap3A_644], %swap3A_647 {strides = array<i32>} : memref<32x512xf32, #tpu.memory_space<vmem>>, vector<1x16xf32>,
        %lt3A_648 = arith.constant 0 : i32
        %lt3A_649 = vector.broadcast %lt3A_648 : i32 to vector<16xi32>
        %lt3A_650 = arith.cmpi slt, %or3A, %lt3A_649 : vector<16xi32>
        %add3A_651 = arith.constant 16 : i32
        %add3A_652 = vector.broadcast %add3A_651 : i32 to vector<16xi32>
        %add3A_653 = arith.addi %or3A, %add3A_652 : vector<16xi32>
        %select_n3A_654 = arith.select %lt3A_650, %add3A_653, %or3A : vector<16xi1>, vector<16xi32>
        %broadcast_in_dim3A_655 = vector.shape_cast %select_n3A_654 : vector<16xi32> to vector<16x1xi32>
        %gather3A_656 = vector.shape_cast %broadcast_in_dim3A_655 : vector<16x1xi32> to vector<16xi32>
        %gather3A_657 = tpu.dynamic_gather %get3A_158[%gather3A_656] in [0] : vector<16xf32>, vector<16xi32> -> vector<16xf32>
        %mul3A_658 = arith.mulf %gather3A_657, %div3A_504 : vector<16xf32>
        %swap3A_659 = arith.index_cast %scan3A_119 : i32 to index
        %swap3A_660 = arith.constant 144 : index
        %swap3A_661 = tpu.vector_load %arg7[%swap3A_659, %swap3A_660] {strides = array<i32>} : memref<32x512xf32, #tpu.memory_space<vmem>>, vector<1x16xf32>,
        %swap3A_662 = vector.shape_cast %swap3A_661 : vector<1x16xf32> to vector<16xf32>
        %swap3A_663 = vector.shape_cast %mul3A_658 : vector<16xf32> to vector<1x16xf32>
        tpu.vector_store %arg7[%swap3A_659, %swap3A_660], %swap3A_663 {strides = array<i32>} : memref<32x512xf32, #tpu.memory_space<vmem>>, vector<1x16xf32>,
        %lt3A_664 = arith.constant 0 : i32
        %lt3A_665 = vector.broadcast %lt3A_664 : i32 to vector<16xi32>
        %lt3A_666 = arith.cmpi slt, %or3A, %lt3A_665 : vector<16xi32>
        %add3A_667 = arith.constant 16 : i32
        %add3A_668 = vector.broadcast %add3A_667 : i32 to vector<16xi32>
        %add3A_669 = arith.addi %or3A, %add3A_668 : vector<16xi32>
        %select_n3A_670 = arith.select %lt3A_666, %add3A_669, %or3A : vector<16xi1>, vector<16xi32>
        %broadcast_in_dim3A_671 = vector.shape_cast %select_n3A_670 : vector<16xi32> to vector<16x1xi32>
        %gather3A_672 = vector.shape_cast %broadcast_in_dim3A_671 : vector<16x1xi32> to vector<16xi32>
        %gather3A_673 = tpu.dynamic_gather %get3A_162[%gather3A_672] in [0] : vector<16xf32>, vector<16xi32> -> vector<16xf32>
        %mul3A_674 = arith.mulf %gather3A_673, %div3A_504 : vector<16xf32>
        %swap3A_675 = arith.index_cast %scan3A_119 : i32 to index
        %swap3A_676 = arith.constant 160 : index
        %swap3A_677 = tpu.vector_load %arg7[%swap3A_675, %swap3A_676] {strides = array<i32>} : memref<32x512xf32, #tpu.memory_space<vmem>>, vector<1x16xf32>,
        %swap3A_678 = vector.shape_cast %swap3A_677 : vector<1x16xf32> to vector<16xf32>
        %swap3A_679 = vector.shape_cast %mul3A_674 : vector<16xf32> to vector<1x16xf32>
        tpu.vector_store %arg7[%swap3A_675, %swap3A_676], %swap3A_679 {strides = array<i32>} : memref<32x512xf32, #tpu.memory_space<vmem>>, vector<1x16xf32>,
        %lt3A_680 = arith.constant 0 : i32
        %lt3A_681 = vector.broadcast %lt3A_680 : i32 to vector<16xi32>
        %lt3A_682 = arith.cmpi slt, %or3A, %lt3A_681 : vector<16xi32>
        %add3A_683 = arith.constant 16 : i32
        %add3A_684 = vector.broadcast %add3A_683 : i32 to vector<16xi32>
        %add3A_685 = arith.addi %or3A, %add3A_684 : vector<16xi32>
        %select_n3A_686 = arith.select %lt3A_682, %add3A_685, %or3A : vector<16xi1>, vector<16xi32>
        %broadcast_in_dim3A_687 = vector.shape_cast %select_n3A_686 : vector<16xi32> to vector<16x1xi32>
        %gather3A_688 = vector.shape_cast %broadcast_in_dim3A_687 : vector<16x1xi32> to vector<16xi32>
        %gather3A_689 = tpu.dynamic_gather %get3A_166[%gather3A_688] in [0] : vector<16xf32>, vector<16xi32> -> vector<16xf32>
        %mul3A_690 = arith.mulf %gather3A_689, %div3A_504 : vector<16xf32>
        %swap3A_691 = arith.index_cast %scan3A_119 : i32 to index
        %swap3A_692 = arith.constant 176 : index
        %swap3A_693 = tpu.vector_load %arg7[%swap3A_691, %swap3A_692] {strides = array<i32>} : memref<32x512xf32, #tpu.memory_space<vmem>>, vector<1x16xf32>,
        %swap3A_694 = vector.shape_cast %swap3A_693 : vector<1x16xf32> to vector<16xf32>
        %swap3A_695 = vector.shape_cast %mul3A_690 : vector<16xf32> to vector<1x16xf32>
        tpu.vector_store %arg7[%swap3A_691, %swap3A_692], %swap3A_695 {strides = array<i32>} : memref<32x512xf32, #tpu.memory_space<vmem>>, vector<1x16xf32>,
        %lt3A_696 = arith.constant 0 : i32
        %lt3A_697 = vector.broadcast %lt3A_696 : i32 to vector<16xi32>
        %lt3A_698 = arith.cmpi slt, %or3A, %lt3A_697 : vector<16xi32>
        %add3A_699 = arith.constant 16 : i32
        %add3A_700 = vector.broadcast %add3A_699 : i32 to vector<16xi32>
        %add3A_701 = arith.addi %or3A, %add3A_700 : vector<16xi32>
        %select_n3A_702 = arith.select %lt3A_698, %add3A_701, %or3A : vector<16xi1>, vector<16xi32>
        %broadcast_in_dim3A_703 = vector.shape_cast %select_n3A_702 : vector<16xi32> to vector<16x1xi32>
        %gather3A_704 = vector.shape_cast %broadcast_in_dim3A_703 : vector<16x1xi32> to vector<16xi32>
        %gather3A_705 = tpu.dynamic_gather %get3A_170[%gather3A_704] in [0] : vector<16xf32>, vector<16xi32> -> vector<16xf32>
        %mul3A_706 = arith.mulf %gather3A_705, %div3A_504 : vector<16xf32>
        %swap3A_707 = arith.index_cast %scan3A_119 : i32 to index
        %swap3A_708 = arith.constant 192 : index
        %swap3A_709 = tpu.vector_load %arg7[%swap3A_707, %swap3A_708] {strides = array<i32>} : memref<32x512xf32, #tpu.memory_space<vmem>>, vector<1x16xf32>,
        %swap3A_710 = vector.shape_cast %swap3A_709 : vector<1x16xf32> to vector<16xf32>
        %swap3A_711 = vector.shape_cast %mul3A_706 : vector<16xf32> to vector<1x16xf32>
        tpu.vector_store %arg7[%swap3A_707, %swap3A_708], %swap3A_711 {strides = array<i32>} : memref<32x512xf32, #tpu.memory_space<vmem>>, vector<1x16xf32>,
        %lt3A_712 = arith.constant 0 : i32
        %lt3A_713 = vector.broadcast %lt3A_712 : i32 to vector<16xi32>
        %lt3A_714 = arith.cmpi slt, %or3A, %lt3A_713 : vector<16xi32>
        %add3A_715 = arith.constant 16 : i32
        %add3A_716 = vector.broadcast %add3A_715 : i32 to vector<16xi32>
        %add3A_717 = arith.addi %or3A, %add3A_716 : vector<16xi32>
        %select_n3A_718 = arith.select %lt3A_714, %add3A_717, %or3A : vector<16xi1>, vector<16xi32>
        %broadcast_in_dim3A_719 = vector.shape_cast %select_n3A_718 : vector<16xi32> to vector<16x1xi32>
        %gather3A_720 = vector.shape_cast %broadcast_in_dim3A_719 : vector<16x1xi32> to vector<16xi32>
        %gather3A_721 = tpu.dynamic_gather %get3A_174[%gather3A_720] in [0] : vector<16xf32>, vector<16xi32> -> vector<16xf32>
        %mul3A_722 = arith.mulf %gather3A_721, %div3A_504 : vector<16xf32>
        %swap3A_723 = arith.index_cast %scan3A_119 : i32 to index
        %swap3A_724 = arith.constant 208 : index
        %swap3A_725 = tpu.vector_load %arg7[%swap3A_723, %swap3A_724] {strides = array<i32>} : memref<32x512xf32, #tpu.memory_space<vmem>>, vector<1x16xf32>,
        %swap3A_726 = vector.shape_cast %swap3A_725 : vector<1x16xf32> to vector<16xf32>
        %swap3A_727 = vector.shape_cast %mul3A_722 : vector<16xf32> to vector<1x16xf32>
        tpu.vector_store %arg7[%swap3A_723, %swap3A_724], %swap3A_727 {strides = array<i32>} : memref<32x512xf32, #tpu.memory_space<vmem>>, vector<1x16xf32>,
        %lt3A_728 = arith.constant 0 : i32
        %lt3A_729 = vector.broadcast %lt3A_728 : i32 to vector<16xi32>
        %lt3A_730 = arith.cmpi slt, %or3A, %lt3A_729 : vector<16xi32>
        %add3A_731 = arith.constant 16 : i32
        %add3A_732 = vector.broadcast %add3A_731 : i32 to vector<16xi32>
        %add3A_733 = arith.addi %or3A, %add3A_732 : vector<16xi32>
        %select_n3A_734 = arith.select %lt3A_730, %add3A_733, %or3A : vector<16xi1>, vector<16xi32>
        %broadcast_in_dim3A_735 = vector.shape_cast %select_n3A_734 : vector<16xi32> to vector<16x1xi32>
        %gather3A_736 = vector.shape_cast %broadcast_in_dim3A_735 : vector<16x1xi32> to vector<16xi32>
        %gather3A_737 = tpu.dynamic_gather %get3A_178[%gather3A_736] in [0] : vector<16xf32>, vector<16xi32> -> vector<16xf32>
        %mul3A_738 = arith.mulf %gather3A_737, %div3A_504 : vector<16xf32>
        %swap3A_739 = arith.index_cast %scan3A_119 : i32 to index
        %swap3A_740 = arith.constant 224 : index
        %swap3A_741 = tpu.vector_load %arg7[%swap3A_739, %swap3A_740] {strides = array<i32>} : memref<32x512xf32, #tpu.memory_space<vmem>>, vector<1x16xf32>,
        %swap3A_742 = vector.shape_cast %swap3A_741 : vector<1x16xf32> to vector<16xf32>
        %swap3A_743 = vector.shape_cast %mul3A_738 : vector<16xf32> to vector<1x16xf32>
        tpu.vector_store %arg7[%swap3A_739, %swap3A_740], %swap3A_743 {strides = array<i32>} : memref<32x512xf32, #tpu.memory_space<vmem>>, vector<1x16xf32>,
        %lt3A_744 = arith.constant 0 : i32
        %lt3A_745 = vector.broadcast %lt3A_744 : i32 to vector<16xi32>
        %lt3A_746 = arith.cmpi slt, %or3A, %lt3A_745 : vector<16xi32>
        %add3A_747 = arith.constant 16 : i32
        %add3A_748 = vector.broadcast %add3A_747 : i32 to vector<16xi32>
        %add3A_749 = arith.addi %or3A, %add3A_748 : vector<16xi32>
        %select_n3A_750 = arith.select %lt3A_746, %add3A_749, %or3A : vector<16xi1>, vector<16xi32>
        %broadcast_in_dim3A_751 = vector.shape_cast %select_n3A_750 : vector<16xi32> to vector<16x1xi32>
        %gather3A_752 = vector.shape_cast %broadcast_in_dim3A_751 : vector<16x1xi32> to vector<16xi32>
        %gather3A_753 = tpu.dynamic_gather %get3A_182[%gather3A_752] in [0] : vector<16xf32>, vector<16xi32> -> vector<16xf32>
        %mul3A_754 = arith.mulf %gather3A_753, %div3A_504 : vector<16xf32>
        %swap3A_755 = arith.index_cast %scan3A_119 : i32 to index
        %swap3A_756 = arith.constant 240 : index
        %swap3A_757 = tpu.vector_load %arg7[%swap3A_755, %swap3A_756] {strides = array<i32>} : memref<32x512xf32, #tpu.memory_space<vmem>>, vector<1x16xf32>,
        %swap3A_758 = vector.shape_cast %swap3A_757 : vector<1x16xf32> to vector<16xf32>
        %swap3A_759 = vector.shape_cast %mul3A_754 : vector<16xf32> to vector<1x16xf32>
        tpu.vector_store %arg7[%swap3A_755, %swap3A_756], %swap3A_759 {strides = array<i32>} : memref<32x512xf32, #tpu.memory_space<vmem>>, vector<1x16xf32>,
        %lt3A_760 = arith.constant 0 : i32
        %lt3A_761 = vector.broadcast %lt3A_760 : i32 to vector<16xi32>
        %lt3A_762 = arith.cmpi slt, %or3A, %lt3A_761 : vector<16xi32>
        %add3A_763 = arith.constant 16 : i32
        %add3A_764 = vector.broadcast %add3A_763 : i32 to vector<16xi32>
        %add3A_765 = arith.addi %or3A, %add3A_764 : vector<16xi32>
        %select_n3A_766 = arith.select %lt3A_762, %add3A_765, %or3A : vector<16xi1>, vector<16xi32>
        %broadcast_in_dim3A_767 = vector.shape_cast %select_n3A_766 : vector<16xi32> to vector<16x1xi32>
        %gather3A_768 = vector.shape_cast %broadcast_in_dim3A_767 : vector<16x1xi32> to vector<16xi32>
        %gather3A_769 = tpu.dynamic_gather %get3A_186[%gather3A_768] in [0] : vector<16xf32>, vector<16xi32> -> vector<16xf32>
        %mul3A_770 = arith.mulf %gather3A_769, %div3A_504 : vector<16xf32>
        %swap3A_771 = arith.index_cast %scan3A_119 : i32 to index
        %swap3A_772 = arith.constant 256 : index
        %swap3A_773 = tpu.vector_load %arg7[%swap3A_771, %swap3A_772] {strides = array<i32>} : memref<32x512xf32, #tpu.memory_space<vmem>>, vector<1x16xf32>,
        %swap3A_774 = vector.shape_cast %swap3A_773 : vector<1x16xf32> to vector<16xf32>
        %swap3A_775 = vector.shape_cast %mul3A_770 : vector<16xf32> to vector<1x16xf32>
        tpu.vector_store %arg7[%swap3A_771, %swap3A_772], %swap3A_775 {strides = array<i32>} : memref<32x512xf32, #tpu.memory_space<vmem>>, vector<1x16xf32>,
        %lt3A_776 = arith.constant 0 : i32
        %lt3A_777 = vector.broadcast %lt3A_776 : i32 to vector<16xi32>
        %lt3A_778 = arith.cmpi slt, %or3A, %lt3A_777 : vector<16xi32>
        %add3A_779 = arith.constant 16 : i32
        %add3A_780 = vector.broadcast %add3A_779 : i32 to vector<16xi32>
        %add3A_781 = arith.addi %or3A, %add3A_780 : vector<16xi32>
        %select_n3A_782 = arith.select %lt3A_778, %add3A_781, %or3A : vector<16xi1>, vector<16xi32>
        %broadcast_in_dim3A_783 = vector.shape_cast %select_n3A_782 : vector<16xi32> to vector<16x1xi32>
        %gather3A_784 = vector.shape_cast %broadcast_in_dim3A_783 : vector<16x1xi32> to vector<16xi32>
        %gather3A_785 = tpu.dynamic_gather %get3A_190[%gather3A_784] in [0] : vector<16xf32>, vector<16xi32> -> vector<16xf32>
        %mul3A_786 = arith.mulf %gather3A_785, %div3A_504 : vector<16xf32>
        %swap3A_787 = arith.index_cast %scan3A_119 : i32 to index
        %swap3A_788 = arith.constant 272 : index
        %swap3A_789 = tpu.vector_load %arg7[%swap3A_787, %swap3A_788] {strides = array<i32>} : memref<32x512xf32, #tpu.memory_space<vmem>>, vector<1x16xf32>,
        %swap3A_790 = vector.shape_cast %swap3A_789 : vector<1x16xf32> to vector<16xf32>
        %swap3A_791 = vector.shape_cast %mul3A_786 : vector<16xf32> to vector<1x16xf32>
        tpu.vector_store %arg7[%swap3A_787, %swap3A_788], %swap3A_791 {strides = array<i32>} : memref<32x512xf32, #tpu.memory_space<vmem>>, vector<1x16xf32>,
        %lt3A_792 = arith.constant 0 : i32
        %lt3A_793 = vector.broadcast %lt3A_792 : i32 to vector<16xi32>
        %lt3A_794 = arith.cmpi slt, %or3A, %lt3A_793 : vector<16xi32>
        %add3A_795 = arith.constant 16 : i32
        %add3A_796 = vector.broadcast %add3A_795 : i32 to vector<16xi32>
        %add3A_797 = arith.addi %or3A, %add3A_796 : vector<16xi32>
        %select_n3A_798 = arith.select %lt3A_794, %add3A_797, %or3A : vector<16xi1>, vector<16xi32>
        %broadcast_in_dim3A_799 = vector.shape_cast %select_n3A_798 : vector<16xi32> to vector<16x1xi32>
        %gather3A_800 = vector.shape_cast %broadcast_in_dim3A_799 : vector<16x1xi32> to vector<16xi32>
        %gather3A_801 = tpu.dynamic_gather %get3A_194[%gather3A_800] in [0] : vector<16xf32>, vector<16xi32> -> vector<16xf32>
        %mul3A_802 = arith.mulf %gather3A_801, %div3A_504 : vector<16xf32>
        %swap3A_803 = arith.index_cast %scan3A_119 : i32 to index
        %swap3A_804 = arith.constant 288 : index
        %swap3A_805 = tpu.vector_load %arg7[%swap3A_803, %swap3A_804] {strides = array<i32>} : memref<32x512xf32, #tpu.memory_space<vmem>>, vector<1x16xf32>,
        %swap3A_806 = vector.shape_cast %swap3A_805 : vector<1x16xf32> to vector<16xf32>
        %swap3A_807 = vector.shape_cast %mul3A_802 : vector<16xf32> to vector<1x16xf32>
        tpu.vector_store %arg7[%swap3A_803, %swap3A_804], %swap3A_807 {strides = array<i32>} : memref<32x512xf32, #tpu.memory_space<vmem>>, vector<1x16xf32>,
        %lt3A_808 = arith.constant 0 : i32
        %lt3A_809 = vector.broadcast %lt3A_808 : i32 to vector<16xi32>
        %lt3A_810 = arith.cmpi slt, %or3A, %lt3A_809 : vector<16xi32>
        %add3A_811 = arith.constant 16 : i32
        %add3A_812 = vector.broadcast %add3A_811 : i32 to vector<16xi32>
        %add3A_813 = arith.addi %or3A, %add3A_812 : vector<16xi32>
        %select_n3A_814 = arith.select %lt3A_810, %add3A_813, %or3A : vector<16xi1>, vector<16xi32>
        %broadcast_in_dim3A_815 = vector.shape_cast %select_n3A_814 : vector<16xi32> to vector<16x1xi32>
        %gather3A_816 = vector.shape_cast %broadcast_in_dim3A_815 : vector<16x1xi32> to vector<16xi32>
        %gather3A_817 = tpu.dynamic_gather %get3A_198[%gather3A_816] in [0] : vector<16xf32>, vector<16xi32> -> vector<16xf32>
        %mul3A_818 = arith.mulf %gather3A_817, %div3A_504 : vector<16xf32>
        %swap3A_819 = arith.index_cast %scan3A_119 : i32 to index
        %swap3A_820 = arith.constant 304 : index
        %swap3A_821 = tpu.vector_load %arg7[%swap3A_819, %swap3A_820] {strides = array<i32>} : memref<32x512xf32, #tpu.memory_space<vmem>>, vector<1x16xf32>,
        %swap3A_822 = vector.shape_cast %swap3A_821 : vector<1x16xf32> to vector<16xf32>
        %swap3A_823 = vector.shape_cast %mul3A_818 : vector<16xf32> to vector<1x16xf32>
        tpu.vector_store %arg7[%swap3A_819, %swap3A_820], %swap3A_823 {strides = array<i32>} : memref<32x512xf32, #tpu.memory_space<vmem>>, vector<1x16xf32>,
        %lt3A_824 = arith.constant 0 : i32
        %lt3A_825 = vector.broadcast %lt3A_824 : i32 to vector<16xi32>
        %lt3A_826 = arith.cmpi slt, %or3A, %lt3A_825 : vector<16xi32>
        %add3A_827 = arith.constant 16 : i32
        %add3A_828 = vector.broadcast %add3A_827 : i32 to vector<16xi32>
        %add3A_829 = arith.addi %or3A, %add3A_828 : vector<16xi32>
        %select_n3A_830 = arith.select %lt3A_826, %add3A_829, %or3A : vector<16xi1>, vector<16xi32>
        %broadcast_in_dim3A_831 = vector.shape_cast %select_n3A_830 : vector<16xi32> to vector<16x1xi32>
        %gather3A_832 = vector.shape_cast %broadcast_in_dim3A_831 : vector<16x1xi32> to vector<16xi32>
        %gather3A_833 = tpu.dynamic_gather %get3A_202[%gather3A_832] in [0] : vector<16xf32>, vector<16xi32> -> vector<16xf32>
        %mul3A_834 = arith.mulf %gather3A_833, %div3A_504 : vector<16xf32>
        %swap3A_835 = arith.index_cast %scan3A_119 : i32 to index
        %swap3A_836 = arith.constant 320 : index
        %swap3A_837 = tpu.vector_load %arg7[%swap3A_835, %swap3A_836] {strides = array<i32>} : memref<32x512xf32, #tpu.memory_space<vmem>>, vector<1x16xf32>,
        %swap3A_838 = vector.shape_cast %swap3A_837 : vector<1x16xf32> to vector<16xf32>
        %swap3A_839 = vector.shape_cast %mul3A_834 : vector<16xf32> to vector<1x16xf32>
        tpu.vector_store %arg7[%swap3A_835, %swap3A_836], %swap3A_839 {strides = array<i32>} : memref<32x512xf32, #tpu.memory_space<vmem>>, vector<1x16xf32>,
        %lt3A_840 = arith.constant 0 : i32
        %lt3A_841 = vector.broadcast %lt3A_840 : i32 to vector<16xi32>
        %lt3A_842 = arith.cmpi slt, %or3A, %lt3A_841 : vector<16xi32>
        %add3A_843 = arith.constant 16 : i32
        %add3A_844 = vector.broadcast %add3A_843 : i32 to vector<16xi32>
        %add3A_845 = arith.addi %or3A, %add3A_844 : vector<16xi32>
        %select_n3A_846 = arith.select %lt3A_842, %add3A_845, %or3A : vector<16xi1>, vector<16xi32>
        %broadcast_in_dim3A_847 = vector.shape_cast %select_n3A_846 : vector<16xi32> to vector<16x1xi32>
        %gather3A_848 = vector.shape_cast %broadcast_in_dim3A_847 : vector<16x1xi32> to vector<16xi32>
        %gather3A_849 = tpu.dynamic_gather %get3A_206[%gather3A_848] in [0] : vector<16xf32>, vector<16xi32> -> vector<16xf32>
        %mul3A_850 = arith.mulf %gather3A_849, %div3A_504 : vector<16xf32>
        %swap3A_851 = arith.index_cast %scan3A_119 : i32 to index
        %swap3A_852 = arith.constant 336 : index
        %swap3A_853 = tpu.vector_load %arg7[%swap3A_851, %swap3A_852] {strides = array<i32>} : memref<32x512xf32, #tpu.memory_space<vmem>>, vector<1x16xf32>,
        %swap3A_854 = vector.shape_cast %swap3A_853 : vector<1x16xf32> to vector<16xf32>
        %swap3A_855 = vector.shape_cast %mul3A_850 : vector<16xf32> to vector<1x16xf32>
        tpu.vector_store %arg7[%swap3A_851, %swap3A_852], %swap3A_855 {strides = array<i32>} : memref<32x512xf32, #tpu.memory_space<vmem>>, vector<1x16xf32>,
        %lt3A_856 = arith.constant 0 : i32
        %lt3A_857 = vector.broadcast %lt3A_856 : i32 to vector<16xi32>
        %lt3A_858 = arith.cmpi slt, %or3A, %lt3A_857 : vector<16xi32>
        %add3A_859 = arith.constant 16 : i32
        %add3A_860 = vector.broadcast %add3A_859 : i32 to vector<16xi32>
        %add3A_861 = arith.addi %or3A, %add3A_860 : vector<16xi32>
        %select_n3A_862 = arith.select %lt3A_858, %add3A_861, %or3A : vector<16xi1>, vector<16xi32>
        %broadcast_in_dim3A_863 = vector.shape_cast %select_n3A_862 : vector<16xi32> to vector<16x1xi32>
        %gather3A_864 = vector.shape_cast %broadcast_in_dim3A_863 : vector<16x1xi32> to vector<16xi32>
        %gather3A_865 = tpu.dynamic_gather %get3A_210[%gather3A_864] in [0] : vector<16xf32>, vector<16xi32> -> vector<16xf32>
        %mul3A_866 = arith.mulf %gather3A_865, %div3A_504 : vector<16xf32>
        %swap3A_867 = arith.index_cast %scan3A_119 : i32 to index
        %swap3A_868 = arith.constant 352 : index
        %swap3A_869 = tpu.vector_load %arg7[%swap3A_867, %swap3A_868] {strides = array<i32>} : memref<32x512xf32, #tpu.memory_space<vmem>>, vector<1x16xf32>,
        %swap3A_870 = vector.shape_cast %swap3A_869 : vector<1x16xf32> to vector<16xf32>
        %swap3A_871 = vector.shape_cast %mul3A_866 : vector<16xf32> to vector<1x16xf32>
        tpu.vector_store %arg7[%swap3A_867, %swap3A_868], %swap3A_871 {strides = array<i32>} : memref<32x512xf32, #tpu.memory_space<vmem>>, vector<1x16xf32>,
        %lt3A_872 = arith.constant 0 : i32
        %lt3A_873 = vector.broadcast %lt3A_872 : i32 to vector<16xi32>
        %lt3A_874 = arith.cmpi slt, %or3A, %lt3A_873 : vector<16xi32>
        %add3A_875 = arith.constant 16 : i32
        %add3A_876 = vector.broadcast %add3A_875 : i32 to vector<16xi32>
        %add3A_877 = arith.addi %or3A, %add3A_876 : vector<16xi32>
        %select_n3A_878 = arith.select %lt3A_874, %add3A_877, %or3A : vector<16xi1>, vector<16xi32>
        %broadcast_in_dim3A_879 = vector.shape_cast %select_n3A_878 : vector<16xi32> to vector<16x1xi32>
        %gather3A_880 = vector.shape_cast %broadcast_in_dim3A_879 : vector<16x1xi32> to vector<16xi32>
        %gather3A_881 = tpu.dynamic_gather %get3A_214[%gather3A_880] in [0] : vector<16xf32>, vector<16xi32> -> vector<16xf32>
        %mul3A_882 = arith.mulf %gather3A_881, %div3A_504 : vector<16xf32>
        %swap3A_883 = arith.index_cast %scan3A_119 : i32 to index
        %swap3A_884 = arith.constant 368 : index
        %swap3A_885 = tpu.vector_load %arg7[%swap3A_883, %swap3A_884] {strides = array<i32>} : memref<32x512xf32, #tpu.memory_space<vmem>>, vector<1x16xf32>,
        %swap3A_886 = vector.shape_cast %swap3A_885 : vector<1x16xf32> to vector<16xf32>
        %swap3A_887 = vector.shape_cast %mul3A_882 : vector<16xf32> to vector<1x16xf32>
        tpu.vector_store %arg7[%swap3A_883, %swap3A_884], %swap3A_887 {strides = array<i32>} : memref<32x512xf32, #tpu.memory_space<vmem>>, vector<1x16xf32>,
        %lt3A_888 = arith.constant 0 : i32
        %lt3A_889 = vector.broadcast %lt3A_888 : i32 to vector<16xi32>
        %lt3A_890 = arith.cmpi slt, %or3A, %lt3A_889 : vector<16xi32>
        %add3A_891 = arith.constant 16 : i32
        %add3A_892 = vector.broadcast %add3A_891 : i32 to vector<16xi32>
        %add3A_893 = arith.addi %or3A, %add3A_892 : vector<16xi32>
        %select_n3A_894 = arith.select %lt3A_890, %add3A_893, %or3A : vector<16xi1>, vector<16xi32>
        %broadcast_in_dim3A_895 = vector.shape_cast %select_n3A_894 : vector<16xi32> to vector<16x1xi32>
        %gather3A_896 = vector.shape_cast %broadcast_in_dim3A_895 : vector<16x1xi32> to vector<16xi32>
        %gather3A_897 = tpu.dynamic_gather %get3A_218[%gather3A_896] in [0] : vector<16xf32>, vector<16xi32> -> vector<16xf32>
        %mul3A_898 = arith.mulf %gather3A_897, %div3A_504 : vector<16xf32>
        %swap3A_899 = arith.index_cast %scan3A_119 : i32 to index
        %swap3A_900 = arith.constant 384 : index
        %swap3A_901 = tpu.vector_load %arg7[%swap3A_899, %swap3A_900] {strides = array<i32>} : memref<32x512xf32, #tpu.memory_space<vmem>>, vector<1x16xf32>,
        %swap3A_902 = vector.shape_cast %swap3A_901 : vector<1x16xf32> to vector<16xf32>
        %swap3A_903 = vector.shape_cast %mul3A_898 : vector<16xf32> to vector<1x16xf32>
        tpu.vector_store %arg7[%swap3A_899, %swap3A_900], %swap3A_903 {strides = array<i32>} : memref<32x512xf32, #tpu.memory_space<vmem>>, vector<1x16xf32>,
        %lt3A_904 = arith.constant 0 : i32
        %lt3A_905 = vector.broadcast %lt3A_904 : i32 to vector<16xi32>
        %lt3A_906 = arith.cmpi slt, %or3A, %lt3A_905 : vector<16xi32>
        %add3A_907 = arith.constant 16 : i32
        %add3A_908 = vector.broadcast %add3A_907 : i32 to vector<16xi32>
        %add3A_909 = arith.addi %or3A, %add3A_908 : vector<16xi32>
        %select_n3A_910 = arith.select %lt3A_906, %add3A_909, %or3A : vector<16xi1>, vector<16xi32>
        %broadcast_in_dim3A_911 = vector.shape_cast %select_n3A_910 : vector<16xi32> to vector<16x1xi32>
        %gather3A_912 = vector.shape_cast %broadcast_in_dim3A_911 : vector<16x1xi32> to vector<16xi32>
        %gather3A_913 = tpu.dynamic_gather %get3A_222[%gather3A_912] in [0] : vector<16xf32>, vector<16xi32> -> vector<16xf32>
        %mul3A_914 = arith.mulf %gather3A_913, %div3A_504 : vector<16xf32>
        %swap3A_915 = arith.index_cast %scan3A_119 : i32 to index
        %swap3A_916 = arith.constant 400 : index
        %swap3A_917 = tpu.vector_load %arg7[%swap3A_915, %swap3A_916] {strides = array<i32>} : memref<32x512xf32, #tpu.memory_space<vmem>>, vector<1x16xf32>,
        %swap3A_918 = vector.shape_cast %swap3A_917 : vector<1x16xf32> to vector<16xf32>
        %swap3A_919 = vector.shape_cast %mul3A_914 : vector<16xf32> to vector<1x16xf32>
        tpu.vector_store %arg7[%swap3A_915, %swap3A_916], %swap3A_919 {strides = array<i32>} : memref<32x512xf32, #tpu.memory_space<vmem>>, vector<1x16xf32>,
        %lt3A_920 = arith.constant 0 : i32
        %lt3A_921 = vector.broadcast %lt3A_920 : i32 to vector<16xi32>
        %lt3A_922 = arith.cmpi slt, %or3A, %lt3A_921 : vector<16xi32>
        %add3A_923 = arith.constant 16 : i32
        %add3A_924 = vector.broadcast %add3A_923 : i32 to vector<16xi32>
        %add3A_925 = arith.addi %or3A, %add3A_924 : vector<16xi32>
        %select_n3A_926 = arith.select %lt3A_922, %add3A_925, %or3A : vector<16xi1>, vector<16xi32>
        %broadcast_in_dim3A_927 = vector.shape_cast %select_n3A_926 : vector<16xi32> to vector<16x1xi32>
        %gather3A_928 = vector.shape_cast %broadcast_in_dim3A_927 : vector<16x1xi32> to vector<16xi32>
        %gather3A_929 = tpu.dynamic_gather %get3A_226[%gather3A_928] in [0] : vector<16xf32>, vector<16xi32> -> vector<16xf32>
        %mul3A_930 = arith.mulf %gather3A_929, %div3A_504 : vector<16xf32>
        %swap3A_931 = arith.index_cast %scan3A_119 : i32 to index
        %swap3A_932 = arith.constant 416 : index
        %swap3A_933 = tpu.vector_load %arg7[%swap3A_931, %swap3A_932] {strides = array<i32>} : memref<32x512xf32, #tpu.memory_space<vmem>>, vector<1x16xf32>,
        %swap3A_934 = vector.shape_cast %swap3A_933 : vector<1x16xf32> to vector<16xf32>
        %swap3A_935 = vector.shape_cast %mul3A_930 : vector<16xf32> to vector<1x16xf32>
        tpu.vector_store %arg7[%swap3A_931, %swap3A_932], %swap3A_935 {strides = array<i32>} : memref<32x512xf32, #tpu.memory_space<vmem>>, vector<1x16xf32>,
        %lt3A_936 = arith.constant 0 : i32
        %lt3A_937 = vector.broadcast %lt3A_936 : i32 to vector<16xi32>
        %lt3A_938 = arith.cmpi slt, %or3A, %lt3A_937 : vector<16xi32>
        %add3A_939 = arith.constant 16 : i32
        %add3A_940 = vector.broadcast %add3A_939 : i32 to vector<16xi32>
        %add3A_941 = arith.addi %or3A, %add3A_940 : vector<16xi32>
        %select_n3A_942 = arith.select %lt3A_938, %add3A_941, %or3A : vector<16xi1>, vector<16xi32>
        %broadcast_in_dim3A_943 = vector.shape_cast %select_n3A_942 : vector<16xi32> to vector<16x1xi32>
        %gather3A_944 = vector.shape_cast %broadcast_in_dim3A_943 : vector<16x1xi32> to vector<16xi32>
        %gather3A_945 = tpu.dynamic_gather %get3A_230[%gather3A_944] in [0] : vector<16xf32>, vector<16xi32> -> vector<16xf32>
        %mul3A_946 = arith.mulf %gather3A_945, %div3A_504 : vector<16xf32>
        %swap3A_947 = arith.index_cast %scan3A_119 : i32 to index
        %swap3A_948 = arith.constant 432 : index
        %swap3A_949 = tpu.vector_load %arg7[%swap3A_947, %swap3A_948] {strides = array<i32>} : memref<32x512xf32, #tpu.memory_space<vmem>>, vector<1x16xf32>,
        %swap3A_950 = vector.shape_cast %swap3A_949 : vector<1x16xf32> to vector<16xf32>
        %swap3A_951 = vector.shape_cast %mul3A_946 : vector<16xf32> to vector<1x16xf32>
        tpu.vector_store %arg7[%swap3A_947, %swap3A_948], %swap3A_951 {strides = array<i32>} : memref<32x512xf32, #tpu.memory_space<vmem>>, vector<1x16xf32>,
        %lt3A_952 = arith.constant 0 : i32
        %lt3A_953 = vector.broadcast %lt3A_952 : i32 to vector<16xi32>
        %lt3A_954 = arith.cmpi slt, %or3A, %lt3A_953 : vector<16xi32>
        %add3A_955 = arith.constant 16 : i32
        %add3A_956 = vector.broadcast %add3A_955 : i32 to vector<16xi32>
        %add3A_957 = arith.addi %or3A, %add3A_956 : vector<16xi32>
        %select_n3A_958 = arith.select %lt3A_954, %add3A_957, %or3A : vector<16xi1>, vector<16xi32>
        %broadcast_in_dim3A_959 = vector.shape_cast %select_n3A_958 : vector<16xi32> to vector<16x1xi32>
        %gather3A_960 = vector.shape_cast %broadcast_in_dim3A_959 : vector<16x1xi32> to vector<16xi32>
        %gather3A_961 = tpu.dynamic_gather %get3A_234[%gather3A_960] in [0] : vector<16xf32>, vector<16xi32> -> vector<16xf32>
        %mul3A_962 = arith.mulf %gather3A_961, %div3A_504 : vector<16xf32>
        %swap3A_963 = arith.index_cast %scan3A_119 : i32 to index
        %swap3A_964 = arith.constant 448 : index
        %swap3A_965 = tpu.vector_load %arg7[%swap3A_963, %swap3A_964] {strides = array<i32>} : memref<32x512xf32, #tpu.memory_space<vmem>>, vector<1x16xf32>,
        %swap3A_966 = vector.shape_cast %swap3A_965 : vector<1x16xf32> to vector<16xf32>
        %swap3A_967 = vector.shape_cast %mul3A_962 : vector<16xf32> to vector<1x16xf32>
        tpu.vector_store %arg7[%swap3A_963, %swap3A_964], %swap3A_967 {strides = array<i32>} : memref<32x512xf32, #tpu.memory_space<vmem>>, vector<1x16xf32>,
        %lt3A_968 = arith.constant 0 : i32
        %lt3A_969 = vector.broadcast %lt3A_968 : i32 to vector<16xi32>
        %lt3A_970 = arith.cmpi slt, %or3A, %lt3A_969 : vector<16xi32>
        %add3A_971 = arith.constant 16 : i32
        %add3A_972 = vector.broadcast %add3A_971 : i32 to vector<16xi32>
        %add3A_973 = arith.addi %or3A, %add3A_972 : vector<16xi32>
        %select_n3A_974 = arith.select %lt3A_970, %add3A_973, %or3A : vector<16xi1>, vector<16xi32>
        %broadcast_in_dim3A_975 = vector.shape_cast %select_n3A_974 : vector<16xi32> to vector<16x1xi32>
        %gather3A_976 = vector.shape_cast %broadcast_in_dim3A_975 : vector<16x1xi32> to vector<16xi32>
        %gather3A_977 = tpu.dynamic_gather %get3A_238[%gather3A_976] in [0] : vector<16xf32>, vector<16xi32> -> vector<16xf32>
        %mul3A_978 = arith.mulf %gather3A_977, %div3A_504 : vector<16xf32>
        %swap3A_979 = arith.index_cast %scan3A_119 : i32 to index
        %swap3A_980 = arith.constant 464 : index
        %swap3A_981 = tpu.vector_load %arg7[%swap3A_979, %swap3A_980] {strides = array<i32>} : memref<32x512xf32, #tpu.memory_space<vmem>>, vector<1x16xf32>,
        %swap3A_982 = vector.shape_cast %swap3A_981 : vector<1x16xf32> to vector<16xf32>
        %swap3A_983 = vector.shape_cast %mul3A_978 : vector<16xf32> to vector<1x16xf32>
        tpu.vector_store %arg7[%swap3A_979, %swap3A_980], %swap3A_983 {strides = array<i32>} : memref<32x512xf32, #tpu.memory_space<vmem>>, vector<1x16xf32>,
        %lt3A_984 = arith.constant 0 : i32
        %lt3A_985 = vector.broadcast %lt3A_984 : i32 to vector<16xi32>
        %lt3A_986 = arith.cmpi slt, %or3A, %lt3A_985 : vector<16xi32>
        %add3A_987 = arith.constant 16 : i32
        %add3A_988 = vector.broadcast %add3A_987 : i32 to vector<16xi32>
        %add3A_989 = arith.addi %or3A, %add3A_988 : vector<16xi32>
        %select_n3A_990 = arith.select %lt3A_986, %add3A_989, %or3A : vector<16xi1>, vector<16xi32>
        %broadcast_in_dim3A_991 = vector.shape_cast %select_n3A_990 : vector<16xi32> to vector<16x1xi32>
        %gather3A_992 = vector.shape_cast %broadcast_in_dim3A_991 : vector<16x1xi32> to vector<16xi32>
        %gather3A_993 = tpu.dynamic_gather %get3A_242[%gather3A_992] in [0] : vector<16xf32>, vector<16xi32> -> vector<16xf32>
        %mul3A_994 = arith.mulf %gather3A_993, %div3A_504 : vector<16xf32>
        %swap3A_995 = arith.index_cast %scan3A_119 : i32 to index
        %swap3A_996 = arith.constant 480 : index
        %swap3A_997 = tpu.vector_load %arg7[%swap3A_995, %swap3A_996] {strides = array<i32>} : memref<32x512xf32, #tpu.memory_space<vmem>>, vector<1x16xf32>,
        %swap3A_998 = vector.shape_cast %swap3A_997 : vector<1x16xf32> to vector<16xf32>
        %swap3A_999 = vector.shape_cast %mul3A_994 : vector<16xf32> to vector<1x16xf32>
        tpu.vector_store %arg7[%swap3A_995, %swap3A_996], %swap3A_999 {strides = array<i32>} : memref<32x512xf32, #tpu.memory_space<vmem>>, vector<1x16xf32>,
        %lt3A_1000 = arith.constant 0 : i32
        %lt3A_1001 = vector.broadcast %lt3A_1000 : i32 to vector<16xi32>
        %lt3A_1002 = arith.cmpi slt, %or3A, %lt3A_1001 : vector<16xi32>
        %add3A_1003 = arith.constant 16 : i32
        %add3A_1004 = vector.broadcast %add3A_1003 : i32 to vector<16xi32>
        %add3A_1005 = arith.addi %or3A, %add3A_1004 : vector<16xi32>
        %select_n3A_1006 = arith.select %lt3A_1002, %add3A_1005, %or3A : vector<16xi1>, vector<16xi32>
        %broadcast_in_dim3A_1007 = vector.shape_cast %select_n3A_1006 : vector<16xi32> to vector<16x1xi32>
        %gather3A_1008 = vector.shape_cast %broadcast_in_dim3A_1007 : vector<16x1xi32> to vector<16xi32>
        %gather3A_1009 = tpu.dynamic_gather %get3A_246[%gather3A_1008] in [0] : vector<16xf32>, vector<16xi32> -> vector<16xf32>
        %mul3A_1010 = arith.mulf %gather3A_1009, %div3A_504 : vector<16xf32>
        %swap3A_1011 = arith.index_cast %scan3A_119 : i32 to index
        %swap3A_1012 = arith.constant 496 : index
        %swap3A_1013 = tpu.vector_load %arg7[%swap3A_1011, %swap3A_1012] {strides = array<i32>} : memref<32x512xf32, #tpu.memory_space<vmem>>, vector<1x16xf32>,
        %swap3A_1014 = vector.shape_cast %swap3A_1013 : vector<1x16xf32> to vector<16xf32>
        %swap3A_1015 = vector.shape_cast %mul3A_1010 : vector<16xf32> to vector<1x16xf32>
        tpu.vector_store %arg7[%swap3A_1011, %swap3A_1012], %swap3A_1015 {strides = array<i32>} : memref<32x512xf32, #tpu.memory_space<vmem>>, vector<1x16xf32>,
      }
      %scan3A_103 = arith.constant 32 : i32
      %lt3A_104 = arith.constant 15 : i32
      %lt3A_105 = arith.cmpi slt, %scan3A_42, %lt3A_104 : i32
      %convert_element_type3A_106 = arith.extui %lt3A_105 : i1 to i32
      %cond3A_107 = arith.constant 0 : i32
      %cond3A_108 = arith.cmpi ne, %convert_element_type3A_106, %cond3A_107 : i32
      scf.if %cond3A_108 {
        %add3A_119 = arith.constant 2 : i32
        %add3A_120 = arith.addi %add3A_82, %add3A_119 : i32
        %mul3A_121 = arith.constant 32 : i32
        %mul3A_122 = arith.muli %add3A_120, %mul3A_121 : i32
        %add3A_123 = arith.addi %mul3A_2, %mul3A_122 : i32
        %dma_start3A_124 = arith.constant 1 : i32
        %dma_start3A_125 = arith.constant 0 : i32
        %dma_start3A_126 = tpu.memref_slice %arg2[%add3A_123, %dma_start3A_125] : memref<32768x512xf32, #tpu.memory_space<hbm>> -> memref<32x512xf32, #tpu.memory_space<hbm>>
        %dma_start3A_127 = tpu.memref_slice %arg8[%dma_start3A_124] : memref<2x!tpu.dma_semaphore, #tpu.memory_space<semaphore_mem>> -> memref<1x!tpu.dma_semaphore, #tpu.memory_space<semaphore_mem>>
        %dma_start3A_128 = tpu.memref_squeeze %dma_start3A_127 : memref<1x!tpu.dma_semaphore, #tpu.memory_space<semaphore_mem>> -> memref<!tpu.dma_semaphore, #tpu.memory_space<semaphore_mem>>
        %dma_start3A_129 = arith.constant 0 : i32
        %dma_start3A_130 = tpu.memref_slice %arg2[%add3A_123, %dma_start3A_129] : memref<32768x512xf32, #tpu.memory_space<hbm>> -> memref<32x512xf32, #tpu.memory_space<hbm>>
        tpu.enqueue_dma source(%dma_start3A_130 : memref<32x512xf32, #tpu.memory_space<hbm>>) target(%arg5 : memref<32x512xf32, #tpu.memory_space<vmem>>) target_semaphore(%dma_start3A_128 : memref<!tpu.dma_semaphore, #tpu.memory_space<semaphore_mem>>)
      } else {
      }
      %mul3A_109 = arith.constant 32 : i32
      %mul3A_110 = arith.muli %add3A_82, %mul3A_109 : i32
      %add3A_111 = arith.addi %mul3A_2, %mul3A_110 : i32
      %dma_start3A_112 = arith.constant 1 : i32
      %dma_start3A_113 = arith.constant 0 : i32
      %dma_start3A_114 = tpu.memref_slice %arg3[%add3A_111, %dma_start3A_113] : memref<32768x512xf32, #tpu.memory_space<hbm>> -> memref<32x512xf32, #tpu.memory_space<hbm>>
      %dma_start3A_115 = tpu.memref_slice %arg9[%dma_start3A_112] : memref<2x!tpu.dma_semaphore, #tpu.memory_space<semaphore_mem>> -> memref<1x!tpu.dma_semaphore, #tpu.memory_space<semaphore_mem>>
      %dma_start3A_116 = tpu.memref_squeeze %dma_start3A_115 : memref<1x!tpu.dma_semaphore, #tpu.memory_space<semaphore_mem>> -> memref<!tpu.dma_semaphore, #tpu.memory_space<semaphore_mem>>
      %dma_start3A_117 = arith.constant 0 : i32
      %dma_start3A_118 = tpu.memref_slice %arg3[%add3A_111, %dma_start3A_117] : memref<32768x512xf32, #tpu.memory_space<hbm>> -> memref<32x512xf32, #tpu.memory_space<hbm>>
      tpu.enqueue_dma source(%arg7 : memref<32x512xf32, #tpu.memory_space<vmem>>) target(%dma_start3A_118 : memref<32x512xf32, #tpu.memory_space<hbm>>) target_semaphore(%dma_start3A_116 : memref<!tpu.dma_semaphore, #tpu.memory_space<semaphore_mem>>)
    }
    %scan3A_24 = arith.constant 16 : i32
    %add3A_25 = arith.constant 960 : i32
    %add3A_26 = arith.addi %mul3A_2, %add3A_25 : i32
    %dma_wait3A = arith.constant 0 : i32
    %dma_wait3A_27 = arith.constant 0 : i32
    %dma_wait3A_28 = tpu.memref_slice %arg3[%add3A_26, %dma_wait3A_27] : memref<32768x512xf32, #tpu.memory_space<hbm>> -> memref<32x512xf32, #tpu.memory_space<hbm>>
    %dma_wait3A_29 = tpu.memref_slice %arg9[%dma_wait3A] : memref<2x!tpu.dma_semaphore, #tpu.memory_space<semaphore_mem>> -> memref<1x!tpu.dma_semaphore, #tpu.memory_space<semaphore_mem>>
    %dma_wait3A_30 = tpu.memref_squeeze %dma_wait3A_29 : memref<1x!tpu.dma_semaphore, #tpu.memory_space<semaphore_mem>> -> memref<!tpu.dma_semaphore, #tpu.memory_space<semaphore_mem>>
    %dma_wait3A_31 = arith.constant 0 : i32
    %dma_wait3A_32 = tpu.memref_slice %arg3[%add3A_26, %dma_wait3A_31] : memref<32768x512xf32, #tpu.memory_space<hbm>> -> memref<32x512xf32, #tpu.memory_space<hbm>>
    tpu.wait_dma2 semaphore(%dma_wait3A_30 : memref<!tpu.dma_semaphore, #tpu.memory_space<semaphore_mem>>) src(%arg6 : memref<32x512xf32, #tpu.memory_space<vmem>>) dst(%dma_wait3A_32 : memref<32x512xf32, #tpu.memory_space<hbm>>)
    %add3A_33 = arith.constant 992 : i32
    %add3A_34 = arith.addi %mul3A_2, %add3A_33 : i32
    %dma_wait3A_35 = arith.constant 1 : i32
    %dma_wait3A_36 = arith.constant 0 : i32
    %dma_wait3A_37 = tpu.memref_slice %arg3[%add3A_34, %dma_wait3A_36] : memref<32768x512xf32, #tpu.memory_space<hbm>> -> memref<32x512xf32, #tpu.memory_space<hbm>>
    %dma_wait3A_38 = tpu.memref_slice %arg9[%dma_wait3A_35] : memref<2x!tpu.dma_semaphore, #tpu.memory_space<semaphore_mem>> -> memref<1x!tpu.dma_semaphore, #tpu.memory_space<semaphore_mem>>
    %dma_wait3A_39 = tpu.memref_squeeze %dma_wait3A_38 : memref<1x!tpu.dma_semaphore, #tpu.memory_space<semaphore_mem>> -> memref<!tpu.dma_semaphore, #tpu.memory_space<semaphore_mem>>
    %dma_wait3A_40 = arith.constant 0 : i32
    %dma_wait3A_41 = tpu.memref_slice %arg3[%add3A_34, %dma_wait3A_40] : memref<32768x512xf32, #tpu.memory_space<hbm>> -> memref<32x512xf32, #tpu.memory_space<hbm>>
    tpu.wait_dma2 semaphore(%dma_wait3A_39 : memref<!tpu.dma_semaphore, #tpu.memory_space<semaphore_mem>>) src(%arg7 : memref<32x512xf32, #tpu.memory_space<vmem>>) dst(%dma_wait3A_41 : memref<32x512xf32, #tpu.memory_space<hbm>>)
    return
  }
}

</mosaic_0001>

<sc_bundles>
// kernel: kernel.3.cloned.1.call-start
scs
__scs_entry_jumppad:
0x0: {  	(pc) =	sbr.rel $0x88, $3  }
0x1: {  	(tag) =	ssettag $0x0;
	lr =	simm.s32 $0x1  }
0x2: {  	[smem:$0x3F9F] =	sst lr;
	_ =	strace $0xD0000000  }
0x3: {  	_ = 	snop  }
0x4: {  	_ = 	snop  }
0x5: {  	_ = 	snop  }
0x6: {  	_ = 	snop  }
0x7: {  	_ = 	snop  }
__scs_overlays_trampoline_lowered:
0x8: {  	[smem:$0x3FAE] =	sst s0  }
0x9: {  	[smem:$0x3FAF] =	sst s1  }
0xa: {  	[smem:$0x3FB0] =	sst s2  }
0xb: {  	[smem:$0x3FB1] =	sst s3  }
0xc: {  	[smem:$0x3FB2] =	sst s4  }
0xd: {  	[smem:$0x3FB3] =	sst s5  }
0xe: {  	[smem:$0x3FB4] =	sst s6  }
0xf: {  	[smem:$0x3FB5] =	sst s7  }
0x10: {  	[smem:$0x3FB6] =	sst s8  }
0x11: {  	[smem:$0x3FB7] =	sst s9;
	s0 =	simm.s32 @!p0 $0x0  }
0x12: {  	s1 =	sld [smem:$0x3F9D];
	s0 =	simm.s32 @p0 $0x1  }
0x13: {  	[smem:$0x3FB8] =	sst s0;
	s0 =	simm.s32 @!p1 $0x0  }
0x14: {  	s2 =	sld [smem:$0x3F9C];
	s0 =	simm.s32 @p1 $0x1  }
0x15: {  	[smem:$0x3FB9] =	sst s0;
	s0 =	simm.s32 @!p2 $0x0  }
0x16: {  	s3 =	sld [smem:$0x3FDB];
	s0 =	simm.s32 @p2 $0x1  }
0x17: {  	s4 =	simm.s32 $0x1BF5;
	[smem:$0x3FBB] =	sst s0  }
0x18: {  	s0 =	sld [smem:$0x3F9E];
	_ =	swait.ge [sflag:s4], $0x0  }
0x19: {  	s7 =	sld [smem:$0x3F9F]  }
0x1a: {  	s8 =	sadd.s32 $0xFFFFE003, lr  }
0x1b: {  	s9 =	sadd.s32 $0xFFFFFEF7, lr;
	s5 =	simm.s32 $0xFFFFFFFF;
	p2 =	slt.u32 s8, $0xFFFFF086  }
0x1c: {  	p1 =	slt.u32 s9, $0xF7A;
	s5 =	simm.s32 @!p2 $0x0  }
0x1d: {  	s5 =	simm.s32 @p1 $0x1;
	p0 =	seq.s32 s7, s2  }
0x1e: {  	s7 =	smul.u32 @!p0 $0xF7A, s2;
	p2 =	seq.s32 @!p0 s5, $0x0  }
0x1f: {  	s9 =	smul.u32 $0xF7A, s1;
	s8 =	simm.s32 @!p0 $0x1BF5;
	p2 =	por !p2, p0  }
0x20: {  	[sflag:s8] =	ssyncset.s32 @!p0 $0xFFFFF086;
	s6 =	sadd.s32 @!p0 s3, s7;
	s7 =	simm.s32 @!p0 $0x108  }
0x21: {  	s3 =	sadd.s32 s3, s9;
	s6 =	sadd.s32 @!p0 $0x88, s6;
	s7 =	simm.s32 @p2 $0x1082  }
0x22: {  	[simem:s7], [sflag:s8] =	dma.local @!p0 [hbm:s6], $0xF7A  }
0x23: {  	s9 =	sor.u32 $0xD0000000, s2;
	s6 =	simm.s32 $0x108;
	_ =	swait.ge @!p0 [sflag:s8], $0x0  }
0x24: {  	s3 =	sadd.s32 $0x88, s3;
	s6 =	simm.s32 @!p1 $0x1082;
	[sflag:s4] =	ssyncset.s32 $0xFFFFF086  }
0x25: {  	[simem:s6], [sflag:s4] =	dma.local [hbm:s3], $0xF7A  }
0x26: {  	[smem:$0x3F9F] =	sst s1;
	(tag) =	ssettag s2;
	_ =	strace s9  }
0x27: {  	s1 =	sld [smem:$0x3FAF]  }
0x28: {  	s2 =	sld [smem:$0x3FB0]  }
0x29: {  	s4 =	sld [smem:$0x3FB2]  }
0x2a: {  	p0 =	seq.s32 s5, $0x0;
	s5 =	sld [smem:$0x3FB3]  }
0x2b: {  	s6 =	sld [smem:$0x3FB4]  }
0x2c: {  	s7 =	sld [smem:$0x3FB5]  }
0x2d: {  	s3 =	simm.s32 $0x108;
	s8 =	sld [smem:$0x3FB6]  }
0x2e: {  	s3 =	simm.s32 @!p0 $0x1082;
	s9 =	sld [smem:$0x3FB7]  }
0x2f: {  	lr =	sadd.s32 s0, s3;
	s0 =	sld [smem:$0x3FAE]  }
0x30: {  	s3 =	sld [smem:$0x3FB1]  }
0x31: {  	[smem:$0x3FBA] =	sst s10  }
0x32: {  	s10 =	sld [smem:$0x3FB8];
	_ =	sdelay $0x3  }
0x33: {  	p0 =	seq.s32 s10, $0x1;
	s10 =	sld [smem:$0x3FBA];
	_ =	sdelay $0x3  }
0x34: {  	[smem:$0x3FBA] =	sst s10  }
0x35: {  	s10 =	sld [smem:$0x3FB9];
	_ =	sdelay $0x3  }
0x36: {  	p1 =	seq.s32 s10, $0x1;
	s10 =	sld [smem:$0x3FBA];
	_ =	sdelay $0x3  }
0x37: {  	[smem:$0x3FBA] =	sst s10  }
0x38: {  	s10 =	sld [smem:$0x3FBB]  }
0x39: {  	_ = 	snop;
	(pc) =	sbr.ind lr, $3  }
0x3a: {  	_ = 	snop  }
0x3b: {  	_ = 	snop  }
0x3c: {  	p2 =	seq.s32 s10, $0x1;
	s10 =	sld [smem:$0x3FBA]  }
0x3d: {  	_ =	shalt  }
0x3e: {  	_ =	shalt  }
0x3f: {  	_ =	shalt  }
0x40: {  	_ =	shalt  }
0x41: {  	_ =	shalt  }
0x42: {  	_ =	shalt  }
0x43: {  	_ =	shalt  }
0x44: {  	_ =	shalt  }
0x45: {  	_ =	shalt  }
0x46: {  	_ =	shalt  }
0x47: {  	_ =	shalt  }
0x48: {  	_ =	shalt  }
0x49: {  	_ =	shalt  }
0x4a: {  	_ =	shalt  }
0x4b: {  	_ =	shalt  }
0x4c: {  	_ =	shalt  }
0x4d: {  	_ =	shalt  }
0x4e: {  	_ =	shalt  }
0x4f: {  	_ =	shalt  }
0x50: {  	_ =	shalt  }
0x51: {  	_ =	shalt  }
0x52: {  	_ =	shalt  }
0x53: {  	_ =	shalt  }
0x54: {  	_ =	shalt  }
0x55: {  	_ =	shalt  }
0x56: {  	_ =	shalt  }
0x57: {  	_ =	shalt  }
0x58: {  	_ =	shalt  }
0x59: {  	_ =	shalt  }
0x5a: {  	_ =	shalt  }
0x5b: {  	_ =	shalt  }
0x5c: {  	_ =	shalt  }
0x5d: {  	_ =	shalt  }
0x5e: {  	_ =	shalt  }
0x5f: {  	_ =	shalt  }
0x60: {  	_ =	shalt  }
0x61: {  	_ =	shalt  }
0x62: {  	_ =	shalt  }
0x63: {  	_ =	shalt  }
0x64: {  	_ =	shalt  }
0x65: {  	_ =	shalt  }
0x66: {  	_ =	shalt  }
0x67: {  	_ =	shalt  }
0x68: {  	_ =	shalt  }
0x69: {  	_ =	shalt  }
0x6a: {  	_ =	shalt  }
0x6b: {  	_ =	shalt  }
0x6c: {  	_ =	shalt  }
0x6d: {  	_ =	shalt  }
0x6e: {  	_ =	shalt  }
0x6f: {  	_ =	shalt  }
0x70: {  	_ =	shalt  }
0x71: {  	_ =	shalt  }
0x72: {  	_ =	shalt  }
0x73: {  	_ =	shalt  }
0x74: {  	_ =	shalt  }
0x75: {  	_ =	shalt  }
0x76: {  	_ =	shalt  }
0x77: {  	_ =	shalt  }
0x78: {  	_ =	shalt  }
0x79: {  	_ =	shalt  }
0x7a: {  	_ =	shalt  }
0x7b: {  	_ =	shalt  }
0x7c: {  	_ =	shalt  }
0x7d: {  	_ =	shalt  }
0x7e: {  	_ =	shalt  }
0x7f: {  	_ =	shalt  }
0x80: {  	_ =	shalt  }
0x81: {  	_ =	shalt  }
0x82: {  	_ =	shalt  }
0x83: {  	_ =	shalt  }
0x84: {  	_ =	shalt  }
0x85: {  	_ =	shalt  }
0x86: {  	_ =	shalt  }
0x87: {  	_ =	shalt  }
.Lfunc_end0:
.L_simem_size_0:
called_computation_lowered:
.L_overlay_start_0:
0x88: {  	s2 =	sld [smem:$0x3FD9]  }
0x89: {  	s3 =	sld [smem:$0x3FFE];
	_ =	sdelay $0x1  }
0x8a: {  	s1 =	srdreg.scid  }
0x8b: {  	s0 =	sand.u32 $0x1, s1  }
0x8c: {  	s15 =	sshll.u32 s0, $0xA;
	s2 =	sadd.s32 s3, s2  }
0x8d: {  	s2 =	sadd.s32 s2, s15  }
0x8e: {  	[smem:$0x3FC6] =	sst s2  }
0x8f: {  	_ = 	snop  }
0x90: {  	s2 =	sld [smem:$0x3FD0];
	_ =	sdelay $0x2  }
0x91: {  	s4 =	simm.s32 $0xA;
	s5 =	simm.s32 $0x10;
	s16 =	sld [smem:$0x3FC8]  }
0x92: {  	[smem:s5], [sflag:s4] =	dma.local [hbm:s2], $0x1  }
0x93: {  	_ =	swait.eq [sflag:s4], $0x1  }
0x94: {  	[sflag:s4] =	ssyncset.done $0x0  }
0x95: {  	[sflag:s4] =	ssyncadd.s32 $0xFFFFFFFF  }
0x96: {  	s17 =	sld [smem:$0x11];
	(tm) =	ssettm $0x1  }
0x97: {  	s18 =	sld [smem:$0x3FFB];
	_ =	sdelay $0x3  }
0x98: {  	_ =	strace s18  }
0x99: {  	s4 =	sld [smem:$0x3FFC];
	_ =	sdelay $0x3  }
0x9a: {  	_ =	strace s4  }
0x9b: {  	s4 =	sld [smem:$0x3FFD];
	_ =	sdelay $0x3  }
0x9c: {  	_ =	strace s4  }
0x9d: {  	_ =	strace $0x8FFFFFFF  }
0x9e: {  	s19 =	sld [smem:$0x3FDB];
	_ =	sdelay $0x1  }
0x9f: {  	s20 =	simm.s32 $_scs_section_size  }
0xa0: {  	s6 =	simm.s32 $_size__tile_overlayer_lowered;
	s7 =	simm.s32 $_tile_overlayer_lowered  }
0xa1: {  	s23 =	simm.s32 $0x1BFF;
	s22 =	sshll.u32 s7, $0x1;
	s4 =	sadd.s32 s20, s19  }
0xa2: {  	s8 =	simm.s32 $0x0;
	s21 =	sshll.u32 s6, $0x1;
	s6 =	sadd.s32 s22, s4  }
0xa3: {  	[timem:s8], [sflag:s23] =	dma.local [hbm:s6], s21  }
0xa4: {  	_ =	swait.ge [sflag:s23], s21  }
0xa5: {  	s5 =	ssub.s32 $0x0, s21;
	[sflag:s23] =	ssyncset.done $0x0  }
0xa6: {  	[sflag:s23] =	ssyncadd.s32 s5;
	_ =	sdelay $0x1  }
0xa7: {  	s24 =	simm.s32 $0x1B8B  }
0xa8: {  	_ =	swait.ge [sflag:s24], $0x1  }
0xa9: {  	[sflag:s24] =	ssyncset.done $0x0  }
0xaa: {  	s25 =	simm.s32 $0x1B8E;
	[sflag:s24] =	ssyncadd.s32 $0xFFFFFFFF  }
0xab: {  	s26 =	simm.s32 $execute0_lowered;
	[smem:$0x3FD2] =	sst s25  }
0xac: {  	s5 =	sshll.u32 s26, $0x1;
	_ =	strace $0x80000046;
	[dreg:$0x1] =	wrdreg $0xFFFFFFFF  }
0xad: {  	s28 =	simm.s32 $_size_execute0_lowered;
	s4 =	sadd.s32 s4, s5;
	[dreg:$0x0] =	wrdreg $0x0  }
0xae: {  	s5 =	sshll.u32 s28, $0x1;
	[dreg:$0x2] =	wrdreg s4  }
0xaf: {  	[dreg:$0x3] =	wrdreg s5  }
0xb0: {  	[dreg:$0x4] =	wrdreg $0xC0  }
0xb1: {  	_ =	task [dreg:s8], $0x5FFFF  }
0xb2: {  	[dreg:$0x1] =	wrdreg $0xFFFFFFFF  }
0xb3: {  	[dreg:$0x0] =	wrdreg $0x60  }
0xb4: {  	[dreg:$0x2] =	wrdreg s16  }
0xb5: {  	[dreg:$0x3] =	wrdreg s17  }
0xb6: {  	[dreg:$0x4] =	wrdreg $0x9  }
0xb7: {  	_ =	task.clear_ibuf [dreg:s8], $0x5FFFF;
	_ =	strace $0x90000046  }
0xb8: {  	s29 =	simm.s32 $0x9;
	_ =	strace $0x80000048  }
0xb9: {  	_ =	swait.ge [sflag:s29], $0x1  }
0xba: {  	[sflag:s29] =	ssyncadd.s32 $0xFFFFFFFF  }
0xbb: {  	_ =	strace $0x90000048  }
0xbc: {  	_ =	sfence  }
0xbd: {  	s30 =	sld [smem:$0x0];
	_ =	sdelay $0x2  }
0xbe: {  	s31 =	sshll.u32 s1, $0xD;
	s1 =	sshrl.u32 s1, $0x2  }
0xbf: {  	s3 =	sand.u32 $0x4000, s31;
	s1 =	sadd.s32 s1, s30  }
0xc0: {  	s0 =	sor.u32 s3, s0;
	s1 =	sshll.u32 s1, $0x11  }
0xc1: {  	s0 =	sor.u32 s1, s0  }
0xc2: {  	s0 =	sadd.s32 $0x8F2B, s0  }
0xc3: {  	[sflag:s0] =	ssyncadd.remote.s32 $0x1  }
0xc4: {  	_ =	sfence.sel $0xFFFF  }
0xc5: {  	[dreg:$0x0] =	wrdreg $0xFFFFFFFF;
	(pc) =	sbr.abs _section_cstart, $3  }
0xc6: {  	[dreg:$0x1] =	wrdreg $0xFFFFFFFF  }
0xc7: {  	_ =	task.clear_ibuf [dreg:s8], $0x2FFFF;
	_ =	strace $0x9FFFFFFF  }
0xc8: {  	(tm) =	ssettm $0x7FFFFFFF  }
0xc9: {  	_ =	shalt  }
tec
execute0_lowered:
.L_overlay_start_1:
0x0: {  	(tag) =	ssettag $0x1  }
0x1: {  	v0 =	vimm.s32 $0xEFCDAB89;
	v1 =	vimm.s32 $0x67452301;
	v2 =	vimm.s32 $0xDCFE98BA  }
0x2: {  	v58 =	vimm.s32 $0x54761032;
	v3 =	vimm.s32 $0xBA98FEDC;
	v4 =	vimm.s32 $0x32107654  }
0x3: {  	v5 =	vimm.s32 $0xFEDCBA98;
	v6 =	vimm.s32 $0x76543210;
	vm1 =	vcmask $0x1F00  }
0x4: {  	v26 =	vlaneseq.u32;
	v0 =	vunpack.c.l.s4.s8 v0;
	v1 =	vunpack.c.l.s4.s8 v1  }
0x5: {  	v2 =	vunpack.c.l.s4.s8 v2;
	v3 =	vunpack.c.l.s4.s8 v3;
	v4 =	vunpack.c.l.s4.s8 v4  }
0x6: {  	s2 =	srdreg.scid;
	v5 =	vunpack.c.l.s4.s8 v5;
	v6 =	vunpack.c.l.s4.s8 v6;
	v0 =	vunpack.c.0.s8.s32 v0  }
0x7: {  	s0 =	stileid.u32;
	s6 =	sand.u32 $0x1, s2;
	v1 =	vunpack.c.0.s8.s32 v1;
	v3 =	vunpack.c.0.s8.s32 v3;
	v4 =	vunpack.c.0.s8.s32 v4  }
0x8: {  	s1 =	rddreg [dreg:$0x0];
	s5 =	sshll.u32 s0, $0xA;
	s4 =	sshll.u32 s6, $0xE;
	v57 =	vunpack.c.0.s8.s32 v2;
	v2 =	vunpack.c.l.s4.s8 v58;
	v62 =	vunpack.c.0.s8.s32 v6  }
0x9: {  	s3 =	rddreg [dreg:$0x1];
	s4 =	sor.u32 s5, s4;
	s5 =	simm.s32 $0x0;
	v59 =	vunpack.c.0.s8.s32 v5;
	v0 =	vcombine.low v1, v0;
	v61 =	vcombine.low v4, v3  }
0xa: {  	s12 =	simm.s32 $0x4000;
	s13 =	simm.s32 $0x1;
	v63 =	vshrl.u32 v26, $0x3;
	[smem:$0x7FF] =	sst s5;
	v2 =	vunpack.c.0.s8.s32 v2;
	v23 =	vnsel vm1, $0x10, v62  }
0xb: {  	s14 =	simm.s32 $0x8000;
	s2 =	rddreg [dreg:$0x2];
	_ =	strace $0x80000047;
	[tilespmem:$0x1FFE0] =	vst v23;
	v60 =	vand.u32 $0xF, v0;
	v0 =	vand.u32 $0xF, v59;
	v29 =	vand.u32 $0xF, v61  }
0xc: {  	s15 =	simm.s32 $0x2;
	s16 =	simm.s32 $0xC000;
	s7 =	ssub.s32 $0x2, s6;
	v1 =	vcombine.low v2, v57;
	v27 =	vcombine.low v0, v62;
	v0 =	vmul.u32 $0x8, v63;
	[tilespmem:$0x1FFB0] =	vst v29  }
0xd: {  	s17 =	simm.s32 $0x3;
	s18 =	simm.s32 $0x4;
	s8 =	sshrl.u32 s7, $0x1;
	[tilespmem:$0x1FFD0] =	vst v60  }
0xe: {  	s19 =	simm.s32 $0x0;
	s9 =	sshll.u32 s4, $0x6;
	s11 =	ssub.s32 s7, s8;
	v25 =	vand.u32 $0xF, v1;
	[tilespmem:$0x1FFA0] =	vst v0  }
0xf: {  	s8 =	sor.u32 $0x40, s4;
	s10 =	sor.u32 $0x60, s4;
	s6 =	sadd.s32 s1, s9;
	[tilespmem:$0x1FFC0] =	vst v25  }
0x10: {  	vm0 =	vmmov $0xff;
	s9 =	sadd.s32 s3, s9;
	s11 =	smax.u32 s11, $0x1;
	s7 =	sadd.s32 $0x800, s6;
	[tilespmem:$0x1FFF0] =	vst v27  }
.LBB2_1:
0x11: {  	[tilespmem:s5], [sflag:$0x1] =	stream.linear.gather [hbm4b:s6+s5], $0x4000, $0x38;
	[tilespmem:$0x10000] =	vst v63  }
0x12: {  	s20 =	simm.s32 $0x0  }
0x13: {  	[tilespmem:s12], [sflag:$0x2] =	stream.linear.gather [hbm4b:s7+s5], $0x4000, $0x38;
	[tilespmem:$0x10000] =	vst v63  }
.LBB2_2:
0x14: {  	_ =	swait.ge [sflag:s13], $0x4000  }
0x15: {  	p1 =	seq.s32 s20, $0x0;
	[sflag:s13] =	ssyncset.done $0x0  }
0x16: {  	s21 =	simm.s32 @!p1 $0x3;
	[sflag:s13] =	ssyncadd.s32 $0xFFFFC000  }
0x17: {  	s22 =	simm.s32 $0x0;
	_ =	swait.ge @!p1 [sflag:s21], $0x4000  }
0x18: {  	s23 =	sand.u32 $0x3000, s22;
	s22 =	sand.u32 $0x380, s22;
	[sflag:s21] =	ssyncset.done @!p1 $0x0  }
0x19: {  	s23 =	sor.u32 s22, s23;
	[sflag:s21] =	ssyncadd.s32 @!p1 $0xFFFFC000  }
0x1a: {  	v0 =	vld [tilespmem:s23+$0xC40]  }
0x1b: {  	v2 =	vld [tilespmem:s23+$0xC50]  }
0x1c: {  	v3 =	vld [tilespmem:s23+$0xC00]  }
0x1d: {  	v4 =	vld [tilespmem:s23+$0xC10]  }
0x1e: {  	v5 =	vld [tilespmem:s23+$0x840]  }
0x1f: {  	v6 =	vld [tilespmem:s23+$0x850]  }
0x20: {  	v51 =	vld [tilespmem:s23+$0x800]  }
0x21: {  	v7 =	vld [tilespmem:s23+$0x810]  }
0x22: {  	v49 =	vld [tilespmem:s23+$0x440]  }
0x23: {  	v50 =	vld [tilespmem:s23+$0x450]  }
0x24: {  	v45 =	vld [tilespmem:s23+$0x400]  }
0x25: {  	v46 =	vld [tilespmem:s23+$0x410]  }
0x26: {  	v18 =	vld [tilespmem:s23+$0x0];
	[tilespmem:$0x1FF70] =	vst v0  }
0x27: {  	v19 =	vld [tilespmem:s23+$0x10];
	[tilespmem:$0x1FF80] =	vst v2  }
0x28: {  	v40 =	vld [tilespmem:s23+$0x20];
	[tilespmem:$0x1FF50] =	vst v3  }
0x29: {  	v41 =	vld [tilespmem:s23+$0x30];
	[tilespmem:$0x1FF60] =	vst v4;
	v0 =	vmul.f32 v0, v0;
	v1 =	vmul.f32 v2, v2  }
0x2a: {  	v42 =	vld [tilespmem:s23+$0x40];
	[tilespmem:$0x1FF30] =	vst v5;
	v2 =	vmul.f32 v3, v3;
	v3 =	vmul.f32 v4, v4  }
0x2b: {  	v63 =	vld [tilespmem:s23+$0x50];
	[tilespmem:$0x1FF40] =	vst v6;
	v4 =	vmul.f32 v5, v5;
	v5 =	vmul.f32 v6, v6  }
0x2c: {  	v62 =	vld [tilespmem:s23+$0x60];
	[tilespmem:$0x1FF20] =	vst v7;
	v6 =	vmul.f32 v51, v51;
	v7 =	vmul.f32 v7, v7  }
0x2d: {  	v43 =	vld [tilespmem:s23+$0x70];
	v8 =	vmul.f32 v49, v49;
	v9 =	vmul.f32 v50, v50  }
0x2e: {  	v61 =	vld [tilespmem:s23+$0x420];
	v10 =	vmul.f32 v45, v45;
	v11 =	vmul.f32 v46, v46  }
0x2f: {  	v44 =	vld [tilespmem:s23+$0x430];
	v12 =	vmul.f32 v18, v18;
	v13 =	vmul.f32 v19, v19  }
0x30: {  	v59 =	vld [tilespmem:s23+$0x460];
	v14 =	vmul.f32 v40, v40;
	v15 =	vmul.f32 v41, v41  }
0x31: {  	v24 =	vmov v60;
	v60 =	vld [tilespmem:s23+$0x470];
	v16 =	vmul.f32 v42, v42;
	v17 =	vmul.f32 v63, v63  }
0x32: {  	v57 =	vld [tilespmem:s23+$0x820];
	v20 =	vmul.f32 v62, v62;
	v21 =	vmul.f32 v43, v43  }
0x33: {  	v58 =	vld [tilespmem:s23+$0x830];
	v22 =	vmul.f32 v61, v61;
	v12 =	vadd.f32 v16, v12;
	v13 =	vadd.f32 v17, v13  }
0x34: {  	v47 =	vld [tilespmem:s23+$0x870];
	v16 =	vmul.f32 v44, v44;
	v14 =	vadd.f32 v20, v14;
	v15 =	vadd.f32 v21, v15  }
0x35: {  	v56 =	vld [tilespmem:s23+$0x860];
	v36 =	vmul.f32 v59, v59;
	v10 =	vadd.f32 v10, v12;
	v11 =	vadd.f32 v11, v13  }
0x36: {  	v54 =	vld [tilespmem:s23+$0xC30];
	v39 =	vmul.f32 v60, v60;
	v37 =	vadd.f32 v22, v14;
	v38 =	vadd.f32 v16, v15  }
0x37: {  	v53 =	vld [tilespmem:s23+$0xC20];
	v48 =	vmul.f32 v57, v57;
	v8 =	vadd.f32 v8, v10;
	v9 =	vadd.f32 v9, v11  }
0x38: {  	v32 =	vmul.f32 v58, v58;
	v16 =	vld [tilespmem:s23+$0xC60];
	v52 =	vadd.f32 v36, v37;
	v55 =	vadd.f32 v39, v38  }
0x39: {  	v35 =	vmul.f32 v47, v47;
	v14 =	vld [tilespmem:s23+$0xC70];
	v6 =	vadd.f32 v6, v8;
	v7 =	vadd.f32 v7, v9  }
0x3a: {  	v8 =	vmul.f32 v56, v56;
	v33 =	vadd.f32 v48, v52;
	v34 =	vadd.f32 v32, v55  }
0x3b: {  	v36 =	vmul.f32 v54, v54;
	v4 =	vadd.f32 v4, v6;
	v5 =	vadd.f32 v5, v7  }
0x3c: {  	v6 =	vmul.f32 v53, v53;
	v7 =	vadd.f32 v8, v33;
	v8 =	vadd.f32 v35, v34  }
0x3d: {  	v2 =	vadd.f32 v2, v4;
	v3 =	vadd.f32 v3, v5;
	v4 =	vmul.f32 v16, v16  }
0x3e: {  	v5 =	vadd.f32 v6, v7;
	v6 =	vadd.f32 v36, v8;
	v7 =	vmul.f32 v14, v14  }
0x3f: {  	v0 =	vadd.f32 v0, v2;
	v1 =	vadd.f32 v1, v3  }
0x40: {  	v2 =	vadd.f32 v4, v5;
	v3 =	vadd.f32 v7, v6;
	_ =	sdelay $0x1  }
0x41: {  	v0 =	vadd.f32 v1, v0;
	v1 =	vadd.f32 v3, v2;
	_ =	sdelay $0x1  }
0x42: {  	v0 =	vadd.f32 v1, v0;
	_ =	sdelay $0x1  }
0x43: {  	v1 =	vperm.xlane v0, v24;
	_ =	sdelay $0x1  }
0x44: {  	v0 =	vadd.f32 v1, v0;
	_ =	sdelay $0x1  }
0x45: {  	v1 =	vperm.xlane v0, v25;
	_ =	sdelay $0x1  }
0x46: {  	v0 =	vadd.f32 v1, v0;
	_ =	sdelay $0x1  }
0x47: {  	v1 =	vperm.xlane v0, v29;
	_ =	sdelay $0x1  }
0x48: {  	v0 =	vadd.f32 v1, v0;
	_ =	sdelay $0x1  }
0x49: {  	v1 =	vperm.xlane v0, v27;
	_ =	sdelay $0x1  }
0x4a: {  	v0 =	vadd.f32 v1, v0;
	v1 =	vnsel vm0, $0xBF800000, v18  }
0x4b: {  	v2 =	vperm.xlane v1, v24  }
0x4c: {  	v3 =	vshra.s32 v0, $0x1;
	v4 =	vmul.f32 $5.000000000e-01, v0  }
0x4d: {  	v3 =	vsub.s32 $0x5F3759DF, v3;
	v2 =	vmax.f32 v1, v2  }
0x4e: {  	v5 =	vmul.f32 v3, v4;
	v6 =	vperm.xlane v2, v25;
	_ =	sdelay $0x1  }
0x4f: {  	v5 =	vmul.f32 v3, v5;
	v2 =	vmax.f32 v2, v6  }
0x50: {  	s29 =	simm.s32 $0x200;
	s30 =	simm.s32 $0x80;
	v6 =	vperm.xlane v2, v29  }
0x51: {  	s22 =	sand.u32 $0x380, s30;
	s21 =	sand.u32 $0x3000, s29;
	v5 =	vsub.f32 $1.500000000e+00, v5  }
0x52: {  	s22 =	sor.u32 s22, s21;
	v2 =	vmax.f32 v2, v6  }
0x53: {  	v28 =	vld [tilespmem:s22+$0x810];
	v3 =	vmul.f32 v3, v5;
	vm1 =	veq.f32 v1, v2  }
0x54: {  	v20 =	vld [tilespmem:s22+$0xC00];
	v1 =	vnsel vm1, $0x10, v23  }
0x55: {  	v17 =	vld [tilespmem:s22+$0xC10];
	v2 =	vmul.f32 v3, v4;
	v4 =	vperm.xlane v1, v24  }
0x56: {  	v21 =	vld [tilespmem:s22+$0x50]  }
0x57: {  	v12 =	vld [tilespmem:s22+$0xC50];
	v2 =	vmul.f32 v2, v3;
	vm1 =	vlt.s32 v1, v4  }
0x58: {  	v22 =	vld [tilespmem:s22+$0x420];
	v1 =	vsel vm1, v1, v4  }
0x59: {  	v11 =	vld [tilespmem:s22+$0xC40];
	v2 =	vsub.f32 $1.500000000e+00, v2;
	v4 =	vperm.xlane v1, v25  }
0x5a: {  	v37 =	vld [tilespmem:s22+$0x20]  }
0x5b: {  	v38 =	vld [tilespmem:s22+$0x30];
	v2 =	vmul.f32 v2, v3;
	vm1 =	vlt.s32 v1, v4  }
0x5c: {  	v39 =	vld [tilespmem:s22+$0x40];
	v1 =	vsel vm1, v1, v4  }
0x5d: {  	v32 =	vld [tilespmem:s22+$0x410];
	v0 =	vmul.f32 v2, v0;
	v2 =	vperm.xlane v1, v29  }
0x5e: {  	v6 =	vld [tilespmem:s22+$0x400]  }
0x5f: {  	[tilespmem:$0x1FF90] =	vst v16;
	v16 =	vld [tilespmem:s22+$0x60];
	v0 =	vadd.f32 $9.999999970e-07, v0;
	vm1 =	vlt.s32 v1, v2  }
0x60: {  	v52 =	vmov v23;
	v23 =	vld [tilespmem:s22+$0x0];
	v1 =	vsel vm1, v1, v2  }
0x61: {  	v7 =	vld [tilespmem:s22+$0x10];
	(erf) = vrcp.f32 v0;
	v0 =	vperm.xlane v1, v27  }
0x62: {  	v5 =	vld [tilespmem:s22+$0x440]  }
0x63: {  	v10 =	vld [tilespmem:s22+$0x430];
	v9 =	vmov v24;
	v3 =	vmul.f32 v6, v6;
	vm1 =	vlt.s32 v1, v0  }
0x64: {  	v24 =	vld [tilespmem:s22+$0x70];
	[tilespmem:$0x1FE20] =	vst v6;
	v6 =	vmul.f32 v37, v37;
	v0 =	vsel vm1, v1, v0;
	v1 =	vmul.f32 v16, v16  }
0x65: {  	v35 =	vld [tilespmem:s22+$0x840];
	[tilespmem:$0x1FE40] =	vst v37;
	v13 =	vmul.f32 v39, v39;
	v4 =	vmul.f32 v23, v23  }
0x66: {  	v48 =	vmul.f32 v21, v21;
	v55 =	vmul.f32 v22, v22;
	[tilespmem:$0x1FE60] =	vst v39;
	v6 =	vadd.f32 v1, v6;
	v1 =	vld [tilespmem:$0x1FFA0]  }
0x67: {  	v34 =	vld [tilespmem:s22+$0x470];
	[tilespmem:$0x1FE30] =	vst v7;
	v4 =	vadd.f32 v13, v4;
	v13 =	vmul.f32 v32, v32;
	v2 =	vmul.f32 v5, v5  }
0x68: {  	v39 =	vmov v32;
	[tilespmem:$0x1FE10] =	vst v5;
	v32 =	vld [tilespmem:s22+$0x460];
	v5 =	vmul.f32 v7, v7;
	v7 =	vmul.f32 v38, v38  }
0x69: {  	[tilespmem:$0x1FE80] =	vst v16;
	v37 =	vld [tilespmem:s22+$0x450];
	v3 =	vadd.f32 v3, v4;
	v16 =	vmul.f32 v24, v24;
	v0 =	vadd.s32 v26, v0  }
0x6a: {  	v33 =	vld [tilespmem:s22+$0x800];
	v4 =	vmul.f32 v10, v10;
	v5 =	vadd.f32 v48, v5;
	v0 =	vand.u32 $0x7, v0  }
0x6b: {  	[tilespmem:$0x1FE70] =	vst v21;
	v48 =	vld [tilespmem:s22+$0x820];
	v2 =	vadd.f32 v2, v3;
	v7 =	vadd.f32 v16, v7;
	v1 =	vor.u32 v1, v0  }
0x6c: {  	v36 =	vmovc v22;
	v22 =	vld [tilespmem:s22+$0x830];
	v0 =	vadd.f32 v13, v5;
	v5 =	vadd.f32 v55, v6;
	v6 =	vperm.xlane v14, v1  }
0x6d: {  	v21 =	vld [tilespmem:s22+$0x850];
	[tilespmem:$0x1FE50] =	vst v38;
	v3 =	vmul.f32 v32, v32;
	v4 =	vadd.f32 v4, v7;
	v7 =	vmul.f32 v34, v34;
	v55 =	vpop (erf)  }
0x6e: {  	v8 =	vmovc v29;
	v29 =	vmovc v10;
	v38 =	vmov v24;
	v24 =	vld [tilespmem:s22+$0x860];
	v13 =	vmul.f32 v37, v37;
	v6 =	vmul.f32 v6, v55  }
0x6f: {  	v10 =	vmovc v27;
	v16 =	vld [tilespmem:s22+$0x870];
	v4 =	vadd.f32 v7, v4;
	v3 =	vadd.f32 v3, v5;
	v5 =	vmul.f32 v33, v33  }
0x70: {  	v14 =	vmul.f32 v28, v28;
	v0 =	vadd.f32 v13, v0;
	v13 =	vld [tilespmem:s22+$0xC20];
	[tilespmem:s23+$0x8C70] =	vst v6;
	v6 =	vmul.f32 v48, v48  }
0x71: {  	v27 =	vmovc v33;
	v7 =	vmul.f32 v22, v22;
	v2 =	vadd.f32 v5, v2;
	v5 =	vmul.f32 v35, v35  }
0x72: {  	v33 =	vmovc v48;
	v0 =	vadd.f32 v14, v0;
	v15 =	vld [tilespmem:s22+$0xC30];
	v48 =	vadd.f32 v6, v3;
	v6 =	vmul.f32 v21, v21  }
0x73: {  	v4 =	vadd.f32 v7, v4;
	v2 =	vadd.f32 v5, v2;
	v5 =	vmul.f32 v24, v24  }
0x74: {  	v7 =	vmul.f32 v16, v16;
	v14 =	vld [tilespmem:s22+$0xC60];
	v0 =	vadd.f32 v6, v0;
	v6 =	vmul.f32 v20, v20  }
0x75: {  	v3 =	vmul.f32 v17, v17;
	v5 =	vadd.f32 v5, v48;
	v48 =	vld [tilespmem:s22+$0xC70]  }
0x76: {  	v4 =	vadd.f32 v7, v4;
	v7 =	vmul.f32 v13, v13;
	v2 =	vadd.f32 v6, v2  }
0x77: {  	v0 =	vadd.f32 v3, v0;
	v3 =	vmul.f32 v15, v15;
	v6 =	vperm.xlane v18, v1  }
0x78: {  	v5 =	vadd.f32 v7, v5;
	v7 =	vmul.f32 v11, v11;
	v18 =	vmul.f32 v12, v12  }
0x79: {  	v3 =	vadd.f32 v3, v4;
	v4 =	vperm.xlane v19, v1;
	v19 =	vmul.f32 v14, v14  }
0x7a: {  	v2 =	vadd.f32 v7, v2;
	v0 =	vadd.f32 v18, v0;
	v18 =	vmul.f32 v48, v48  }
0x7b: {  	v7 =	vperm.xlane v40, v1;
	v6 =	vmul.f32 v55, v6;
	v5 =	vadd.f32 v19, v5  }
0x7c: {  	v19 =	vperm.xlane v41, v1;
	v4 =	vmul.f32 v55, v4;
	v3 =	vadd.f32 v18, v3  }
0x7d: {  	[tilespmem:s23+$0x8000] =	vst v6;
	v6 =	vperm.xlane v42, v1;
	v7 =	vmul.f32 v55, v7  }
0x7e: {  	v0 =	vadd.f32 v0, v2;
	v2 =	vperm.xlane v63, v1;
	v3 =	vadd.f32 v3, v5  }
0x7f: {  	[tilespmem:s23+$0x8010] =	vst v4;
	v4 =	vmul.f32 v55, v19;
	v6 =	vmul.f32 v55, v6  }
0x80: {  	[tilespmem:s23+$0x8020] =	vst v7;
	v2 =	vmul.f32 v55, v2;
	v5 =	vperm.xlane v62, v1;
	v0 =	vadd.f32 v3, v0  }
0x81: {  	v7 =	vperm.xlane v43, v1;
	[tilespmem:s23+$0x8030] =	vst v4;
	v4 =	vperm.xlane v45, v1  }
0x82: {  	[tilespmem:s23+$0x8050] =	vst v2;
	v3 =	vmul.f32 v55, v5;
	v2 =	vperm.xlane v0, v9  }
0x83: {  	s31 =	simm.s32 $0x400;
	s25 =	simm.s32 $0x100;
	[tilespmem:s23+$0x8040] =	vst v6;
	v5 =	vmul.f32 v55, v7  }
0x84: {  	s24 =	sand.u32 $0x380, s25;
	s21 =	sand.u32 $0x3000, s31;
	v4 =	vmul.f32 v4, v55;
	[tilespmem:s23+$0x8060] =	vst v3;
	v0 =	vadd.f32 v2, v0  }
0x85: {  	s24 =	sor.u32 s24, s21;
	v3 =	vperm.xlane v46, v1;
	[tilespmem:s23+$0x8070] =	vst v5  }
0x86: {  	v18 =	vld [tilespmem:s24+$0xC40];
	[tilespmem:s23+$0x8400] =	vst v4;
	v4 =	vperm.xlane v0, v25  }
0x87: {  	v2 =	vperm.xlane v61, v1;
	v3 =	vmul.f32 v3, v55  }
0x88: {  	v5 =	vperm.xlane v44, v1;
	v0 =	vadd.f32 v4, v0  }
0x89: {  	v19 =	vld [tilespmem:s24+$0xC50];
	v2 =	vmul.f32 v2, v55;
	[tilespmem:s23+$0x8410] =	vst v3;
	v3 =	vperm.xlane v49, v1  }
0x8a: {  	[tilespmem:$0x1FF10] =	vst v14;
	v14 =	vld [tilespmem:$0x1FF40];
	v4 =	vmul.f32 v5, v55;
	v5 =	vperm.xlane v0, v8  }
0x8b: {  	[tilespmem:$0x1FED0] =	vst v13;
	v6 =	vperm.xlane v59, v1;
	v40 =	vld [tilespmem:s24+$0xC00]  }
0x8c: {  	[tilespmem:s23+$0x8420] =	vst v2;
	v2 =	vperm.xlane v50, v1;
	v3 =	vmul.f32 v3, v55;
	v0 =	vadd.f32 v5, v0;
	v5 =	vld [tilespmem:$0x1FF20]  }
0x8d: {  	v7 =	vperm.xlane v51, v1;
	v6 =	vmul.f32 v6, v55;
	v41 =	vld [tilespmem:s24+$0xC10];
	[tilespmem:s23+$0x8430] =	vst v4  }
0x8e: {  	v2 =	vmul.f32 v2, v55;
	v43 =	vld [tilespmem:s24+$0x840];
	[tilespmem:s23+$0x8440] =	vst v3;
	v13 =	vperm.xlane v0, v10  }
0x8f: {  	[tilespmem:$0x1FEF0] =	vst v11;
	v7 =	vmul.f32 v7, v55;
	v4 =	vperm.xlane v60, v1;
	v42 =	vld [tilespmem:s24+$0x850]  }
0x90: {  	v50 =	vperm.xlane v58, v1;
	v3 =	vperm.xlane v57, v1;
	[tilespmem:s23+$0x8450] =	vst v2;
	v2 =	vld [tilespmem:$0x1FF30];
	v57 =	vadd.f32 v13, v0  }
0x91: {  	v4 =	vmul.f32 v4, v55;
	v44 =	vld [tilespmem:s24+$0x800];
	[tilespmem:s23+$0x8460] =	vst v6;
	v5 =	vperm.xlane v5, v1  }
0x92: {  	[tilespmem:$0x1FEE0] =	vst v15;
	v45 =	vld [tilespmem:s24+$0x810];
	v0 =	vperm.xlane v56, v1;
	v15 =	vshra.s32 v57, $0x1;
	v58 =	vmul.f32 $5.000000000e-01, v57  }
0x93: {  	[tilespmem:s23+$0x8470] =	vst v4;
	v4 =	vld [tilespmem:$0x1FF50];
	v56 =	vnsel vm0, $0xBF800000, v23;
	v60 =	vsub.s32 $0x5F3759DF, v15;
	v5 =	vmul.f32 v5, v55  }
0x94: {  	v46 =	vld [tilespmem:s24+$0x440];
	[tilespmem:s23+$0x8800] =	vst v7;
	v6 =	vperm.xlane v56, v9;
	v49 =	vmul.f32 v60, v58  }
0x95: {  	v11 =	vperm.xlane v47, v1;
	v3 =	vmul.f32 v3, v55;
	v47 =	vld [tilespmem:s24+$0x450];
	[tilespmem:s23+$0x8810] =	vst v5  }
0x96: {  	v6 =	vmax.f32 v56, v6;
	v63 =	vmul.f32 v60, v49;
	v49 =	vld [tilespmem:s24+$0x400]  }
0x97: {  	v51 =	vperm.xlane v14, v1;
	v7 =	vperm.xlane v6, v25;
	[tilespmem:s23+$0x8820] =	vst v3;
	v3 =	vld [tilespmem:$0x1FF70]  }
0x98: {  	v59 =	vperm.xlane v4, v1;
	v4 =	vld [tilespmem:$0x1FF60]  }
0x99: {  	[tilespmem:$0x1FF00] =	vst v12;
	v12 =	vperm.xlane v53, v1;
	v62 =	vmul.f32 v51, v55;
	v6 =	vmax.f32 v6, v7  }
0x9a: {  	v14 =	vmul.f32 v50, v55;
	v53 =	vperm.xlane v6, v8  }
0x9b: {  	v2 =	vperm.xlane v2, v1;
	v0 =	vmul.f32 v0, v55  }
0x9c: {  	v13 =	vsub.f32 $1.500000000e+00, v63;
	v6 =	vmax.f32 v6, v53;
	v5 =	vperm.xlane v3, v1;
	v3 =	vld [tilespmem:$0x1FF80]  }
0x9d: {  	v2 =	vmul.f32 v2, v55;
	v61 =	vperm.xlane v4, v1;
	vm1 =	veq.f32 v56, v6  }
0x9e: {  	v4 =	vperm.xlane v54, v1;
	v54 =	vmul.f32 v60, v13;
	v6 =	vnsel vm1, $0x10, v52  }
0x9f: {  	v59 =	vmul.f32 v59, v55;
	v9 =	vperm.xlane v6, v9  }
0xa0: {  	v50 =	vld [tilespmem:s24+$0x410];
	[tilespmem:s23+$0x8830] =	vst v14;
	v14 =	vmul.f32 v12, v55;
	v60 =	vmul.f32 v54, v58  }
0xa1: {  	v63 =	vmul.f32 v18, v18;
	vm1 =	vlt.s32 v6, v9;
	v15 =	vperm.xlane v3, v1;
	v3 =	vld [tilespmem:$0x1FF90]  }
0xa2: {  	v51 =	vld [tilespmem:s24+$0x420];
	[tilespmem:s23+$0x8840] =	vst v2;
	v13 =	vmul.f32 v11, v55;
	v2 =	vmul.f32 v60, v54;
	v6 =	vsel vm1, v6, v9  }
0xa3: {  	[tilespmem:$0x1FEB0] =	vst v20;
	v7 =	vmul.f32 v61, v55;
	v56 =	vperm.xlane v6, v25  }
0xa4: {  	[tilespmem:$0x1FEC0] =	vst v17;
	v4 =	vmul.f32 v4, v55;
	v61 =	vmul.f32 v19, v19;
	v2 =	vsub.f32 $1.500000000e+00, v2  }
0xa5: {  	v52 =	vld [tilespmem:s24+$0x0];
	[tilespmem:s23+$0x8850] =	vst v62;
	v62 =	vmul.f32 v41, v41;
	v5 =	vmul.f32 v5, v55;
	vm1 =	vlt.s32 v6, v56  }
0xa6: {  	[tilespmem:$0x1FE90] =	vst v24;
	v60 =	vmul.f32 v2, v54;
	v6 =	vsel vm1, v6, v56;
	v1 =	vperm.xlane v3, v1  }
0xa7: {  	v53 =	vld [tilespmem:s24+$0x10];
	[tilespmem:s23+$0x8860] =	vst v0;
	v0 =	vmul.f32 v15, v55;
	v15 =	vperm.xlane v6, v8  }
0xa8: {  	v54 =	vld [tilespmem:s24+$0x20];
	[tilespmem:s23+$0x8870] =	vst v13;
	v2 =	vmul.f32 v1, v55;
	v1 =	vmul.f32 v60, v57  }
0xa9: {  	vm1 =	vlt.s32 v6, v15;
	v55 =	vld [tilespmem:s24+$0x30];
	[tilespmem:s23+$0x8C00] =	vst v59;
	v60 =	vmul.f32 v40, v40;
	v59 =	vmul.f32 v42, v42  }
0xaa: {  	v31 =	vmovc v34;
	[tilespmem:$0x1FEA0] =	vst v16;
	v58 =	vsel vm1, v6, v15;
	v6 =	vmul.f32 v44, v44;
	v3 =	vadd.f32 $9.999999970e-07, v1  }
0xab: {  	v30 =	vmovc v32;
	v32 =	vmov v28;
	v56 =	vld [tilespmem:s24+$0x40];
	[tilespmem:s23+$0x8C10] =	vst v7;
	v7 =	vperm.xlane v58, v10;
	v1 =	vmul.f32 v43, v43  }
0xac: {  	s26 =	simm.s32 $0x600;
	s21 =	sshll.u32 s20, $0x6;
	v34 =	vmovc v22;
	v28 =	vmovc v35;
	v35 =	vmov v21;
	v57 =	vld [tilespmem:s24+$0x50];
	[tilespmem:s23+$0x8C20] =	vst v14;
	(erf) = vrcp.f32 v3;
	v3 =	vmul.f32 v45, v45  }
.LBB2_3:
0xad: {  	v8 =	vld [tilespmem:s24+$0x60]  }
0xae: {  	v9 =	vmul.f32 v46, v46;
	v10 =	vmul.f32 v47, v47;
	[tilespmem:s23+$0x8C30] =	vst v4;
	v22 =	vld [tilespmem:$0x1FFA0]  }
0xaf: {  	v11 =	vmul.f32 v49, v49;
	v12 =	vmul.f32 v50, v50;
	v4 =	vld [tilespmem:s24+$0x70];
	vm1 =	vlt.s32 v58, v7;
	[tilespmem:s23+$0x8C40] =	vst v5  }
0xb0: {  	v13 =	vmul.f32 v52, v52;
	v14 =	vmul.f32 v51, v51;
	v5 =	vld [tilespmem:s24+$0x430];
	v7 =	vsel vm1, v58, v7;
	[tilespmem:s23+$0x8C50] =	vst v0  }
0xb1: {  	v15 =	vmul.f32 v54, v54;
	v0 =	vmul.f32 v53, v53;
	[tilespmem:s23+$0x8C60] =	vst v2;
	s23 =	smov.u32 s22;
	s22 =	smov.u32 s24;
	v7 =	vadd.s32 v26, v7  }
0xb2: {  	v17 =	vmul.f32 v55, v55;
	v16 =	vld [tilespmem:s22+$0x460];
	v26 =	vmul.f32 v56, v56;
	v2 =	vand.u32 $0x7, v7  }
0xb3: {  	v7 =	vld [tilespmem:s22+$0x470];
	v20 =	vmul.f32 v57, v57;
	v21 =	vmul.f32 v8, v8;
	v2 =	vor.u32 v22, v2  }
0xb4: {  	v25 =	vld [tilespmem:s22+$0x830];
	v24 =	vmul.f32 v4, v4;
	v48 =	vperm.xlane v48, v2  }
0xb5: {  	v22 =	vld [tilespmem:s22+$0x820];
	v13 =	vadd.f32 v26, v13;
	v0 =	vadd.f32 v20, v0;
	v20 =	vmul.f32 v5, v5;
	v58 =	vpop (erf)  }
0xb6: {  	v26 =	vld [tilespmem:s22+$0x860];
	v15 =	vadd.f32 v21, v15;
	v17 =	vadd.f32 v24, v17;
	v21 =	vmul.f32 v48, v58  }
0xb7: {  	v11 =	vadd.f32 v11, v13;
	v24 =	vld [tilespmem:s22+$0x870];
	v0 =	vadd.f32 v12, v0;
	v12 =	vmul.f32 v16, v16  }
0xb8: {  	v13 =	vld [tilespmem:s22+$0xC20];
	v14 =	vadd.f32 v14, v15;
	v48 =	vadd.f32 v20, v17;
	v17 =	vmul.f32 v7, v7;
	[tilespmem:s23+$0x8C70] =	vst v21  }
0xb9: {  	v9 =	vadd.f32 v9, v11;
	v15 =	vmul.f32 v25, v25;
	v0 =	vadd.f32 v10, v0;
	v20 =	vld [tilespmem:s22+$0xC30]  }
0xba: {  	v10 =	vmul.f32 v22, v22;
	v12 =	vadd.f32 v12, v14;
	v11 =	vld [tilespmem:s22+$0xC60];
	v14 =	vadd.f32 v17, v48  }
0xbb: {  	v6 =	vadd.f32 v6, v9;
	v48 =	vld [tilespmem:s22+$0xC70];
	v0 =	vadd.f32 v3, v0;
	v3 =	vmul.f32 v26, v26  }
0xbc: {  	v9 =	vadd.f32 v10, v12;
	v12 =	vmul.f32 v24, v24;
	v10 =	vadd.f32 v15, v14  }
0xbd: {  	v1 =	vadd.f32 v1, v6;
	v6 =	vmul.f32 v13, v13;
	v0 =	vadd.f32 v59, v0  }
0xbe: {  	v15 =	vld [tilespmem:$0x1FE30];
	v17 =	vmovc v8;
	v3 =	vadd.f32 v3, v9;
	v9 =	vadd.f32 v12, v10;
	v59 =	vmul.f32 v20, v20  }
0xbf: {  	v8 =	vmovc v57;
	v57 =	vld [tilespmem:$0x1FFD0];
	v1 =	vadd.f32 v60, v1;
	v0 =	vadd.f32 v62, v0;
	v62 =	vmul.f32 v11, v11  }
0xc0: {  	v60 =	vld [tilespmem:$0x1FE50];
	v3 =	vadd.f32 v6, v3;
	v12 =	vmul.f32 v48, v48;
	v6 =	vadd.f32 v59, v9  }
0xc1: {  	v10 =	vperm.xlane v23, v2;
	v1 =	vadd.f32 v63, v1;
	v63 =	vld [tilespmem:$0x1FE80];
	v0 =	vadd.f32 v61, v0  }
0xc2: {  	[tilespmem:$0x1FE80] =	vst v17;
	v61 =	vmov v54;
	v54 =	vld [tilespmem:$0x1FEB0];
	v3 =	vadd.f32 v62, v3;
	v21 =	vadd.f32 v12, v6  }
0xc3: {  	v17 =	vperm.xlane v36, v2;
	v9 =	vperm.xlane v15, v2;
	v59 =	vld [tilespmem:$0x1FE40];
	[tilespmem:$0x1FE40] =	vst v61;
	v62 =	vmov v55  }
0xc4: {  	v61 =	vld [tilespmem:$0x1FED0];
	v0 =	vadd.f32 v0, v1;
	v55 =	vmovc v24;
	v24 =	vmov v40;
	[tilespmem:$0x1FE50] =	vst v62;
	v1 =	vadd.f32 v21, v3  }
0xc5: {  	v10 =	vmul.f32 v58, v10;
	v14 =	vperm.xlane v60, v2;
	[tilespmem:$0x1FEB0] =	vst v24;
	v62 =	vld [tilespmem:$0x1FEE0];
	v6 =	vmov v56  }
0xc6: {  	v9 =	vmul.f32 v58, v9;
	v3 =	vld [tilespmem:$0x1FE60];
	[tilespmem:$0x1FE60] =	vst v6;
	v0 =	vadd.f32 v1, v0;
	v1 =	vperm.xlane v38, v2  }
0xc7: {  	v56 =	vld [tilespmem:$0x1FFC0];
	v38 =	vmovc v4;
	v4 =	vperm.xlane v39, v2;
	v39 =	vmovc v50;
	v50 =	vperm.xlane v37, v2;
	v37 =	vmov v46  }
0xc8: {  	v15 =	vperm.xlane v63, v2;
	v40 =	vmul.f32 v58, v14;
	v6 =	vld [tilespmem:$0x1FE70];
	[tilespmem:$0x1FE70] =	vst v8;
	v21 =	vmov v49  }
0xc9: {  	v23 =	vmovc v52;
	v36 =	vmov v51;
	v51 =	vperm.xlane v54, v2;
	v8 =	vld [tilespmem:$0x1FE20];
	[tilespmem:$0x1FE20] =	vst v21;
	v21 =	vperm.xlane v0, v57  }
0xca: {  	v49 =	vperm.xlane v29, v2;
	v29 =	vmovc v5;
	v5 =	vld [tilespmem:$0x1FE10];
	[tilespmem:$0x1FE10] =	vst v37;
	v37 =	vmov v47;
	v47 =	vperm.xlane v32, v2  }
0xcb: {  	v32 =	vmovc v45;
	v45 =	vperm.xlane v28, v2;
	v28 =	vmovc v43;
	v43 =	vmov v26;
	v26 =	vld [tilespmem:$0x1FEA0];
	v0 =	vadd.f32 v21, v0  }
0xcc: {  	v52 =	vmovc v53;
	v63 =	vmov v13;
	v12 =	vperm.xlane v59, v2;
	v53 =	vperm.xlane v61, v2;
	[tilespmem:$0x1FEA0] =	vst v55;
	v55 =	vld [tilespmem:$0x1FFB0]  }
0xcd: {  	v60 =	vmovc v41;
	[tilespmem:$0x1FED0] =	vst v63;
	v59 =	vld [tilespmem:$0x1FEC0];
	v46 =	vperm.xlane v31, v2;
	v31 =	vmov v7;
	v7 =	vperm.xlane v0, v56  }
0xce: {  	[tilespmem:$0x1FEC0] =	vst v60;
	v60 =	vld [tilespmem:$0x1FEF0];
	v24 =	vmov v18;
	v41 =	vmul.f32 v58, v15;
	v63 =	vmul.f32 v58, v12  }
0xcf: {  	v18 =	vld [tilespmem:$0x1FF10];
	v21 =	vperm.xlane v30, v2;
	v30 =	vmovc v16;
	v16 =	vperm.xlane v27, v2;
	v0 =	vadd.f32 v7, v0  }
0xd0: {  	[tilespmem:$0x1FEF0] =	vst v24;
	v24 =	vld [tilespmem:$0x1FFF0];
	v27 =	vmovc v44;
	v44 =	vperm.xlane v33, v2;
	v33 =	vmov v22;
	v22 =	vperm.xlane v34, v2  }
0xd1: {  	v34 =	vmovc v25;
	v25 =	vld [tilespmem:$0x1FE90];
	v7 =	vperm.xlane v35, v2;
	v35 =	vmov v42;
	v42 =	vperm.xlane v0, v55  }
0xd2: {  	[tilespmem:$0x1FE30] =	vst v52;
	v54 =	vperm.xlane v62, v2;
	v52 =	vperm.xlane v59, v2;
	v59 =	vmov v20;
	v20 =	vld [tilespmem:$0x1FF00]  }
0xd3: {  	v3 =	vperm.xlane v3, v2;
	v6 =	vperm.xlane v6, v2;
	v0 =	vadd.f32 v42, v0  }
0xd4: {  	v8 =	vperm.xlane v8, v2;
	v13 =	vperm.xlane v60, v2  }
0xd5: {  	[tilespmem:s23+$0x8000] =	vst v10;
	v5 =	vperm.xlane v5, v2;
	v62 =	vperm.xlane v0, v24  }
0xd6: {  	[tilespmem:s23+$0x8010] =	vst v9;
	v26 =	vperm.xlane v26, v2;
	v25 =	vperm.xlane v25, v2  }
0xd7: {  	v20 =	vperm.xlane v20, v2;
	v2 =	vperm.xlane v18, v2;
	v18 =	vmovc v11;
	v11 =	vadd.f32 v62, v0  }
0xd8: {  	[tilespmem:s23+$0x8030] =	vst v40;
	v0 =	vmul.f32 v58, v3;
	v3 =	vmul.f32 v58, v6;
	v6 =	vnsel vm0, $0xBF800000, v23  }
0xd9: {  	[tilespmem:s23+$0x8060] =	vst v41;
	v42 =	vperm.xlane v6, v57  }
0xda: {  	v61 =	vmov v19;
	[tilespmem:s23+$0x8020] =	vst v63  }
0xdb: {  	v1 =	vmul.f32 v58, v1;
	[tilespmem:s23+$0x8040] =	vst v0;
	v0 =	vmul.f32 v8, v58;
	v8 =	vmax.f32 v6, v42  }
0xdc: {  	[tilespmem:$0x1FF00] =	vst v61;
	v61 =	vperm.xlane v8, v56  }
0xdd: {  	[tilespmem:s23+$0x8070] =	vst v1;
	v1 =	vmul.f32 v5, v58  }
0xde: {  	s25 =	sadd.s32 $0x80, s25;
	[tilespmem:$0x1FE90] =	vst v43;
	v43 =	vshra.s32 v11, $0x1;
	v15 =	vmul.f32 $5.000000000e-01, v11;
	v5 =	vmax.f32 v8, v61  }
0xdf: {  	s31 =	sand.u32 $0x3000, s26;
	s28 =	sand.u32 $0x380, s25;
	[tilespmem:$0x1FEE0] =	vst v59;
	v59 =	vsub.s32 $0x5F3759DF, v43;
	v14 =	vperm.xlane v5, v55  }
0xe0: {  	s24 =	sor.u32 s28, s31;
	v4 =	vmul.f32 v4, v58;
	[tilespmem:s23+$0x8050] =	vst v3;
	v60 =	vmul.f32 v59, v15  }
0xe1: {  	v63 =	vmul.f32 v44, v58;
	[tilespmem:$0x1FF10] =	vst v18;
	v7 =	vmul.f32 v7, v58;
	v18 =	vld [tilespmem:s24+$0xC40];
	v5 =	vmax.f32 v5, v14  }
0xe2: {  	v3 =	vmul.f32 v17, v58;
	[tilespmem:s23+$0x8400] =	vst v0;
	v10 =	vmul.f32 v59, v60;
	vm1 =	veq.f32 v6, v5;
	v5 =	vld [tilespmem:$0x1FFE0]  }
0xe3: {  	v2 =	vmul.f32 v2, v58;
	v62 =	vmul.f32 v49, v58;
	v19 =	vld [tilespmem:s24+$0xC50];
	[tilespmem:s23+$0x8410] =	vst v4  }
0xe4: {  	v0 =	vmul.f32 v50, v58;
	v4 =	vmul.f32 v46, v58;
	v40 =	vld [tilespmem:s24+$0xC00];
	[tilespmem:s23+$0x8420] =	vst v3;
	v10 =	vsub.f32 $1.500000000e+00, v10  }
0xe5: {  	v8 =	vmul.f32 v21, v58;
	v3 =	vmul.f32 v16, v58;
	v41 =	vld [tilespmem:s24+$0xC10];
	[tilespmem:s23+$0x8430] =	vst v62  }
0xe6: {  	v16 =	vmul.f32 v47, v58;
	v43 =	vld [tilespmem:s24+$0x840];
	[tilespmem:s23+$0x8440] =	vst v1;
	v10 =	vmul.f32 v59, v10  }
0xe7: {  	v1 =	vmul.f32 v22, v58;
	v42 =	vld [tilespmem:s24+$0x850];
	[tilespmem:s23+$0x8450] =	vst v0;
	v6 =	vmul.f32 v45, v58;
	v5 =	vnsel vm1, $0x10, v5  }
0xe8: {  	v44 =	vld [tilespmem:s24+$0x800];
	[tilespmem:s23+$0x8460] =	vst v8;
	v12 =	vmul.f32 v10, v15;
	v0 =	vperm.xlane v5, v57  }
0xe9: {  	v8 =	vmul.f32 v25, v58;
	v61 =	vmul.f32 v19, v19;
	v45 =	vld [tilespmem:s24+$0x810];
	[tilespmem:s23+$0x8470] =	vst v4  }
0xea: {  	v4 =	vmul.f32 v54, v58;
	v46 =	vld [tilespmem:s24+$0x440];
	[tilespmem:s23+$0x8800] =	vst v3;
	v12 =	vmul.f32 v12, v10;
	vm1 =	vlt.s32 v5, v0  }
0xeb: {  	v60 =	vmul.f32 v40, v40;
	v3 =	vmul.f32 v51, v58;
	v47 =	vld [tilespmem:s24+$0x450];
	[tilespmem:s23+$0x8810] =	vst v16;
	v17 =	vsel vm1, v5, v0  }
0xec: {  	v15 =	vmul.f32 v52, v58;
	v49 =	vld [tilespmem:s24+$0x400];
	[tilespmem:s23+$0x8820] =	vst v63;
	v0 =	vsub.f32 $1.500000000e+00, v12;
	v16 =	vperm.xlane v17, v56  }
0xed: {  	v62 =	vmul.f32 v41, v41;
	v63 =	vmul.f32 v18, v18;
	v50 =	vld [tilespmem:s24+$0x410];
	[tilespmem:s23+$0x8830] =	vst v1  }
0xee: {  	v57 =	vmul.f32 v26, v58;
	v51 =	vld [tilespmem:s24+$0x420];
	[tilespmem:s23+$0x8840] =	vst v6;
	v59 =	vmul.f32 v0, v10;
	vm1 =	vlt.s32 v17, v16  }
0xef: {  	p0 =	sne.s32 s26, $0x3E00;
	v52 =	vld [tilespmem:s24+$0x0];
	[tilespmem:s23+$0x8850] =	vst v7;
	v12 =	vmul.f32 v53, v58;
	v5 =	vmul.f32 v13, v58;
	v13 =	vsel vm1, v17, v16  }
.Ltmp0:
0xf0: {  	v53 =	vld [tilespmem:s24+$0x10];
	[tilespmem:s23+$0x8860] =	vst v8;
	v1 =	vmul.f32 v59, v11;
	v7 =	vperm.xlane v13, v55;
	(pc) =	sbr.rel @p0 .LBB2_3-.Ltmp0, $4  }
0xf1: {  	v6 =	vmul.f32 v44, v44;
	v54 =	vld [tilespmem:s24+$0x20];
	[tilespmem:s23+$0x8870] =	vst v57;
	v0 =	vmul.f32 v20, v58  }
0xf2: {  	v59 =	vmul.f32 v42, v42;
	v55 =	vld [tilespmem:s24+$0x30];
	[tilespmem:s23+$0x8C00] =	vst v3;
	v8 =	vadd.f32 $9.999999970e-07, v1;
	vm1 =	vlt.s32 v13, v7  }
0xf3: {  	v3 =	vmul.f32 v45, v45;
	v1 =	vmul.f32 v43, v43;
	v56 =	vld [tilespmem:s24+$0x40];
	[tilespmem:s23+$0x8C10] =	vst v15;
	v58 =	vsel vm1, v13, v7  }
0xf4: {  	s26 =	sadd.s32 $0x200, s26;
	v26 =	vlaneseq.u32;
	v57 =	vld [tilespmem:s24+$0x50];
	[tilespmem:s23+$0x8C20] =	vst v12;
	(erf) = vrcp.f32 v8;
	v7 =	vperm.xlane v58, v24  }
0xf5: {  	v13 =	vld [tilespmem:s24+$0x60]  }
0xf6: {  	[tilespmem:s23+$0x8C30] =	vst v4;
	v25 =	vld [tilespmem:$0x1FFA0]  }
0xf7: {  	v10 =	vld [tilespmem:s24+$0x70];
	vm1 =	vlt.s32 v58, v7  }
0xf8: {  	[tilespmem:s23+$0x8C40] =	vst v5;
	v7 =	vsel vm1, v58, v7  }
0xf9: {  	v4 =	vmul.f32 v52, v52;
	v11 =	vld [tilespmem:s24+$0x430];
	[tilespmem:s23+$0x8C60] =	vst v2;
	v5 =	vmul.f32 v56, v56;
	v2 =	vadd.s32 v26, v7  }
0xfa: {  	v7 =	vmul.f32 v55, v55;
	v2 =	vand.u32 $0x7, v2;
	v8 =	vmul.f32 v57, v57  }
0xfb: {  	[tilespmem:s23+$0x8C50] =	vst v0;
	v0 =	vadd.f32 v5, v4;
	v4 =	vmul.f32 v53, v53;
	v5 =	vmul.f32 v54, v54  }
0xfc: {  	v12 =	vld [tilespmem:s24+$0x460];
	v58 =	vor.u32 v25, v2;
	v2 =	vmul.f32 v13, v13;
	v9 =	vmul.f32 v10, v10  }
0xfd: {  	v17 =	vld [tilespmem:s24+$0x470];
	[tilespmem:$0x1FBB0] =	vst v10;
	v10 =	vmul.f32 v49, v49;
	v4 =	vadd.f32 v8, v4;
	v8 =	vperm.xlane v48, v58  }
0xfe: {  	v15 =	vld [tilespmem:s24+$0x820];
	v2 =	vadd.f32 v2, v5;
	v5 =	vadd.f32 v9, v7;
	v7 =	vmul.f32 v50, v50  }
0xff: {  	v16 =	vld [tilespmem:s24+$0x830];
	[tilespmem:$0x1FBA0] =	vst v13;
	v48 =	vpop (erf);
	v0 =	vadd.f32 v10, v0;
	v9 =	vmul.f32 v51, v51;
	v10 =	vmul.f32 v11, v11  }
0x100: {  	v13 =	vld [tilespmem:s24+$0x860];
	[tilespmem:$0x1FBC0] =	vst v11;
	v8 =	vmul.f32 v8, v48;
	v4 =	vadd.f32 v7, v4;
	v7 =	vmul.f32 v46, v46  }
0x101: {  	v14 =	vld [tilespmem:s24+$0x870];
	[tilespmem:$0x1FBD0] =	vst v12;
	v11 =	vmul.f32 v12, v12;
	v2 =	vadd.f32 v9, v2;
	v9 =	vmul.f32 v47, v47  }
0x102: {  	v12 =	vld [tilespmem:s24+$0xC20];
	v5 =	vadd.f32 v10, v5;
	[tilespmem:s22+$0x8C70] =	vst v8;
	v0 =	vadd.f32 v7, v0;
	v7 =	vmul.f32 v17, v17  }
0x103: {  	[tilespmem:$0x1FBE0] =	vst v17;
	v8 =	vmul.f32 v15, v15;
	v4 =	vadd.f32 v9, v4;
	v2 =	vadd.f32 v11, v2;
	v17 =	vld [tilespmem:s24+$0xC30]  }
0x104: {  	v24 =	vld [tilespmem:s24+$0xC70];
	v5 =	vadd.f32 v7, v5;
	v0 =	vadd.f32 v6, v0;
	v6 =	vmul.f32 v16, v16  }
0x105: {  	v7 =	vld [tilespmem:s24+$0xC60];
	v3 =	vadd.f32 v3, v4;
	v2 =	vadd.f32 v8, v2;
	v4 =	vmul.f32 v13, v13  }
0x106: {  	v5 =	vadd.f32 v6, v5;
	v0 =	vadd.f32 v1, v0;
	v1 =	vmul.f32 v14, v14  }
0x107: {  	v3 =	vadd.f32 v59, v3;
	v2 =	vadd.f32 v4, v2;
	v4 =	vmul.f32 v12, v12  }
0x108: {  	v1 =	vadd.f32 v1, v5;
	v0 =	vadd.f32 v60, v0;
	v5 =	vmul.f32 v17, v17  }
0x109: {  	v3 =	vadd.f32 v62, v3;
	v2 =	vadd.f32 v4, v2  }
0x10a: {  	v4 =	vmul.f32 v7, v7;
	v1 =	vadd.f32 v5, v1;
	v5 =	vmul.f32 v24, v24  }
0x10b: {  	v0 =	vadd.f32 v63, v0;
	v3 =	vadd.f32 v61, v3  }
0x10c: {  	v2 =	vadd.f32 v4, v2;
	v1 =	vadd.f32 v5, v1  }
0x10d: {  	v20 =	vld [tilespmem:$0x1FFD0]  }
0x10e: {  	v0 =	vadd.f32 v3, v0;
	v1 =	vadd.f32 v1, v2;
	_ =	sdelay $0x1  }
0x10f: {  	v0 =	vadd.f32 v1, v0  }
0x110: {  	v60 =	vld [tilespmem:$0x1FFC0]  }
0x111: {  	v1 =	vperm.xlane v0, v20;
	_ =	sdelay $0x1  }
0x112: {  	v0 =	vadd.f32 v1, v0  }
0x113: {  	v59 =	vld [tilespmem:$0x1FFB0]  }
0x114: {  	v1 =	vperm.xlane v0, v60;
	_ =	sdelay $0x1  }
0x115: {  	v0 =	vadd.f32 v1, v0  }
0x116: {  	v61 =	vld [tilespmem:$0x1FFF0]  }
0x117: {  	v1 =	vperm.xlane v0, v59;
	_ =	sdelay $0x1  }
0x118: {  	v0 =	vadd.f32 v1, v0;
	_ =	sdelay $0x1  }
0x119: {  	v1 =	vperm.xlane v0, v61;
	_ =	sdelay $0x1  }
0x11a: {  	v0 =	vadd.f32 v1, v0;
	_ =	sdelay $0x1  }
0x11b: {  	v1 =	vshra.s32 v0, $0x1;
	v2 =	vmul.f32 $5.000000000e-01, v0  }
0x11c: {  	v1 =	vsub.s32 $0x5F3759DF, v1  }
0x11d: {  	v3 =	vmul.f32 v1, v2;
	_ =	sdelay $0x1  }
0x11e: {  	v4 =	vld [tilespmem:$0x1FE30];
	v3 =	vmul.f32 v1, v3  }
0x11f: {  	v5 =	vld [tilespmem:$0x1FE40]  }
0x120: {  	v6 =	vld [tilespmem:$0x1FE50];
	v3 =	vsub.f32 $1.500000000e+00, v3  }
0x121: {  	[tilespmem:$0x1FC30] =	vst v12;
	v12 =	vperm.xlane v39, v58  }
0x122: {  	v8 =	vld [tilespmem:$0x1FE70];
	v63 =	vnsel vm0, $0xBF800000, v52;
	v1 =	vmul.f32 v1, v3;
	v3 =	vperm.xlane v23, v58  }
0x123: {  	v4 =	vperm.xlane v4, v58;
	v23 =	vmov v20;
	v20 =	vperm.xlane v63, v20  }
0x124: {  	v5 =	vperm.xlane v5, v58;
	v3 =	vmul.f32 v48, v3  }
0x125: {  	v6 =	vperm.xlane v6, v58;
	v4 =	vmul.f32 v48, v4;
	v20 =	vmax.f32 v63, v20  }
0x126: {  	[tilespmem:s22+$0x8000] =	vst v3;
	v3 =	vmul.f32 v48, v5;
	v5 =	vperm.xlane v20, v60  }
0x127: {  	v39 =	vld [tilespmem:$0x1FE10];
	v8 =	vperm.xlane v8, v58;
	v6 =	vmul.f32 v48, v6;
	[tilespmem:s22+$0x8010] =	vst v4  }
0x128: {  	v10 =	vperm.xlane v38, v58;
	v4 =	vperm.xlane v27, v58;
	v27 =	vld [tilespmem:$0x1FFE0];
	[tilespmem:s22+$0x8020] =	vst v3;
	v3 =	vmax.f32 v20, v5  }
0x129: {  	[tilespmem:s22+$0x8030] =	vst v6;
	v6 =	vmul.f32 v48, v8;
	v8 =	vperm.xlane v3, v59  }
0x12a: {  	v62 =	vmov v7;
	v7 =	vld [tilespmem:$0x1FE60]  }
0x12b: {  	v3 =	vmax.f32 v3, v8;
	v8 =	vmul.f32 v48, v10  }
0x12c: {  	[tilespmem:$0x1FBF0] =	vst v15;
	vm1 =	veq.f32 v63, v3  }
0x12d: {  	v15 =	vperm.xlane v39, v58;
	[tilespmem:s22+$0x8070] =	vst v8;
	v8 =	vnsel vm1, $0x10, v27  }
0x12e: {  	v2 =	vmul.f32 v1, v2;
	v39 =	vperm.xlane v8, v23  }
0x12f: {  	v7 =	vperm.xlane v7, v58  }
0x130: {  	v38 =	vperm.xlane v36, v58;
	v2 =	vmul.f32 v2, v1;
	vm1 =	vlt.s32 v8, v39  }
0x131: {  	v7 =	vmul.f32 v48, v7;
	v5 =	vperm.xlane v32, v58;
	v8 =	vsel vm1, v8, v39  }
0x132: {  	[tilespmem:s22+$0x8050] =	vst v6;
	v6 =	vperm.xlane v34, v58;
	v2 =	vsub.f32 $1.500000000e+00, v2;
	v34 =	vperm.xlane v8, v60  }
0x133: {  	[tilespmem:$0x1FC00] =	vst v16;
	v38 =	vmul.f32 v38, v48;
	v16 =	vld [tilespmem:$0x1FE80];
	v5 =	vmul.f32 v5, v48  }
0x134: {  	[tilespmem:s22+$0x8040] =	vst v7;
	v4 =	vmul.f32 v4, v48;
	v1 =	vmul.f32 v2, v1;
	v2 =	vld [tilespmem:$0x1FE90];
	vm1 =	vlt.s32 v8, v34  }
0x135: {  	v7 =	vperm.xlane v33, v58;
	v3 =	vmul.f32 v12, v48;
	[tilespmem:s22+$0x8810] =	vst v5;
	v5 =	vld [tilespmem:$0x1FEB0];
	v8 =	vsel vm1, v8, v34  }
0x136: {  	[tilespmem:s22+$0x8800] =	vst v4;
	v0 =	vmul.f32 v1, v0;
	v4 =	vperm.xlane v8, v59  }
0x137: {  	v1 =	vmul.f32 v7, v48;
	[tilespmem:s22+$0x8410] =	vst v3;
	v3 =	vperm.xlane v35, v58  }
0x138: {  	[tilespmem:$0x1FC20] =	vst v14;
	v9 =	vperm.xlane v16, v58;
	v0 =	vadd.f32 $9.999999970e-07, v0;
	vm1 =	vlt.s32 v8, v4  }
0x139: {  	[tilespmem:s22+$0x8820] =	vst v1;
	v2 =	vperm.xlane v2, v58;
	v1 =	vmul.f32 v3, v48;
	v3 =	vsel vm1, v8, v4;
	v4 =	vld [tilespmem:$0x1FEC0]  }
0x13a: {  	[tilespmem:$0x1FC40] =	vst v17;
	v17 =	vld [tilespmem:$0x1FE20];
	(erf) = vrcp.f32 v0;
	v5 =	vperm.xlane v5, v58  }
0x13b: {  	[tilespmem:$0x1FC10] =	vst v13;
	v0 =	vmul.f32 v2, v48;
	v2 =	vperm.xlane v3, v61  }
0x13c: {  	[tilespmem:s22+$0x8420] =	vst v38;
	v9 =	vmul.f32 v48, v9;
	v7 =	vld [tilespmem:$0x1FEA0]  }
0x13d: {  	[tilespmem:s22+$0x8850] =	vst v1;
	v1 =	vld [tilespmem:$0x1FED0];
	v5 =	vmul.f32 v5, v48;
	vm1 =	vlt.s32 v3, v2  }
0x13e: {  	[tilespmem:s22+$0x8060] =	vst v9;
	v16 =	vmul.f32 v15, v48;
	v2 =	vsel vm1, v3, v2;
	v3 =	vld [tilespmem:$0x1FEF0];
	v4 =	vperm.xlane v4, v58  }
0x13f: {  	v21 =	vperm.xlane v30, v58;
	v11 =	vperm.xlane v17, v58;
	[tilespmem:s22+$0x8C00] =	vst v5;
	v5 =	vld [tilespmem:$0x1FF00]  }
0x140: {  	[tilespmem:s22+$0x8440] =	vst v16;
	v4 =	vmul.f32 v4, v48  }
0x141: {  	v11 =	vmul.f32 v11, v48;
	v33 =	vmul.f32 v21, v48;
	[tilespmem:s22+$0x8860] =	vst v0;
	v0 =	vld [tilespmem:$0x1FEE0]  }
0x142: {  	v6 =	vmul.f32 v6, v48;
	v1 =	vperm.xlane v1, v58;
	[tilespmem:s22+$0x8C10] =	vst v4;
	v4 =	vld [tilespmem:$0x1FF10]  }
0x143: {  	[tilespmem:s22+$0x8400] =	vst v11;
	v7 =	vperm.xlane v7, v58;
	v3 =	vperm.xlane v3, v58  }
0x144: {  	[tilespmem:s22+$0x8460] =	vst v33;
	v1 =	vmul.f32 v1, v48;
	v5 =	vperm.xlane v5, v58;
	v2 =	vadd.s32 v26, v2  }
0x145: {  	[tilespmem:s22+$0x8830] =	vst v6;
	v6 =	vmul.f32 v7, v48;
	v2 =	vand.u32 $0x7, v2;
	v3 =	vmul.f32 v3, v48  }
0x146: {  	v0 =	vperm.xlane v0, v58;
	[tilespmem:s22+$0x8C20] =	vst v1;
	v1 =	vor.u32 v25, v2;
	v2 =	vmul.f32 v5, v48  }
0x147: {  	[tilespmem:s22+$0x8870] =	vst v6;
	v4 =	vperm.xlane v4, v58  }
0x148: {  	v0 =	vmul.f32 v0, v48;
	[tilespmem:s22+$0x8C50] =	vst v2;
	v2 =	vperm.xlane v53, v1  }
0x149: {  	v36 =	vperm.xlane v37, v58;
	[tilespmem:s22+$0x8C40] =	vst v3;
	v3 =	vpop (erf);
	v4 =	vmul.f32 v4, v48  }
0x14a: {  	[tilespmem:s22+$0x8C30] =	vst v0;
	v0 =	vperm.xlane v24, v1;
	v2 =	vmul.f32 v3, v2  }
0x14b: {  	v32 =	vmul.f32 v36, v48;
	[tilespmem:s22+$0x8C60] =	vst v4;
	v4 =	vperm.xlane v54, v1  }
0x14c: {  	v6 =	vperm.xlane v56, v1;
	v0 =	vmul.f32 v0, v3;
	[tilespmem:s24+$0x8010] =	vst v2;
	v2 =	vld [tilespmem:$0x1FBA0]  }
0x14d: {  	v14 =	vperm.xlane v29, v58;
	[tilespmem:s22+$0x8450] =	vst v32;
	v4 =	vmul.f32 v3, v4  }
0x14e: {  	v6 =	vmul.f32 v3, v6;
	[tilespmem:s24+$0x8C70] =	vst v0;
	v0 =	vperm.xlane v55, v1  }
0x14f: {  	v63 =	vmul.f32 v14, v48;
	v5 =	vperm.xlane v52, v1;
	[tilespmem:s24+$0x8020] =	vst v4;
	v4 =	vld [tilespmem:$0x1FBB0]  }
0x150: {  	[tilespmem:s24+$0x8040] =	vst v6;
	v6 =	vperm.xlane v50, v1;
	v0 =	vmul.f32 v3, v0  }
0x151: {  	[tilespmem:s22+$0x8430] =	vst v63;
	v5 =	vmul.f32 v3, v5;
	v2 =	vperm.xlane v2, v1  }
0x152: {  	v6 =	vmul.f32 v6, v3;
	[tilespmem:s24+$0x8030] =	vst v0;
	v0 =	vperm.xlane v49, v1  }
0x153: {  	[tilespmem:s24+$0x8000] =	vst v5;
	v5 =	vperm.xlane v57, v1;
	v2 =	vmul.f32 v3, v2  }
0x154: {  	[tilespmem:s24+$0x8410] =	vst v6;
	v0 =	vmul.f32 v0, v3;
	v4 =	vperm.xlane v4, v1  }
0x155: {  	v22 =	vperm.xlane v31, v58;
	v5 =	vmul.f32 v3, v5;
	[tilespmem:s24+$0x8060] =	vst v2;
	v2 =	vld [tilespmem:$0x1FBC0]  }
0x156: {  	v6 =	vld [tilespmem:$0x1FBD0];
	[tilespmem:s24+$0x8400] =	vst v0;
	v0 =	vperm.xlane v47, v1;
	v4 =	vmul.f32 v3, v4  }
0x157: {  	v35 =	vmul.f32 v22, v48;
	[tilespmem:s24+$0x8050] =	vst v5;
	v5 =	vperm.xlane v51, v1  }
0x158: {  	v0 =	vmul.f32 v0, v3;
	[tilespmem:s24+$0x8070] =	vst v4;
	v4 =	vperm.xlane v46, v1  }
0x159: {  	v37 =	vperm.xlane v28, v58;
	[tilespmem:s22+$0x8470] =	vst v35;
	v5 =	vmul.f32 v5, v3  }
0x15a: {  	[tilespmem:s24+$0x8450] =	vst v0;
	v0 =	vld [tilespmem:$0x1FBF0];
	v2 =	vperm.xlane v2, v1;
	v4 =	vmul.f32 v4, v3  }
0x15b: {  	v36 =	vmul.f32 v37, v48;
	[tilespmem:s24+$0x8420] =	vst v5;
	v6 =	vperm.xlane v6, v1  }
0x15c: {  	v5 =	vld [tilespmem:$0x1FBE0];
	v2 =	vmul.f32 v2, v3;
	[tilespmem:s24+$0x8440] =	vst v4;
	v4 =	vperm.xlane v45, v1  }
0x15d: {  	[tilespmem:s22+$0x8840] =	vst v36;
	v6 =	vmul.f32 v6, v3  }
0x15e: {  	[tilespmem:s24+$0x8430] =	vst v2;
	v2 =	vperm.xlane v44, v1;
	v4 =	vmul.f32 v4, v3  }
0x15f: {  	[tilespmem:s24+$0x8460] =	vst v6;
	v6 =	vld [tilespmem:$0x1FC00];
	v0 =	vperm.xlane v0, v1  }
0x160: {  	v2 =	vmul.f32 v2, v3;
	[tilespmem:s24+$0x8810] =	vst v4;
	v4 =	vld [tilespmem:$0x1FC10]  }
0x161: {  	v5 =	vperm.xlane v5, v1;
	v0 =	vmul.f32 v0, v3  }
0x162: {  	[tilespmem:s24+$0x8800] =	vst v2;
	v2 =	vperm.xlane v42, v1  }
0x163: {  	v5 =	vmul.f32 v5, v3;
	[tilespmem:s24+$0x8820] =	vst v0;
	v0 =	vld [tilespmem:$0x1FC20]  }
0x164: {  	v6 =	vperm.xlane v6, v1;
	v2 =	vmul.f32 v2, v3  }
0x165: {  	[tilespmem:s24+$0x8470] =	vst v5;
	v4 =	vperm.xlane v4, v1  }
0x166: {  	v5 =	vperm.xlane v43, v1;
	v6 =	vmul.f32 v6, v3;
	[tilespmem:s24+$0x8850] =	vst v2;
	v2 =	vld [tilespmem:$0x1FC30]  }
0x167: {  	v4 =	vmul.f32 v4, v3  }
0x168: {  	v5 =	vmul.f32 v5, v3;
	[tilespmem:s24+$0x8830] =	vst v6;
	v0 =	vperm.xlane v0, v1  }
0x169: {  	v6 =	vperm.xlane v40, v1;
	[tilespmem:s24+$0x8860] =	vst v4;
	v4 =	vld [tilespmem:$0x1FC40]  }
0x16a: {  	[tilespmem:s24+$0x8840] =	vst v5;
	v5 =	vperm.xlane v41, v1;
	v0 =	vmul.f32 v0, v3  }
0x16b: {  	v6 =	vmul.f32 v6, v3;
	v2 =	vperm.xlane v2, v1  }
0x16c: {  	v5 =	vmul.f32 v5, v3;
	[tilespmem:s24+$0x8870] =	vst v0;
	v0 =	vperm.xlane v18, v1  }
0x16d: {  	[tilespmem:s24+$0x8C00] =	vst v6;
	v6 =	vperm.xlane v19, v1;
	v2 =	vmul.f32 v2, v3  }
0x16e: {  	[tilespmem:s24+$0x8C10] =	vst v5;
	v0 =	vmul.f32 v0, v3;
	v4 =	vperm.xlane v4, v1  }
0x16f: {  	v1 =	vperm.xlane v62, v1;
	[tilespmem:s24+$0x8C20] =	vst v2;
	v2 =	vmul.f32 v6, v3  }
0x170: {  	p0 =	seq.s32 s20, $0xF;
	[tilespmem:s24+$0x8C40] =	vst v0;
	v4 =	vmul.f32 v4, v3  }
0x171: {  	s22 =	sadd.s32 @!p0 s21, s8;
	v1 =	vmul.f32 v1, v3;
	[tilespmem:s24+$0x8C50] =	vst v2  }
0x172: {  	s22 =	sshll.u32 @!p0 s22, $0x6;
	[tilespmem:s24+$0x8C30] =	vst v4  }
0x173: {  	s23 =	simm.s32 @!p0 $0x0;
	s22 =	sadd.s32 @!p0 s1, s22;
	[tilespmem:s24+$0x8C60] =	vst v1  }
0x174: {  	[tilespmem:s23], [sflag:$0x1] =	stream.linear.gather @!p0 [hbm4b:s22+s23], $0x4000, $0x38;
	[tilespmem:$0x10000] =	vst v63  }
0x175: {  	s23 =	sshll.u32 s20, $0xC  }
0x176: {  	s22 =	sadd.s32 s23, s9  }
0x177: {  	[hbm4b:s22+s5] =	stream.linear.scatter [tilespmem:s14], [sflag:$0x3], $0x4000, $0x38;
	[tilespmem:$0x10000] =	vst v63  }
0x178: {  	_ =	swait.ge [sflag:s15], $0x4000  }
0x179: {  	[sflag:s15] =	ssyncset.done $0x0  }
0x17a: {  	s22 =	simm.s32 @!p1 $0x4;
	[sflag:s15] =	ssyncadd.s32 $0xFFFFC000  }
0x17b: {  	s24 =	simm.s32 $0x0;
	_ =	swait.ge @!p1 [sflag:s22], $0x4000  }
0x17c: {  	s25 =	sand.u32 $0x3000, s24;
	s23 =	sand.u32 $0x380, s24;
	[sflag:s22] =	ssyncset.done @!p1 $0x0  }
0x17d: {  	s23 =	sor.u32 s23, s25;
	[sflag:s22] =	ssyncadd.s32 @!p1 $0xFFFFC000  }
0x17e: {  	v0 =	vld [tilespmem:s23+$0x4C40]  }
0x17f: {  	v2 =	vld [tilespmem:s23+$0x4C50]  }
0x180: {  	v3 =	vld [tilespmem:s23+$0x4C00]  }
0x181: {  	v4 =	vld [tilespmem:s23+$0x4C10]  }
0x182: {  	v5 =	vld [tilespmem:s23+$0x4840]  }
0x183: {  	v6 =	vld [tilespmem:s23+$0x4850]  }
0x184: {  	v7 =	vld [tilespmem:s23+$0x4800]  }
0x185: {  	v8 =	vld [tilespmem:s23+$0x4810]  }
0x186: {  	v50 =	vld [tilespmem:s23+$0x4440]  }
0x187: {  	v51 =	vld [tilespmem:s23+$0x4450]  }
0x188: {  	v45 =	vld [tilespmem:s23+$0x4400]  }
0x189: {  	v49 =	vld [tilespmem:s23+$0x4410]  }
0x18a: {  	v20 =	vld [tilespmem:s23+$0x4000];
	[tilespmem:$0x1FDE0] =	vst v0  }
0x18b: {  	v21 =	vld [tilespmem:s23+$0x4010];
	[tilespmem:$0x1FDF0] =	vst v2  }
0x18c: {  	v40 =	vld [tilespmem:s23+$0x4020];
	[tilespmem:$0x1FDC0] =	vst v3  }
0x18d: {  	v41 =	vld [tilespmem:s23+$0x4030];
	[tilespmem:$0x1FDD0] =	vst v4;
	v0 =	vmul.f32 v0, v0;
	v1 =	vmul.f32 v2, v2  }
0x18e: {  	v42 =	vld [tilespmem:s23+$0x4040];
	[tilespmem:$0x1FDA0] =	vst v5;
	v2 =	vmul.f32 v3, v3;
	v3 =	vmul.f32 v4, v4  }
0x18f: {  	v63 =	vld [tilespmem:s23+$0x4050];
	[tilespmem:$0x1FDB0] =	vst v6;
	v4 =	vmul.f32 v5, v5;
	v5 =	vmul.f32 v6, v6  }
0x190: {  	v62 =	vld [tilespmem:s23+$0x4060];
	[tilespmem:$0x1FD80] =	vst v7;
	v6 =	vmul.f32 v7, v7;
	v7 =	vmul.f32 v8, v8  }
0x191: {  	v43 =	vld [tilespmem:s23+$0x4070];
	[tilespmem:$0x1FD90] =	vst v8;
	v8 =	vmul.f32 v50, v50;
	v9 =	vmul.f32 v51, v51  }
0x192: {  	v28 =	vmov v61;
	v61 =	vld [tilespmem:s23+$0x4420];
	v37 =	vmul.f32 v45, v45;
	v38 =	vmul.f32 v49, v49  }
0x193: {  	v44 =	vld [tilespmem:s23+$0x4430];
	v39 =	vmul.f32 v20, v20;
	v48 =	vmul.f32 v21, v21  }
0x194: {  	v46 =	vld [tilespmem:s23+$0x4460];
	v52 =	vmul.f32 v40, v40;
	v53 =	vmul.f32 v41, v41  }
0x195: {  	v47 =	vld [tilespmem:s23+$0x4470];
	v32 =	vmul.f32 v42, v42;
	v33 =	vmul.f32 v63, v63  }
0x196: {  	v57 =	vld [tilespmem:s23+$0x4820];
	v18 =	vmul.f32 v62, v62;
	v19 =	vmul.f32 v43, v43  }
0x197: {  	v58 =	vld [tilespmem:s23+$0x4830];
	v22 =	vmul.f32 v61, v61;
	v12 =	vadd.f32 v32, v39;
	v13 =	vadd.f32 v33, v48  }
0x198: {  	v34 =	vmul.f32 v44, v44;
	v14 =	vadd.f32 v18, v52;
	v15 =	vadd.f32 v19, v53;
	v52 =	vld [tilespmem:s23+$0x4870]  }
0x199: {  	v56 =	vld [tilespmem:s23+$0x4860];
	v35 =	vmul.f32 v46, v46;
	v10 =	vadd.f32 v37, v12;
	v11 =	vadd.f32 v38, v13  }
0x19a: {  	v54 =	vld [tilespmem:s23+$0x4C30];
	v36 =	vadd.f32 v22, v14;
	v37 =	vadd.f32 v34, v15;
	v38 =	vmul.f32 v47, v47  }
0x19b: {  	v53 =	vld [tilespmem:s23+$0x4C20];
	v39 =	vmul.f32 v57, v57;
	v8 =	vadd.f32 v8, v10;
	v9 =	vadd.f32 v9, v11  }
0x19c: {  	v48 =	vld [tilespmem:s23+$0x4C60];
	v32 =	vmul.f32 v58, v58;
	v55 =	vadd.f32 v35, v36;
	v17 =	vadd.f32 v38, v37  }
0x19d: {  	v14 =	vld [tilespmem:s23+$0x4C70];
	v35 =	vmul.f32 v52, v52;
	v6 =	vadd.f32 v6, v8;
	v7 =	vadd.f32 v7, v9  }
0x19e: {  	v8 =	vmul.f32 v56, v56;
	v33 =	vadd.f32 v39, v55;
	v34 =	vadd.f32 v32, v17  }
0x19f: {  	v36 =	vmul.f32 v54, v54;
	v4 =	vadd.f32 v4, v6;
	v5 =	vadd.f32 v5, v7  }
0x1a0: {  	v6 =	vmul.f32 v53, v53;
	v7 =	vadd.f32 v8, v33;
	v8 =	vadd.f32 v35, v34  }
0x1a1: {  	v2 =	vadd.f32 v2, v4;
	v3 =	vadd.f32 v3, v5;
	v4 =	vmul.f32 v48, v48  }
0x1a2: {  	v5 =	vadd.f32 v6, v7;
	v6 =	vadd.f32 v36, v8;
	v7 =	vmul.f32 v14, v14  }
0x1a3: {  	v0 =	vadd.f32 v0, v2;
	v1 =	vadd.f32 v1, v3  }
0x1a4: {  	v2 =	vadd.f32 v4, v5;
	v3 =	vadd.f32 v7, v6;
	_ =	sdelay $0x1  }
0x1a5: {  	v0 =	vadd.f32 v1, v0;
	v1 =	vadd.f32 v3, v2;
	_ =	sdelay $0x1  }
0x1a6: {  	v0 =	vadd.f32 v1, v0;
	_ =	sdelay $0x1  }
0x1a7: {  	v1 =	vperm.xlane v0, v23;
	_ =	sdelay $0x1  }
0x1a8: {  	v0 =	vadd.f32 v1, v0;
	_ =	sdelay $0x1  }
0x1a9: {  	v1 =	vperm.xlane v0, v60;
	_ =	sdelay $0x1  }
0x1aa: {  	v0 =	vadd.f32 v1, v0;
	_ =	sdelay $0x1  }
0x1ab: {  	v1 =	vperm.xlane v0, v59;
	_ =	sdelay $0x1  }
0x1ac: {  	v0 =	vadd.f32 v1, v0;
	_ =	sdelay $0x1  }
0x1ad: {  	v1 =	vperm.xlane v0, v28;
	_ =	sdelay $0x1  }
0x1ae: {  	v0 =	vadd.f32 v1, v0  }
0x1af: {  	v1 =	vnsel vm0, $0xBF800000, v20  }
0x1b0: {  	v2 =	vperm.xlane v1, v23;
	v3 =	vshra.s32 v0, $0x1;
	v4 =	vmul.f32 $5.000000000e-01, v0  }
0x1b1: {  	v3 =	vsub.s32 $0x5F3759DF, v3  }
0x1b2: {  	v2 =	vmax.f32 v1, v2;
	v5 =	vmul.f32 v3, v4  }
0x1b3: {  	s26 =	simm.s32 $0x200;
	s29 =	simm.s32 $0x80;
	v6 =	vperm.xlane v2, v60  }
0x1b4: {  	s24 =	sand.u32 $0x380, s29;
	s22 =	sand.u32 $0x3000, s26;
	v5 =	vmul.f32 v3, v5  }
0x1b5: {  	s22 =	sor.u32 s24, s22;
	v2 =	vmax.f32 v2, v6  }
0x1b6: {  	v29 =	vmov v25;
	v25 =	vld [tilespmem:s22+$0x4000];
	v6 =	vperm.xlane v2, v59;
	v5 =	vsub.f32 $1.500000000e+00, v5  }
0x1b7: {  	v30 =	vld [tilespmem:s22+$0x4410]  }
0x1b8: {  	v31 =	vld [tilespmem:s22+$0x4420];
	v2 =	vmax.f32 v2, v6;
	v3 =	vmul.f32 v3, v5  }
0x1b9: {  	v16 =	vld [tilespmem:s22+$0x4870];
	vm1 =	veq.f32 v1, v2  }
0x1ba: {  	v19 =	vld [tilespmem:s22+$0x4060];
	v1 =	vnsel vm1, $0x10, v27;
	v2 =	vmul.f32 v3, v4  }
0x1bb: {  	v18 =	vld [tilespmem:s22+$0x4810];
	v4 =	vperm.xlane v1, v23  }
0x1bc: {  	v12 =	vld [tilespmem:s22+$0x4840];
	v2 =	vmul.f32 v2, v3  }
0x1bd: {  	v22 =	vld [tilespmem:s22+$0x4050];
	vm1 =	vlt.s32 v1, v4  }
0x1be: {  	v37 =	vld [tilespmem:s22+$0x4020];
	v1 =	vsel vm1, v1, v4;
	v2 =	vsub.f32 $1.500000000e+00, v2  }
0x1bf: {  	v39 =	vld [tilespmem:s22+$0x4040];
	v4 =	vperm.xlane v1, v60  }
0x1c0: {  	v27 =	vld [tilespmem:s22+$0x4070];
	v2 =	vmul.f32 v2, v3  }
0x1c1: {  	v6 =	vld [tilespmem:s22+$0x4400];
	vm1 =	vlt.s32 v1, v4  }
0x1c2: {  	v7 =	vld [tilespmem:s22+$0x4010];
	v1 =	vsel vm1, v1, v4;
	v0 =	vmul.f32 v2, v0  }
0x1c3: {  	v33 =	vmul.f32 v30, v30;
	v5 =	vld [tilespmem:s22+$0x4440];
	v2 =	vperm.xlane v1, v59  }
0x1c4: {  	v38 =	vld [tilespmem:s22+$0x4030];
	[tilespmem:$0x1FE00] =	vst v48;
	v48 =	vmul.f32 v22, v22;
	v13 =	vmul.f32 v39, v39;
	v0 =	vadd.f32 $9.999999970e-07, v0  }
0x1c5: {  	v15 =	vld [tilespmem:s22+$0x4860];
	v55 =	vmul.f32 v27, v27;
	v4 =	vmul.f32 v25, v25;
	vm1 =	vlt.s32 v1, v2  }
0x1c6: {  	v11 =	vld [tilespmem:s22+$0x4C00];
	[tilespmem:$0x1FC80] =	vst v37;
	v3 =	vmul.f32 v6, v6;
	v1 =	vsel vm1, v1, v2;
	(erf) = vrcp.f32 v0  }
0x1c7: {  	v32 =	vld [tilespmem:s22+$0x4430];
	[tilespmem:$0x1FC60] =	vst v6;
	v6 =	vmul.f32 v37, v37;
	v4 =	vadd.f32 v13, v4;
	v0 =	vperm.xlane v1, v28  }
0x1c8: {  	v34 =	vmov v30;
	v30 =	vld [tilespmem:s22+$0x4460];
	[tilespmem:$0x1FC50] =	vst v5;
	v2 =	vmul.f32 v5, v5;
	v5 =	vmul.f32 v7, v7  }
0x1c9: {  	[tilespmem:$0x1FC70] =	vst v7;
	v37 =	vld [tilespmem:s22+$0x4450];
	v7 =	vmul.f32 v38, v38;
	v3 =	vadd.f32 v3, v4;
	vm1 =	vlt.s32 v1, v0  }
0x1ca: {  	v5 =	vadd.f32 v48, v5;
	v48 =	vld [tilespmem:s22+$0x4470];
	v0 =	vsel vm1, v1, v0;
	v1 =	vmul.f32 v19, v19  }
0x1cb: {  	v10 =	vld [tilespmem:s22+$0x4C10];
	v7 =	vadd.f32 v55, v7;
	v55 =	vmul.f32 v31, v31;
	v0 =	vadd.s32 v26, v0  }
0x1cc: {  	v17 =	vld [tilespmem:s22+$0x4800];
	v4 =	vmul.f32 v32, v32;
	v6 =	vadd.f32 v1, v6;
	v0 =	vand.u32 $0x7, v0  }
0x1cd: {  	v35 =	vmovc v27;
	v27 =	vld [tilespmem:s22+$0x4820];
	v2 =	vadd.f32 v2, v3;
	v1 =	vor.u32 v29, v0;
	v0 =	vadd.f32 v33, v5  }
0x1ce: {  	[tilespmem:$0x1FCB0] =	vst v22;
	v22 =	vld [tilespmem:s22+$0x4830];
	v33 =	vmul.f32 v37, v37;
	v5 =	vadd.f32 v55, v6;
	v6 =	vperm.xlane v14, v1  }
0x1cf: {  	[tilespmem:$0x1FCC0] =	vst v19;
	v3 =	vmul.f32 v30, v30;
	v19 =	vld [tilespmem:s22+$0x4850];
	v4 =	vadd.f32 v4, v7;
	v7 =	vmul.f32 v48, v48;
	v55 =	vpop (erf)  }
0x1d0: {  	v9 =	vld [tilespmem:s22+$0x4C50];
	v0 =	vadd.f32 v33, v0;
	v6 =	vmul.f32 v6, v55  }
0x1d1: {  	[tilespmem:$0x1FCD0] =	vst v12;
	v8 =	vld [tilespmem:s22+$0x4C40];
	v4 =	vadd.f32 v7, v4;
	v3 =	vadd.f32 v3, v5;
	v5 =	vmul.f32 v17, v17  }
0x1d2: {  	v13 =	vld [tilespmem:s22+$0x4C20];
	v33 =	vmov v48;
	v48 =	vmul.f32 v18, v18;
	[tilespmem:s23+$0xCC70] =	vst v6;
	v6 =	vmul.f32 v27, v27  }
0x1d3: {  	v29 =	vmovc v30;
	v7 =	vmul.f32 v22, v22;
	v2 =	vadd.f32 v5, v2;
	v5 =	vmul.f32 v12, v12  }
0x1d4: {  	v30 =	vmovc v17;
	v0 =	vadd.f32 v48, v0;
	v12 =	vld [tilespmem:s22+$0x4C30];
	v17 =	vadd.f32 v6, v3;
	v6 =	vmul.f32 v19, v19  }
0x1d5: {  	v4 =	vadd.f32 v7, v4;
	v7 =	vmul.f32 v16, v16;
	v2 =	vadd.f32 v5, v2  }
0x1d6: {  	v5 =	vmul.f32 v15, v15;
	v14 =	vld [tilespmem:s22+$0x4C60];
	v0 =	vadd.f32 v6, v0;
	v6 =	vmul.f32 v11, v11  }
0x1d7: {  	v4 =	vadd.f32 v7, v4;
	v48 =	vld [tilespmem:s22+$0x4C70];
	v3 =	vmul.f32 v10, v10  }
0x1d8: {  	v7 =	vmul.f32 v13, v13;
	v5 =	vadd.f32 v5, v17;
	v2 =	vadd.f32 v6, v2  }
0x1d9: {  	v0 =	vadd.f32 v3, v0;
	v3 =	vmul.f32 v12, v12;
	v6 =	vperm.xlane v20, v1  }
0x1da: {  	v5 =	vadd.f32 v7, v5;
	v7 =	vmul.f32 v8, v8;
	v20 =	vmul.f32 v9, v9  }
0x1db: {  	v3 =	vadd.f32 v3, v4;
	v4 =	vperm.xlane v21, v1;
	v21 =	vmul.f32 v14, v14  }
0x1dc: {  	v2 =	vadd.f32 v7, v2;
	v0 =	vadd.f32 v20, v0;
	v20 =	vmul.f32 v48, v48  }
0x1dd: {  	v7 =	vperm.xlane v40, v1;
	v6 =	vmul.f32 v55, v6;
	v5 =	vadd.f32 v21, v5  }
0x1de: {  	v21 =	vperm.xlane v41, v1;
	v4 =	vmul.f32 v55, v4;
	v3 =	vadd.f32 v20, v3  }
0x1df: {  	[tilespmem:s23+$0xC000] =	vst v6;
	v6 =	vperm.xlane v42, v1;
	v7 =	vmul.f32 v55, v7  }
0x1e0: {  	[tilespmem:$0x1FD50] =	vst v8;
	v0 =	vadd.f32 v0, v2;
	v2 =	vperm.xlane v63, v1;
	v3 =	vadd.f32 v3, v5  }
0x1e1: {  	[tilespmem:s23+$0xC010] =	vst v4;
	v4 =	vmul.f32 v55, v21;
	v5 =	vperm.xlane v62, v1  }
0x1e2: {  	[tilespmem:s23+$0xC020] =	vst v7;
	v6 =	vmul.f32 v55, v6;
	v2 =	vmul.f32 v55, v2;
	v0 =	vadd.f32 v3, v0  }
0x1e3: {  	v7 =	vperm.xlane v43, v1;
	[tilespmem:s23+$0xC030] =	vst v4;
	v3 =	vmul.f32 v55, v5  }
0x1e4: {  	v4 =	vperm.xlane v45, v1;
	[tilespmem:s23+$0xC050] =	vst v2;
	v2 =	vperm.xlane v0, v23  }
0x1e5: {  	s30 =	simm.s32 $0x400;
	s26 =	simm.s32 $0x100;
	[tilespmem:s23+$0xC040] =	vst v6;
	v5 =	vmul.f32 v55, v7  }
0x1e6: {  	s24 =	sand.u32 $0x3000, s30;
	s25 =	sand.u32 $0x380, s26;
	[tilespmem:s23+$0xC060] =	vst v3;
	v4 =	vmul.f32 v4, v55;
	v0 =	vadd.f32 v2, v0  }
0x1e7: {  	s25 =	sor.u32 s25, s24;
	v8 =	vld [tilespmem:$0x1FDB0];
	v3 =	vperm.xlane v49, v1;
	[tilespmem:s23+$0xC070] =	vst v5  }
0x1e8: {  	v20 =	vld [tilespmem:s25+$0x4C40];
	[tilespmem:s23+$0xC400] =	vst v4;
	v4 =	vperm.xlane v0, v60  }
0x1e9: {  	v2 =	vperm.xlane v61, v1;
	v3 =	vmul.f32 v3, v55  }
0x1ea: {  	v7 =	vld [tilespmem:$0x1FD80];
	v5 =	vperm.xlane v44, v1;
	v0 =	vadd.f32 v4, v0  }
0x1eb: {  	v21 =	vld [tilespmem:s25+$0x4C50];
	v2 =	vmul.f32 v2, v55;
	[tilespmem:s23+$0xC410] =	vst v3  }
0x1ec: {  	v40 =	vld [tilespmem:s25+$0x4C00];
	v4 =	vmul.f32 v5, v55;
	v5 =	vperm.xlane v0, v59  }
0x1ed: {  	[tilespmem:s23+$0xC420] =	vst v2;
	v2 =	vperm.xlane v51, v1;
	v51 =	vperm.xlane v8, v1;
	v8 =	vld [tilespmem:$0x1FDD0]  }
0x1ee: {  	v3 =	vperm.xlane v50, v1;
	v0 =	vadd.f32 v5, v0  }
0x1ef: {  	v6 =	vperm.xlane v46, v1;
	v41 =	vld [tilespmem:s25+$0x4C10];
	[tilespmem:s23+$0xC430] =	vst v4  }
0x1f0: {  	[tilespmem:$0x1FCF0] =	vst v15;
	v3 =	vmul.f32 v3, v55;
	v43 =	vld [tilespmem:s25+$0x4840];
	v15 =	vperm.xlane v0, v28  }
0x1f1: {  	v6 =	vmul.f32 v6, v55;
	v7 =	vperm.xlane v7, v1;
	v5 =	vld [tilespmem:$0x1FD90]  }
0x1f2: {  	[tilespmem:s23+$0xC440] =	vst v3;
	v3 =	vperm.xlane v57, v1;
	v61 =	vperm.xlane v8, v1;
	v8 =	vld [tilespmem:$0x1FDF0];
	v57 =	vadd.f32 v15, v0  }
0x1f3: {  	[tilespmem:$0x1FD00] =	vst v16;
	v4 =	vperm.xlane v47, v1;
	v2 =	vmul.f32 v2, v55  }
0x1f4: {  	[tilespmem:$0x1FD60] =	vst v9;
	v50 =	vperm.xlane v58, v1;
	v16 =	vshra.s32 v57, $0x1;
	v58 =	vmul.f32 $5.000000000e-01, v57  }
0x1f5: {  	v42 =	vld [tilespmem:s25+$0x4850];
	[tilespmem:s23+$0xC450] =	vst v2;
	v4 =	vmul.f32 v4, v55;
	v0 =	vperm.xlane v56, v1;
	v17 =	vsub.s32 $0x5F3759DF, v16  }
0x1f6: {  	[tilespmem:$0x1FD40] =	vst v12;
	v44 =	vld [tilespmem:s25+$0x4800];
	v56 =	vnsel vm0, $0xBF800000, v25;
	v5 =	vperm.xlane v5, v1;
	v12 =	vmul.f32 v17, v58  }
0x1f7: {  	[tilespmem:s23+$0xC460] =	vst v6;
	v6 =	vperm.xlane v56, v23;
	v63 =	vperm.xlane v8, v1;
	v8 =	vld [tilespmem:$0x1FE00]  }
0x1f8: {  	[tilespmem:$0x1FD30] =	vst v13;
	v7 =	vmul.f32 v7, v55;
	v2 =	vld [tilespmem:$0x1FDA0];
	v13 =	vmul.f32 v17, v12  }
0x1f9: {  	v24 =	vmov v60;
	v45 =	vld [tilespmem:s25+$0x4810];
	[tilespmem:s23+$0xC470] =	vst v4;
	v6 =	vmax.f32 v56, v6;
	v5 =	vmul.f32 v5, v55  }
0x1fa: {  	v46 =	vld [tilespmem:s25+$0x4440];
	[tilespmem:s23+$0xC800] =	vst v7;
	v7 =	vperm.xlane v6, v24;
	v15 =	vsub.f32 $1.500000000e+00, v13  }
0x1fb: {  	v9 =	vmov v59;
	v59 =	vperm.xlane v52, v1;
	v47 =	vld [tilespmem:s25+$0x4450];
	[tilespmem:s23+$0xC810] =	vst v5;
	v5 =	vperm.xlane v54, v1  }
0x1fc: {  	[tilespmem:$0x1FD10] =	vst v11;
	v6 =	vmax.f32 v6, v7;
	v54 =	vmul.f32 v17, v15;
	v17 =	vperm.xlane v8, v1;
	v8 =	vld [tilespmem:$0x1FFE0]  }
0x1fd: {  	[tilespmem:$0x1FD70] =	vst v14;
	v11 =	vmul.f32 v51, v55;
	v4 =	vld [tilespmem:$0x1FDC0];
	v14 =	vperm.xlane v6, v9  }
0x1fe: {  	v60 =	vmul.f32 v40, v40;
	v3 =	vmul.f32 v3, v55  }
0x1ff: {  	v62 =	vmul.f32 v41, v41;
	v2 =	vperm.xlane v2, v1;
	v6 =	vmax.f32 v6, v14  }
0x200: {  	[tilespmem:$0x1FD20] =	vst v10;
	v0 =	vmul.f32 v0, v55;
	v16 =	vmul.f32 v50, v55;
	v49 =	vld [tilespmem:s25+$0x4400];
	vm1 =	veq.f32 v56, v6  }
0x201: {  	v2 =	vmul.f32 v2, v55;
	[tilespmem:s23+$0xC820] =	vst v3;
	v3 =	vld [tilespmem:$0x1FDE0];
	v10 =	vmul.f32 v54, v58;
	v6 =	vnsel vm1, $0x10, v8  }
0x202: {  	v4 =	vperm.xlane v4, v1;
	v50 =	vld [tilespmem:s25+$0x4410];
	[tilespmem:s23+$0xC830] =	vst v16;
	v12 =	vperm.xlane v6, v23  }
0x203: {  	v7 =	vperm.xlane v53, v1;
	v51 =	vld [tilespmem:s25+$0x4420];
	[tilespmem:s23+$0xC840] =	vst v2;
	v2 =	vmul.f32 v10, v54  }
0x204: {  	v13 =	vmul.f32 v59, v55;
	v59 =	vmul.f32 v43, v43;
	vm1 =	vlt.s32 v6, v12  }
0x205: {  	v14 =	vmul.f32 v4, v55;
	v2 =	vsub.f32 $1.500000000e+00, v2;
	v6 =	vsel vm1, v6, v12  }
0x206: {  	[tilespmem:$0x1FC90] =	vst v38;
	v4 =	vmul.f32 v5, v55;
	v56 =	vperm.xlane v6, v24  }
0x207: {  	[tilespmem:$0x1FCA0] =	vst v39;
	v39 =	vmov v31;
	v3 =	vperm.xlane v3, v1;
	v16 =	vmul.f32 v2, v54  }
0x208: {  	v52 =	vld [tilespmem:s25+$0x4000];
	[tilespmem:s23+$0xC850] =	vst v11;
	v15 =	vmul.f32 v7, v55;
	v1 =	vmul.f32 v61, v55;
	vm1 =	vlt.s32 v6, v56  }
0x209: {  	v53 =	vld [tilespmem:s25+$0x4010];
	[tilespmem:s23+$0xC860] =	vst v0;
	v5 =	vmul.f32 v3, v55;
	v3 =	vsel vm1, v6, v56;
	v6 =	vmul.f32 v16, v57  }
0x20a: {  	v36 =	vmovc v27;
	v38 =	vmov v32;
	v54 =	vld [tilespmem:s25+$0x4020];
	v2 =	vmul.f32 v17, v55;
	[tilespmem:s23+$0xC870] =	vst v13;
	v17 =	vperm.xlane v3, v9  }
0x20b: {  	v32 =	vmovc v18;
	v0 =	vmul.f32 v63, v55;
	v63 =	vmul.f32 v20, v20;
	v55 =	vld [tilespmem:s25+$0x4030];
	[tilespmem:s23+$0xCC00] =	vst v14;
	v7 =	vadd.f32 $9.999999970e-07, v6  }
0x20c: {  	v61 =	vmul.f32 v21, v21;
	v56 =	vld [tilespmem:s25+$0x4040];
	[tilespmem:s23+$0xCC10] =	vst v1;
	v1 =	vmul.f32 v42, v42;
	vm1 =	vlt.s32 v3, v17  }
0x20d: {  	s31 =	sadd.s32 s21, s4;
	v31 =	vmovc v22;
	[tilespmem:$0x1FCE0] =	vst v19;
	v24 =	vld [tilespmem:$0x1FFA0];
	v6 =	vmul.f32 v44, v44;
	v58 =	vsel vm1, v3, v17;
	(erf) = vrcp.f32 v7  }
0x20e: {  	s28 =	simm.s32 $0x600;
	s24 =	sadd.s32 $0x20, s31;
	v27 =	vmovc v28;
	v23 =	vmov v8;
	v57 =	vld [tilespmem:s25+$0x4050];
	[tilespmem:s23+$0xCC20] =	vst v15;
	v3 =	vmul.f32 v45, v45;
	v7 =	vperm.xlane v58, v28  }
.LBB2_5:
0x20f: {  	_ = 	snop  }
0x210: {  	v8 =	vld [tilespmem:s25+$0x4060];
	v9 =	vmul.f32 v46, v46;
	v10 =	vmul.f32 v47, v47;
	[tilespmem:s23+$0xCC30] =	vst v4  }
0x211: {  	v11 =	vmul.f32 v49, v49;
	v12 =	vmul.f32 v50, v50;
	v4 =	vld [tilespmem:s25+$0x4070];
	[tilespmem:s23+$0xCC40] =	vst v5  }
0x212: {  	v13 =	vmul.f32 v52, v52;
	v14 =	vmul.f32 v51, v51;
	vm1 =	vlt.s32 v58, v7;
	v5 =	vld [tilespmem:s25+$0x4430];
	[tilespmem:s23+$0xCC50] =	vst v0  }
0x213: {  	v7 =	vsel vm1, v58, v7;
	v0 =	vmul.f32 v53, v53;
	[tilespmem:s23+$0xCC60] =	vst v2;
	s23 =	smov.u32 s22;
	s22 =	smov.u32 s25;
	v18 =	vmul.f32 v57, v57  }
0x214: {  	v15 =	vmul.f32 v54, v54;
	v7 =	vadd.s32 v26, v7;
	v16 =	vld [tilespmem:s22+$0x4460];
	v26 =	vmul.f32 v56, v56  }
0x215: {  	v17 =	vmul.f32 v55, v55;
	v2 =	vand.u32 $0x7, v7;
	v0 =	vadd.f32 v18, v0  }
0x216: {  	v28 =	vmovc v27;
	v7 =	vld [tilespmem:s22+$0x4470];
	v19 =	vmul.f32 v8, v8;
	v2 =	vor.u32 v24, v2;
	v13 =	vadd.f32 v26, v13  }
0x217: {  	v27 =	vmovc v23;
	v22 =	vld [tilespmem:s22+$0x4820];
	v23 =	vmul.f32 v4, v4;
	v48 =	vperm.xlane v48, v2;
	v0 =	vadd.f32 v12, v0  }
0x218: {  	v24 =	vld [tilespmem:s22+$0x4830];
	v18 =	vmul.f32 v5, v5;
	v15 =	vadd.f32 v19, v15;
	v11 =	vadd.f32 v11, v13  }
0x219: {  	v26 =	vld [tilespmem:s22+$0x4860];
	v58 =	vpop (erf);
	v17 =	vadd.f32 v23, v17;
	v12 =	vmul.f32 v16, v16;
	v0 =	vadd.f32 v10, v0  }
0x21a: {  	v23 =	vld [tilespmem:s22+$0x4870];
	v19 =	vmul.f32 v48, v58;
	v14 =	vadd.f32 v14, v15;
	v9 =	vadd.f32 v9, v11  }
0x21b: {  	v48 =	vmul.f32 v7, v7;
	v15 =	vadd.f32 v18, v17;
	v0 =	vadd.f32 v3, v0  }
0x21c: {  	v13 =	vld [tilespmem:s22+$0x4C20];
	v10 =	vmul.f32 v22, v22;
	[tilespmem:s23+$0xCC70] =	vst v19;
	v12 =	vadd.f32 v12, v14;
	v6 =	vadd.f32 v6, v9  }
0x21d: {  	v18 =	vld [tilespmem:s22+$0x4C30];
	v14 =	vadd.f32 v48, v15;
	v15 =	vmul.f32 v24, v24;
	v0 =	vadd.f32 v1, v0  }
0x21e: {  	v11 =	vld [tilespmem:s22+$0x4C60];
	v3 =	vmul.f32 v26, v26;
	v9 =	vadd.f32 v10, v12;
	v6 =	vadd.f32 v59, v6  }
0x21f: {  	v17 =	vmul.f32 v23, v23;
	v10 =	vadd.f32 v15, v14;
	v0 =	vadd.f32 v62, v0  }
0x220: {  	v48 =	vld [tilespmem:s22+$0x4C70];
	v3 =	vadd.f32 v3, v9;
	v6 =	vadd.f32 v60, v6  }
0x221: {  	v1 =	vmul.f32 v13, v13;
	v60 =	vld [tilespmem:$0x1FC70];
	v17 =	vadd.f32 v17, v10;
	v0 =	vadd.f32 v61, v0;
	v61 =	vmovc v53  }
0x222: {  	v40 =	vmovc v40;
	v10 =	vperm.xlane v25, v2;
	v25 =	vmov v52;
	v52 =	vld [tilespmem:$0x1FD20];
	v59 =	vmul.f32 v18, v18;
	[tilespmem:$0x1FC70] =	vst v61  }
0x223: {  	v62 =	vmul.f32 v11, v11;
	v1 =	vadd.f32 v1, v3;
	v53 =	vmov v41;
	v61 =	vld [tilespmem:$0x1FD10];
	[tilespmem:$0x1FD10] =	vst v40  }
0x224: {  	v19 =	vadd.f32 v63, v6;
	v63 =	vld [tilespmem:$0x1FC90];
	v10 =	vmul.f32 v58, v10;
	v6 =	vmovc v56;
	v56 =	vmov v8;
	[tilespmem:$0x1FD20] =	vst v53  }
0x225: {  	v3 =	vadd.f32 v59, v17;
	v59 =	vmul.f32 v48, v48;
	v17 =	vmovc v54;
	v54 =	vmov v55;
	v55 =	vld [tilespmem:$0x1FCC0];
	[tilespmem:$0x1FCC0] =	vst v56  }
0x226: {  	v1 =	vadd.f32 v62, v1;
	v62 =	vld [tilespmem:$0x1FC80];
	[tilespmem:s23+$0xC000] =	vst v10  }
0x227: {  	v8 =	vmov v57;
	v57 =	vld [tilespmem:$0x1FFD0];
	v9 =	vperm.xlane v60, v2;
	v3 =	vadd.f32 v59, v3;
	[tilespmem:$0x1FC80] =	vst v17  }
0x228: {  	v0 =	vadd.f32 v0, v19;
	v56 =	vld [tilespmem:$0x1FFC0];
	v60 =	vmov v26;
	[tilespmem:$0x1FC90] =	vst v54;
	v17 =	vperm.xlane v39, v2  }
0x229: {  	v26 =	vld [tilespmem:$0x1FD00];
	v19 =	vmovc v49;
	v49 =	vperm.xlane v38, v2;
	v52 =	vperm.xlane v52, v2;
	v1 =	vadd.f32 v3, v1  }
0x22a: {  	v39 =	vmovc v51;
	v38 =	vmov v5;
	v14 =	vperm.xlane v63, v2;
	v9 =	vmul.f32 v58, v9;
	v3 =	vld [tilespmem:$0x1FCA0];
	[tilespmem:$0x1FCA0] =	vst v6  }
0x22b: {  	v5 =	vld [tilespmem:$0x1FC50];
	v59 =	vmovc v46;
	v46 =	vperm.xlane v33, v2;
	v12 =	vperm.xlane v62, v2;
	v0 =	vadd.f32 v1, v0  }
0x22c: {  	v6 =	vld [tilespmem:$0x1FCB0];
	[tilespmem:$0x1FCB0] =	vst v8;
	v51 =	vperm.xlane v61, v2;
	v62 =	vmovc v23;
	v23 =	vmov v42;
	v42 =	vmul.f32 v58, v14  }
0x22d: {  	v8 =	vld [tilespmem:$0x1FC60];
	[tilespmem:$0x1FC60] =	vst v19;
	v15 =	vperm.xlane v55, v2;
	v19 =	vperm.xlane v0, v57  }
0x22e: {  	v54 =	vld [tilespmem:$0x1FD30];
	v33 =	vmovc v7;
	[tilespmem:$0x1FC50] =	vst v59;
	v1 =	vperm.xlane v35, v2;
	v35 =	vmov v4;
	v4 =	vperm.xlane v34, v2  }
0x22f: {  	v55 =	vld [tilespmem:$0x1FFB0];
	v0 =	vadd.f32 v19, v0;
	v19 =	vperm.xlane v29, v2;
	v29 =	vmovc v16;
	v16 =	vperm.xlane v30, v2  }
0x230: {  	[tilespmem:s23+$0xC010] =	vst v9;
	v30 =	vmovc v44;
	v44 =	vperm.xlane v36, v2;
	v36 =	vmov v22;
	v22 =	vperm.xlane v31, v2;
	v31 =	vld [tilespmem:$0x1FCD0]  }
0x231: {  	v59 =	vld [tilespmem:$0x1FD40];
	v61 =	vmovc v18;
	v34 =	vmov v50;
	v50 =	vperm.xlane v37, v2;
	[tilespmem:$0x1FD00] =	vst v62;
	v7 =	vperm.xlane v0, v56  }
0x232: {  	v18 =	vld [tilespmem:$0x1FD60];
	v37 =	vmovc v47;
	v47 =	vperm.xlane v32, v2;
	v32 =	vmov v45;
	v26 =	vperm.xlane v26, v2;
	[tilespmem:$0x1FD40] =	vst v61  }
0x233: {  	v62 =	vld [tilespmem:$0x1FD50];
	v5 =	vperm.xlane v5, v2;
	v53 =	vperm.xlane v54, v2;
	[tilespmem:s23+$0xC030] =	vst v42;
	v0 =	vadd.f32 v7, v0  }
0x234: {  	v41 =	vmul.f32 v58, v12;
	v1 =	vmul.f32 v58, v1;
	v7 =	vld [tilespmem:$0x1FCE0];
	[tilespmem:$0x1FCE0] =	vst v23;
	v23 =	vmovc v27;
	v27 =	vmov v28  }
0x235: {  	v28 =	vmovc v20;
	v20 =	vld [tilespmem:$0x1FD70];
	v45 =	vperm.xlane v31, v2;
	v31 =	vmovc v24;
	v24 =	vmov v43;
	v63 =	vperm.xlane v0, v55  }
0x236: {  	v4 =	vmul.f32 v4, v58;
	v3 =	vperm.xlane v3, v2;
	[tilespmem:$0x1FCD0] =	vst v24;
	v24 =	vld [tilespmem:$0x1FCF0]  }
0x237: {  	v6 =	vperm.xlane v6, v2;
	v8 =	vperm.xlane v8, v2;
	[tilespmem:s23+$0xC020] =	vst v41;
	v0 =	vadd.f32 v63, v0  }
0x238: {  	v54 =	vperm.xlane v59, v2;
	v18 =	vperm.xlane v18, v2;
	[tilespmem:s23+$0xC070] =	vst v1  }
0x239: {  	v43 =	vmul.f32 v58, v15;
	[tilespmem:$0x1FCF0] =	vst v60;
	v60 =	vmov v13;
	v40 =	vperm.xlane v0, v27  }
0x23a: {  	v13 =	vperm.xlane v62, v2;
	[tilespmem:$0x1FD30] =	vst v60;
	v7 =	vperm.xlane v7, v2  }
0x23b: {  	v24 =	vperm.xlane v24, v2;
	v2 =	vperm.xlane v20, v2;
	v20 =	vmovc v11;
	v11 =	vadd.f32 v40, v0  }
0x23c: {  	[tilespmem:s23+$0xC060] =	vst v43;
	v63 =	vmovc v21;
	v0 =	vmul.f32 v58, v3;
	v3 =	vmul.f32 v58, v6;
	v6 =	vnsel vm0, $0xBF800000, v25  }
0x23d: {  	v1 =	vmul.f32 v5, v58;
	[tilespmem:$0x1FD60] =	vst v63;
	v61 =	vperm.xlane v6, v57  }
0x23e: {  	s26 =	sadd.s32 $0x80, s26;
	v7 =	vmul.f32 v7, v58;
	[tilespmem:$0x1FD70] =	vst v20;
	v62 =	vshra.s32 v11, $0x1;
	v15 =	vmul.f32 $5.000000000e-01, v11  }
0x23f: {  	s31 =	sand.u32 $0x3000, s28;
	s29 =	sand.u32 $0x380, s26;
	[tilespmem:s23+$0xC040] =	vst v0;
	v0 =	vmul.f32 v8, v58;
	v63 =	vsub.s32 $0x5F3759DF, v62;
	v8 =	vmax.f32 v6, v61  }
0x240: {  	s25 =	sor.u32 s29, s31;
	[tilespmem:s23+$0xC050] =	vst v3;
	v59 =	vmul.f32 v63, v15;
	v60 =	vperm.xlane v8, v56  }
0x241: {  	v2 =	vmul.f32 v2, v58;
	v3 =	vmul.f32 v17, v58;
	v20 =	vld [tilespmem:s25+$0x4C40];
	[tilespmem:s23+$0xC400] =	vst v0  }
0x242: {  	v61 =	vmul.f32 v49, v58;
	v21 =	vld [tilespmem:s25+$0x4C50];
	[tilespmem:s23+$0xC410] =	vst v4;
	v10 =	vmul.f32 v63, v59;
	v5 =	vmax.f32 v8, v60  }
0x243: {  	v62 =	vmul.f32 v47, v58;
	v40 =	vld [tilespmem:s25+$0x4C00];
	[tilespmem:s23+$0xC420] =	vst v3;
	v14 =	vperm.xlane v5, v55  }
0x244: {  	v0 =	vmul.f32 v50, v58;
	v4 =	vmul.f32 v46, v58;
	v41 =	vld [tilespmem:s25+$0x4C10];
	[tilespmem:s23+$0xC430] =	vst v61;
	v10 =	vsub.f32 $1.500000000e+00, v10  }
0x245: {  	v8 =	vmul.f32 v19, v58;
	v3 =	vmul.f32 v16, v58;
	v43 =	vld [tilespmem:s25+$0x4840];
	[tilespmem:s23+$0xC440] =	vst v1;
	v5 =	vmax.f32 v5, v14  }
0x246: {  	v1 =	vmul.f32 v22, v58;
	v42 =	vld [tilespmem:s25+$0x4850];
	[tilespmem:s23+$0xC450] =	vst v0;
	v10 =	vmul.f32 v63, v10;
	vm1 =	veq.f32 v6, v5  }
0x247: {  	v63 =	vmul.f32 v44, v58;
	v44 =	vld [tilespmem:s25+$0x4800];
	[tilespmem:s23+$0xC460] =	vst v8;
	v8 =	vmul.f32 v24, v58;
	v5 =	vnsel vm1, $0x10, v23  }
0x248: {  	[tilespmem:$0x1FD50] =	vst v28;
	v24 =	vld [tilespmem:$0x1FFA0];
	v12 =	vmul.f32 v10, v15;
	v0 =	vperm.xlane v5, v57  }
0x249: {  	v14 =	vmul.f32 v26, v58;
	v6 =	vmul.f32 v45, v58;
	v45 =	vld [tilespmem:s25+$0x4810];
	[tilespmem:s23+$0xC470] =	vst v4  }
0x24a: {  	v61 =	vmul.f32 v21, v21;
	v46 =	vld [tilespmem:s25+$0x4440];
	[tilespmem:s23+$0xC800] =	vst v3;
	v12 =	vmul.f32 v12, v10;
	vm1 =	vlt.s32 v5, v0  }
0x24b: {  	v4 =	vmul.f32 v54, v58;
	v60 =	vmul.f32 v40, v40;
	v47 =	vld [tilespmem:s25+$0x4450];
	[tilespmem:s23+$0xC810] =	vst v62;
	v17 =	vsel vm1, v5, v0  }
0x24c: {  	v3 =	vmul.f32 v51, v58;
	v49 =	vld [tilespmem:s25+$0x4400];
	[tilespmem:s23+$0xC820] =	vst v63;
	v0 =	vsub.f32 $1.500000000e+00, v12;
	v57 =	vperm.xlane v17, v56  }
0x24d: {  	v15 =	vmul.f32 v52, v58;
	v62 =	vmul.f32 v41, v41;
	v50 =	vld [tilespmem:s25+$0x4410];
	[tilespmem:s23+$0xC830] =	vst v1  }
0x24e: {  	v63 =	vmul.f32 v20, v20;
	v51 =	vld [tilespmem:s25+$0x4420];
	[tilespmem:s23+$0xC840] =	vst v6;
	v59 =	vmul.f32 v0, v10;
	vm1 =	vlt.s32 v17, v57  }
0x24f: {  	p1 =	sne.s32 s28, $0x3E00;
	v5 =	vmul.f32 v13, v58;
	v12 =	vmul.f32 v53, v58;
	v52 =	vld [tilespmem:s25+$0x4000];
	[tilespmem:s23+$0xC850] =	vst v7;
	v17 =	vsel vm1, v17, v57  }
.Ltmp1:
0x250: {  	v53 =	vld [tilespmem:s25+$0x4010];
	[tilespmem:s23+$0xC860] =	vst v8;
	v1 =	vmul.f32 v59, v11;
	v7 =	vperm.xlane v17, v55;
	(pc) =	sbr.rel @p1 .LBB2_5-.Ltmp1, $4  }
0x251: {  	v6 =	vmul.f32 v44, v44;
	v0 =	vmul.f32 v18, v58;
	v54 =	vld [tilespmem:s25+$0x4020];
	[tilespmem:s23+$0xC870] =	vst v14  }
0x252: {  	v55 =	vld [tilespmem:s25+$0x4030];
	v59 =	vmul.f32 v43, v43;
	[tilespmem:s23+$0xCC00] =	vst v3;
	v8 =	vadd.f32 $9.999999970e-07, v1;
	vm1 =	vlt.s32 v17, v7  }
0x253: {  	v3 =	vmul.f32 v45, v45;
	v56 =	vld [tilespmem:s25+$0x4040];
	[tilespmem:s23+$0xCC10] =	vst v15;
	v1 =	vmul.f32 v42, v42;
	v58 =	vsel vm1, v17, v7  }
0x254: {  	s28 =	sadd.s32 $0x200, s28;
	v26 =	vlaneseq.u32;
	v57 =	vld [tilespmem:s25+$0x4050];
	[tilespmem:s23+$0xCC20] =	vst v12;
	(erf) = vrcp.f32 v8;
	v7 =	vperm.xlane v58, v27  }
0x255: {  	v9 =	vld [tilespmem:s25+$0x4060];
	[tilespmem:s23+$0xCC30] =	vst v4  }
0x256: {  	v10 =	vld [tilespmem:s25+$0x4070]  }
0x257: {  	v16 =	vmul.f32 v52, v52;
	vm1 =	vlt.s32 v58, v7  }
0x258: {  	v4 =	vmul.f32 v53, v53;
	[tilespmem:s23+$0xCC40] =	vst v5;
	v7 =	vsel vm1, v58, v7;
	v17 =	vmul.f32 v56, v56  }
0x259: {  	v5 =	vmul.f32 v54, v54;
	v11 =	vld [tilespmem:s25+$0x4430];
	[tilespmem:s23+$0xCC50] =	vst v0;
	v18 =	vadd.s32 v26, v7;
	v7 =	vmul.f32 v55, v55  }
0x25a: {  	[tilespmem:s23+$0xCC60] =	vst v2;
	v2 =	vand.u32 $0x7, v18;
	v8 =	vmul.f32 v57, v57;
	v0 =	vadd.f32 v17, v16  }
0x25b: {  	v12 =	vld [tilespmem:s25+$0x4460];
	v58 =	vor.u32 v24, v2;
	v19 =	vmul.f32 v9, v9;
	v18 =	vmul.f32 v10, v10  }
0x25c: {  	v17 =	vld [tilespmem:s25+$0x4470];
	[tilespmem:$0x1FAF0] =	vst v10;
	v4 =	vadd.f32 v8, v4;
	v8 =	vperm.xlane v48, v58;
	v10 =	vmul.f32 v49, v49  }
0x25d: {  	v15 =	vld [tilespmem:s25+$0x4820];
	v2 =	vadd.f32 v19, v5;
	v5 =	vadd.f32 v18, v7;
	v7 =	vmul.f32 v50, v50  }
0x25e: {  	v16 =	vld [tilespmem:s25+$0x4830];
	v19 =	vmul.f32 v51, v51;
	v48 =	vpop (erf);
	v0 =	vadd.f32 v10, v0;
	v18 =	vmul.f32 v11, v11  }
0x25f: {  	v13 =	vld [tilespmem:s25+$0x4860];
	[tilespmem:$0x1FAE0] =	vst v9;
	v8 =	vmul.f32 v8, v48;
	v4 =	vadd.f32 v7, v4;
	v7 =	vmul.f32 v46, v46  }
0x260: {  	v14 =	vld [tilespmem:s25+$0x4870];
	v9 =	vmul.f32 v47, v47;
	[tilespmem:$0x1FB10] =	vst v12;
	v2 =	vadd.f32 v19, v2;
	v19 =	vmul.f32 v12, v12  }
0x261: {  	v12 =	vld [tilespmem:s25+$0x4C20];
	v5 =	vadd.f32 v18, v5;
	v18 =	vmul.f32 v17, v17;
	[tilespmem:s22+$0xCC70] =	vst v8;
	v0 =	vadd.f32 v7, v0  }
0x262: {  	[tilespmem:$0x1FB30] =	vst v15;
	v2 =	vadd.f32 v19, v2;
	v19 =	vmul.f32 v15, v15;
	v4 =	vadd.f32 v9, v4;
	v9 =	vld [tilespmem:s25+$0x4C30]  }
0x263: {  	[tilespmem:$0x1FB20] =	vst v17;
	v15 =	vmul.f32 v16, v16;
	v5 =	vadd.f32 v18, v5;
	v7 =	vld [tilespmem:s25+$0x4C60];
	v0 =	vadd.f32 v6, v0  }
0x264: {  	[tilespmem:$0x1FB40] =	vst v16;
	v17 =	vmul.f32 v13, v13;
	v16 =	vld [tilespmem:s25+$0x4C70];
	v2 =	vadd.f32 v19, v2;
	v3 =	vadd.f32 v3, v4  }
0x265: {  	v18 =	vmul.f32 v14, v14;
	v5 =	vadd.f32 v15, v5;
	v0 =	vadd.f32 v59, v0  }
0x266: {  	v19 =	vmul.f32 v12, v12;
	v2 =	vadd.f32 v17, v2;
	v1 =	vadd.f32 v1, v3  }
0x267: {  	v59 =	vadd.f32 v18, v5;
	v0 =	vadd.f32 v60, v0;
	v60 =	vmul.f32 v9, v9  }
0x268: {  	[tilespmem:$0x1FB00] =	vst v11;
	v2 =	vadd.f32 v19, v2;
	v10 =	vmul.f32 v7, v7  }
0x269: {  	[tilespmem:$0x1FB80] =	vst v9;
	v11 =	vmul.f32 v16, v16;
	v1 =	vadd.f32 v62, v1;
	v9 =	vadd.f32 v60, v59  }
0x26a: {  	v2 =	vadd.f32 v10, v2;
	v0 =	vadd.f32 v63, v0  }
0x26b: {  	v1 =	vadd.f32 v61, v1;
	v3 =	vadd.f32 v11, v9  }
0x26c: {  	v60 =	vld [tilespmem:$0x1FFD0]  }
0x26d: {  	[tilespmem:$0x1FB70] =	vst v12;
	v0 =	vadd.f32 v1, v0;
	v12 =	vadd.f32 v3, v2;
	_ =	sdelay $0x1  }
0x26e: {  	v0 =	vadd.f32 v12, v0  }
0x26f: {  	v59 =	vld [tilespmem:$0x1FFC0]  }
0x270: {  	v1 =	vperm.xlane v0, v60;
	_ =	sdelay $0x1  }
0x271: {  	v0 =	vadd.f32 v1, v0  }
0x272: {  	v28 =	vld [tilespmem:$0x1FFB0]  }
0x273: {  	[tilespmem:$0x1FB60] =	vst v14;
	v14 =	vld [tilespmem:$0x1FC70];
	v1 =	vperm.xlane v0, v59  }
0x274: {  	v15 =	vld [tilespmem:$0x1FC80]  }
0x275: {  	v0 =	vadd.f32 v1, v0;
	_ =	sdelay $0x1  }
0x276: {  	v17 =	vld [tilespmem:$0x1FCA0];
	v1 =	vperm.xlane v0, v28  }
0x277: {  	v18 =	vld [tilespmem:$0x1FCB0];
	v4 =	vperm.xlane v14, v58;
	v14 =	vperm.xlane v36, v58  }
0x278: {  	v19 =	vld [tilespmem:$0x1FCC0];
	v36 =	vperm.xlane v31, v58;
	v5 =	vperm.xlane v15, v58;
	v0 =	vadd.f32 v1, v0  }
0x279: {  	v10 =	vperm.xlane v35, v58;
	v15 =	vperm.xlane v38, v58;
	v61 =	vld [tilespmem:$0x1FC60]  }
0x27a: {  	v4 =	vmul.f32 v48, v4;
	v1 =	vperm.xlane v0, v27  }
0x27b: {  	[tilespmem:$0x1FB90] =	vst v7;
	v14 =	vmul.f32 v14, v48;
	v7 =	vperm.xlane v17, v58  }
0x27c: {  	v8 =	vperm.xlane v18, v58;
	v18 =	vperm.xlane v37, v58;
	v0 =	vadd.f32 v1, v0  }
0x27d: {  	v62 =	vmovc v16;
	v16 =	vld [tilespmem:$0x1FC90];
	v63 =	vnsel vm0, $0xBF800000, v52;
	v5 =	vmul.f32 v48, v5;
	v9 =	vperm.xlane v19, v58  }
0x27e: {  	v11 =	vperm.xlane v61, v58;
	v1 =	vshra.s32 v0, $0x1;
	v2 =	vmul.f32 $5.000000000e-01, v0  }
0x27f: {  	v61 =	vmul.f32 v48, v9;
	v12 =	vperm.xlane v34, v58;
	v1 =	vsub.s32 $0x5F3759DF, v1  }
0x280: {  	[tilespmem:$0x1FB50] =	vst v13;
	v34 =	vperm.xlane v63, v60;
	v13 =	vmul.f32 v1, v2  }
0x281: {  	v37 =	vmul.f32 v15, v48;
	[tilespmem:s22+$0xC060] =	vst v61;
	v61 =	vmul.f32 v18, v48  }
0x282: {  	v35 =	vld [tilespmem:$0x1FC50];
	v6 =	vperm.xlane v16, v58;
	v16 =	vmax.f32 v63, v34;
	v3 =	vmul.f32 v1, v13  }
0x283: {  	v19 =	vperm.xlane v29, v58;
	v22 =	vperm.xlane v16, v59;
	[tilespmem:s22+$0xC450] =	vst v61;
	v61 =	vld [tilespmem:$0x1FD70]  }
0x284: {  	v7 =	vmul.f32 v48, v7;
	v8 =	vmul.f32 v48, v8;
	v3 =	vsub.f32 $1.500000000e+00, v3  }
0x285: {  	[tilespmem:s22+$0xC010] =	vst v4;
	v6 =	vmul.f32 v48, v6;
	v38 =	vmax.f32 v16, v22;
	v13 =	vperm.xlane v39, v58  }
0x286: {  	[tilespmem:s22+$0xC820] =	vst v14;
	v39 =	vperm.xlane v38, v28;
	v1 =	vmul.f32 v1, v3  }
0x287: {  	v17 =	vperm.xlane v35, v58;
	[tilespmem:s22+$0xC030] =	vst v6;
	v6 =	vperm.xlane v30, v58  }
0x288: {  	[tilespmem:s22+$0xC020] =	vst v5;
	v5 =	vperm.xlane v61, v58;
	v4 =	vmax.f32 v38, v39;
	v2 =	vmul.f32 v1, v2  }
0x289: {  	[tilespmem:s22+$0xC430] =	vst v37;
	v6 =	vmul.f32 v6, v48;
	v16 =	vmul.f32 v11, v48;
	vm1 =	veq.f32 v63, v4  }
0x28a: {  	[tilespmem:s22+$0xC040] =	vst v7;
	v9 =	vmul.f32 v5, v48;
	v34 =	vnsel vm1, $0x10, v23;
	v2 =	vmul.f32 v2, v1  }
0x28b: {  	[tilespmem:s22+$0xC050] =	vst v8;
	v3 =	vperm.xlane v25, v58;
	v35 =	vperm.xlane v34, v60  }
0x28c: {  	[tilespmem:s22+$0xC800] =	vst v6;
	v38 =	vld [tilespmem:$0x1FCD0];
	v39 =	vmul.f32 v17, v48;
	v4 =	vperm.xlane v32, v58;
	v2 =	vsub.f32 $1.500000000e+00, v2  }
0x28d: {  	[tilespmem:s22+$0xC400] =	vst v16;
	v63 =	vmul.f32 v48, v10;
	v3 =	vmul.f32 v48, v3;
	vm1 =	vlt.s32 v34, v35  }
0x28e: {  	v18 =	vld [tilespmem:$0x1FD00];
	[tilespmem:s22+$0xCC60] =	vst v9;
	v32 =	vmul.f32 v12, v48;
	v1 =	vmul.f32 v2, v1;
	v2 =	vsel vm1, v34, v35  }
0x28f: {  	v12 =	vld [tilespmem:$0x1FCE0];
	[tilespmem:s22+$0xC000] =	vst v3;
	v3 =	vperm.xlane v33, v58;
	v11 =	vperm.xlane v2, v59  }
0x290: {  	v17 =	vmul.f32 v36, v48;
	[tilespmem:s22+$0xC070] =	vst v63;
	v63 =	vmul.f32 v19, v48  }
0x291: {  	v16 =	vld [tilespmem:$0x1FCF0];
	[tilespmem:s22+$0xC440] =	vst v39;
	v10 =	vperm.xlane v38, v58;
	v3 =	vmul.f32 v3, v48;
	vm1 =	vlt.s32 v2, v11  }
0x292: {  	[tilespmem:s22+$0xC410] =	vst v32;
	v33 =	vmul.f32 v13, v48;
	v35 =	vld [tilespmem:$0x1FD20];
	v0 =	vmul.f32 v1, v0;
	v1 =	vsel vm1, v2, v11  }
0x293: {  	v32 =	vld [tilespmem:$0x1FD10];
	[tilespmem:s22+$0xC470] =	vst v3;
	v3 =	vperm.xlane v18, v58;
	v15 =	vperm.xlane v1, v28  }
0x294: {  	v37 =	vld [tilespmem:$0x1FD40];
	[tilespmem:s22+$0xC830] =	vst v17;
	v7 =	vperm.xlane v12, v58;
	v13 =	vmul.f32 v4, v48;
	v0 =	vadd.f32 $9.999999970e-07, v0  }
0x295: {  	v36 =	vld [tilespmem:$0x1FD30];
	[tilespmem:s22+$0xC460] =	vst v63;
	v19 =	vmul.f32 v10, v48;
	v3 =	vmul.f32 v3, v48;
	vm1 =	vlt.s32 v1, v15  }
0x296: {  	v39 =	vld [tilespmem:$0x1FD60];
	[tilespmem:s22+$0xC420] =	vst v33;
	v2 =	vperm.xlane v16, v58;
	(erf) = vrcp.f32 v0;
	v0 =	vsel vm1, v1, v15  }
0x297: {  	v38 =	vld [tilespmem:$0x1FD50];
	[tilespmem:s22+$0xC810] =	vst v13;
	v4 =	vperm.xlane v35, v58;
	v34 =	vperm.xlane v0, v27  }
0x298: {  	[tilespmem:s22+$0xC840] =	vst v19;
	v2 =	vmul.f32 v2, v48;
	v1 =	vperm.xlane v32, v58  }
0x299: {  	v33 =	vmul.f32 v7, v48;
	[tilespmem:s22+$0xC870] =	vst v3;
	v4 =	vmul.f32 v4, v48;
	vm1 =	vlt.s32 v0, v34  }
0x29a: {  	v3 =	vperm.xlane v37, v58;
	[tilespmem:s22+$0xC860] =	vst v2;
	v1 =	vmul.f32 v1, v48;
	v0 =	vsel vm1, v0, v34  }
0x29b: {  	v2 =	vperm.xlane v36, v58;
	[tilespmem:s22+$0xCC10] =	vst v4;
	v4 =	vperm.xlane v39, v58;
	v0 =	vadd.s32 v26, v0  }
0x29c: {  	v3 =	vmul.f32 v3, v48;
	[tilespmem:s22+$0xCC00] =	vst v1;
	v1 =	vperm.xlane v38, v58;
	v0 =	vand.u32 $0x7, v0  }
0x29d: {  	[tilespmem:s22+$0xC850] =	vst v33;
	v2 =	vmul.f32 v2, v48;
	v63 =	vmul.f32 v4, v48;
	v0 =	vor.u32 v24, v0  }
0x29e: {  	[tilespmem:s22+$0xCC30] =	vst v3;
	v1 =	vmul.f32 v1, v48;
	v8 =	vperm.xlane v62, v0  }
0x29f: {  	[tilespmem:s22+$0xCC20] =	vst v2;
	v10 =	vpop (erf);
	v11 =	vperm.xlane v52, v0;
	v13 =	vperm.xlane v53, v0  }
0x2a0: {  	[tilespmem:s22+$0xCC50] =	vst v63;
	v14 =	vperm.xlane v54, v0;
	v12 =	vmul.f32 v8, v10  }
0x2a1: {  	[tilespmem:s22+$0xCC40] =	vst v1;
	v15 =	vperm.xlane v55, v0;
	v5 =	vmul.f32 v10, v11  }
0x2a2: {  	v18 =	vld [tilespmem:$0x1FAE0];
	v17 =	vperm.xlane v57, v0;
	v3 =	vmul.f32 v10, v13;
	[tilespmem:s25+$0xCC70] =	vst v12  }
0x2a3: {  	v19 =	vld [tilespmem:$0x1FAF0];
	v57 =	vperm.xlane v20, v0;
	v4 =	vmul.f32 v10, v14;
	[tilespmem:s25+$0xC000] =	vst v5  }
0x2a4: {  	v58 =	vperm.xlane v21, v0;
	v2 =	vmul.f32 v10, v15;
	[tilespmem:s25+$0xC010] =	vst v3  }
0x2a5: {  	v16 =	vperm.xlane v56, v0;
	v62 =	vmul.f32 v57, v10;
	[tilespmem:s25+$0xC020] =	vst v4  }
0x2a6: {  	v63 =	vmul.f32 v58, v10;
	[tilespmem:s25+$0xC030] =	vst v2  }
0x2a7: {  	v35 =	vld [tilespmem:$0x1FB00];
	v4 =	vperm.xlane v18, v0;
	v5 =	vmul.f32 v10, v16;
	[tilespmem:s25+$0xCC40] =	vst v62  }
0x2a8: {  	v2 =	vperm.xlane v19, v0;
	v3 =	vmul.f32 v10, v17;
	[tilespmem:s25+$0xCC50] =	vst v63  }
0x2a9: {  	v32 =	vperm.xlane v49, v0;
	[tilespmem:s25+$0xC040] =	vst v5;
	v4 =	vmul.f32 v10, v4  }
0x2aa: {  	v38 =	vld [tilespmem:$0x1FB10];
	v33 =	vperm.xlane v50, v0;
	[tilespmem:s25+$0xC050] =	vst v3;
	v2 =	vmul.f32 v10, v2  }
0x2ab: {  	v39 =	vld [tilespmem:$0x1FB20];
	v34 =	vperm.xlane v51, v0;
	v5 =	vmul.f32 v32, v10;
	[tilespmem:s25+$0xC060] =	vst v4  }
0x2ac: {  	v3 =	vmul.f32 v33, v10;
	[tilespmem:s25+$0xC070] =	vst v2;
	v2 =	vperm.xlane v35, v0  }
0x2ad: {  	v36 =	vperm.xlane v46, v0;
	[tilespmem:s25+$0xC400] =	vst v5;
	v4 =	vmul.f32 v34, v10  }
0x2ae: {  	v37 =	vperm.xlane v47, v0;
	v47 =	vld [tilespmem:$0x1FB30];
	[tilespmem:s25+$0xC410] =	vst v3;
	v2 =	vmul.f32 v2, v10  }
0x2af: {  	v48 =	vld [tilespmem:$0x1FB40];
	v5 =	vmul.f32 v36, v10;
	[tilespmem:s25+$0xC420] =	vst v4;
	v4 =	vperm.xlane v38, v0  }
0x2b0: {  	v3 =	vmul.f32 v37, v10;
	[tilespmem:s25+$0xC430] =	vst v2;
	v2 =	vperm.xlane v39, v0  }
0x2b1: {  	v44 =	vperm.xlane v44, v0;
	[tilespmem:s25+$0xC440] =	vst v5;
	v4 =	vmul.f32 v4, v10  }
0x2b2: {  	v46 =	vperm.xlane v45, v0;
	v51 =	vld [tilespmem:$0x1FB50];
	[tilespmem:s25+$0xC450] =	vst v3;
	v2 =	vmul.f32 v2, v10  }
0x2b3: {  	v52 =	vld [tilespmem:$0x1FB60];
	v5 =	vmul.f32 v44, v10;
	[tilespmem:s25+$0xC460] =	vst v4;
	v4 =	vperm.xlane v47, v0  }
0x2b4: {  	v3 =	vmul.f32 v46, v10;
	[tilespmem:s25+$0xC470] =	vst v2;
	v2 =	vperm.xlane v48, v0  }
0x2b5: {  	v49 =	vperm.xlane v43, v0;
	[tilespmem:s25+$0xC800] =	vst v5;
	v4 =	vmul.f32 v4, v10  }
0x2b6: {  	v50 =	vperm.xlane v42, v0;
	v55 =	vld [tilespmem:$0x1FB70];
	[tilespmem:s25+$0xC810] =	vst v3;
	v2 =	vmul.f32 v2, v10  }
0x2b7: {  	v56 =	vld [tilespmem:$0x1FB80];
	v5 =	vmul.f32 v49, v10;
	[tilespmem:s25+$0xC820] =	vst v4;
	v4 =	vperm.xlane v51, v0  }
0x2b8: {  	v61 =	vld [tilespmem:$0x1FB90];
	v3 =	vmul.f32 v50, v10;
	[tilespmem:s25+$0xC830] =	vst v2;
	v2 =	vperm.xlane v52, v0  }
0x2b9: {  	v53 =	vperm.xlane v40, v0;
	[tilespmem:s25+$0xC840] =	vst v5;
	v4 =	vmul.f32 v4, v10  }
0x2ba: {  	v54 =	vperm.xlane v41, v0;
	[tilespmem:s25+$0xC850] =	vst v3;
	v2 =	vmul.f32 v2, v10  }
0x2bb: {  	v5 =	vmul.f32 v53, v10;
	[tilespmem:s25+$0xC860] =	vst v4;
	v4 =	vperm.xlane v55, v0  }
0x2bc: {  	v3 =	vmul.f32 v54, v10;
	[tilespmem:s25+$0xC870] =	vst v2;
	v2 =	vperm.xlane v56, v0  }
0x2bd: {  	[tilespmem:s25+$0xCC00] =	vst v5;
	v4 =	vmul.f32 v4, v10;
	v0 =	vperm.xlane v61, v0  }
0x2be: {  	[tilespmem:s25+$0xCC10] =	vst v3;
	v2 =	vmul.f32 v2, v10  }
0x2bf: {  	s21 =	sadd.s32 @!p0 s21, s10;
	[tilespmem:s25+$0xCC20] =	vst v4;
	v0 =	vmul.f32 v0, v10  }
0x2c0: {  	s20 =	sadd.s32 $0x1, s20;
	s21 =	sshll.u32 @!p0 s21, $0x6;
	[tilespmem:s25+$0xCC30] =	vst v2  }
0x2c1: {  	s21 =	sadd.s32 @!p0 s1, s21;
	s23 =	simm.s32 @!p0 $0x4000;
	s22 =	simm.s32 @!p0 $0x0;
	[tilespmem:s25+$0xCC60] =	vst v0  }
0x2c2: {  	[tilespmem:s23], [sflag:$0x2] =	stream.linear.gather @!p0 [hbm4b:s21+s22], $0x4000, $0x38;
	[tilespmem:$0x10000] =	vst v63  }
0x2c3: {  	p0 =	sne.s32 s20, $0x10  }
.Ltmp2:
0x2c4: {  	_ = 	snop;
	(pc) =	sbr.rel @p0 .LBB2_2-.Ltmp2, $4  }
0x2c5: {  	_ = 	snop  }
0x2c6: {  	s31 =	sshll.u32 s24, $0x6  }
0x2c7: {  	s21 =	sadd.s32 s3, s31  }
0x2c8: {  	v29 =	vmov v28;
	v25 =	vmov v59;
	[hbm4b:s21+s5] =	stream.linear.scatter [tilespmem:s16], [sflag:$0x4], $0x4000, $0x38;
	[tilespmem:$0x10000] =	vst v63  }
0x2c9: {  	s19 =	sadd.s32 $0x1, s19  }
0x2ca: {  	_ =	swait.ge [sflag:s17], $0x4000;
	p0 =	sne.s32 s19, s11  }
.Ltmp3:
0x2cb: {  	[sflag:s17] =	ssyncset.done $0x0;
	(pc) =	sbr.rel @p0 .LBB2_1-.Ltmp3, $4  }
0x2cc: {  	[sflag:s17] =	ssyncadd.s32 $0xFFFFC000  }
0x2cd: {  	_ =	swait.ge [sflag:s18], $0x4000  }
0x2ce: {  	[sflag:s18] =	ssyncset.done $0x0  }
0x2cf: {  	[sflag:s18] =	ssyncadd.s32 $0xFFFFC000  }
0x2d0: {  	_ =	sfence.sel $0x180000  }
0x2d1: {  	[bflag:$0x0] =	sbarrier.arrive $0xFFFF  }
0x2d2: {  	p0 =	sne.s32 s0, $0x0;
	_ =	strace $0x90000047  }
0x2d3: {  	s0 =	sadd.s32 @!p0 $0x100000, s2;
	[bflag:$0x2] =	sbarrier.arrive $0xFFFF  }
0x2d4: {  	[sflag:s0] =	ssyncadd.tile.s32 @!p0 $0x1;
	_ =	shalt  }
.Lfunc_end2:
_tile_overlayer_lowered:
.L_overlay_start_2:
0x2d5: {  	(tag) =	ssettag $0x2  }
0x2d6: {  	s0 =	rddreg [dreg:$0x0];
	s2 =	stileid.u32  }
0x2d7: {  	s1 =	rddreg [dreg:$0x1];
	p0 =	sne.s32 s2, $0x0  }
0x2d8: {  	s3 =	rddreg [dreg:$0x2];
	[bflag:$0x3] =	sbarrier.arrive $0xFFFF;
	s2 =	simm.s32 @!p0 $0x1C05  }
0x2d9: {  	[timem:s3], [sflag:s2] =	dma.local @!p0 [hbm:s0], s1  }
0x2da: {  	s0 =	simm.s32 @!p0 $0x5  }
0x2db: {  	_ =	swait.ge @!p0 [sflag:s0], s1  }
0x2dc: {  	s1 =	ssub.s32 @!p0 $0x0, s1;
	[sflag:s0] =	ssyncset.done @!p0 $0x0  }
0x2dd: {  	[sflag:s0] =	ssyncadd.s32 @!p0 s1  }
0x2de: {  	[bflag:$0x3] =	sbarrier.arrive $0xFFFF  }
0x2df: {  	_ =	shalt  }

</sc_bundles>
